<compile_context>
chip_gen: v7x
topology: tpu7x:2x2x1
jax: 0.10.2.dev20260603
libtpu: 0.0.44.dev20260713+nightly
codegen_flags: <defaults>
</compile_context>

<pallas_src>
import functools

import jax
import jax.numpy as jnp
from jax import lax
from jax.experimental import pallas as pl
from jax.experimental.pallas import tpu as pltpu
from jax.experimental.pallas import tpu_sc as plsc

_INF_BITS = 0x7F800001


def _phase1_body(cp_ref, t0r_ref, m4_ref, lp_ref, lt_ref, ncl_ref, st_ref):
    x = cp_ref[0].astype(jnp.float32)
    d = x - x[0:1, :]
    e = jnp.exp(d)
    s = jnp.sum(e, axis=0, keepdims=True)
    ncl = jnp.log(s)
    posr = t0r_ref[0] == 1
    ncl_ref[0] = jnp.where(posr, -0.0, ncl)

    m4 = m4_ref[0].astype(jnp.float32)
    dd = lp_ref[0] - lt_ref[0]
    ad = jnp.abs(dd)
    sl1 = jnp.where(ad < 1.0, 0.5 * dd * dd, ad - 0.5)
    locp = jnp.sum(sl1 * m4)

    lane = jax.lax.broadcasted_iota(jnp.int32, (1, 1, 128), 2)
    st_ref[...] = jnp.where(lane == 0, locp, 0.0)


def _phase2_body(p_total, ncl_ref, st_ref, out_ref):
    v = ncl_ref[...]
    bsz = v.shape[0]
    loc_loss = jnp.sum(st_ref[:, 0:1])
    vbits = jax.lax.bitcast_convert_type(v, jnp.int32)
    npos = jnp.sum((vbits < 0).astype(jnp.int32), axis=1, keepdims=True)
    ki = 3 * npos
    kf = ki.astype(jnp.float32)
    s_total = jnp.sum(v, axis=1, keepdims=True)

    def search(_):
        lo = jnp.zeros((bsz, 1), jnp.int32)
        hi = jnp.full((bsz, 1), _INF_BITS, jnp.int32)

        def body(_, carry):
            lo, hi = carry
            mid = lo + (hi - lo) // 2
            t = jax.lax.bitcast_convert_type(mid, jnp.float32)
            cnt_ge = jnp.sum((v >= t).astype(jnp.int32), axis=1, keepdims=True)
            ok = cnt_ge >= ki
            return jnp.where(ok, mid, lo), jnp.where(ok, hi, mid)

        lo, hi = jax.lax.fori_loop(0, 31, body, (lo, hi))
        t = jax.lax.bitcast_convert_type(lo, jnp.float32)
        gt = v > t
        cnt_gt = jnp.sum(gt.astype(jnp.float32), axis=1, keepdims=True)
        s_gt = jnp.sum(jnp.where(gt, v, 0.0), axis=1, keepdims=True)
        return s_gt + t * (kf - cnt_gt)

    need_search = jnp.any((ki > 0) & (ki < p_total))
    s_sel = jax.lax.cond(need_search, search, lambda _: s_total, None)
    s_row = jnp.where(ki <= 0, 0.0, jnp.where(ki >= p_total, s_total, s_sel))
    out_ref[...] = jnp.zeros((8, 128), jnp.float32) + (jnp.sum(s_row) + loc_loss)


def _make_sc_topk(bsz, p):
    nw = 32
    rows_per_w = bsz // nw
    nv = p // 16
    inner = 10
    outer = nv // inner

    @functools.partial(
        pl.kernel,
        mesh=plsc.VectorSubcoreMesh(core_axis_name="c", subcore_axis_name="s"),
        out_type=jax.ShapeDtypeStruct((bsz, 16), jnp.float32),
        scratch_types=[pltpu.VMEM((p,), jnp.float32),
                       pltpu.VMEM((16,), jnp.float32)],
    )
    def sc_topk(ncl_hbm, out_hbm, row_v, out_v):
        wid = lax.axis_index("s") * 2 + lax.axis_index("c")
        for r in range(rows_per_w):
            row = wid * rows_per_w + r
            pltpu.sync_copy(ncl_hbm.at[row], row_v)

            def pass_a(i, carry):
                tot, npos = carry
                for j in range(inner):
                    v = row_v[pl.ds((i * inner + j) * 16, 16)]
                    bits = lax.bitcast_convert_type(v, jnp.int32)
                    tot = tot + v
                    npos = npos + jnp.where(
                        bits < 0, jnp.ones((16,), jnp.int32),
                        jnp.zeros((16,), jnp.int32))
                return tot, npos

            tot_v, npos_v = lax.fori_loop(
                0, outer, pass_a,
                (jnp.zeros((16,), jnp.float32), jnp.zeros((16,), jnp.int32)))
            npos_s = npos_v[0]
            for j in range(1, 16):
                npos_s = npos_s + npos_v[j]
            ki = 3 * npos_s
            kf = ki.astype(jnp.float32)

            def search():
                def step(_, carry):
                    lo, hi = carry
                    mid = lo + lax.shift_right_arithmetic(
                        hi - lo, jnp.ones((16,), jnp.int32))
                    t = lax.bitcast_convert_type(mid, jnp.float32)

                    def body(i, acc):
                        for j in range(inner):
                            v = row_v[pl.ds((i * inner + j) * 16, 16)]
                            acc = acc + jnp.where(
                                v >= t, jnp.ones((16,), jnp.int32),
                                jnp.zeros((16,), jnp.int32))
                        return acc

                    cnt_v = lax.fori_loop(0, outer, body,
                                          jnp.zeros((16,), jnp.int32))
                    cnt_s = cnt_v[0]
                    for j in range(1, 16):
                        cnt_s = cnt_s + cnt_v[j]
                    okv = lax.broadcast_in_dim(
                        (cnt_s >= ki).astype(jnp.int32), (16,), ())
                    return lo + (mid - lo) * okv, mid + (hi - mid) * okv

                lo, _ = lax.fori_loop(
                    0, 31, step,
                    (jnp.zeros((16,), jnp.int32),
                     jnp.full((16,), _INF_BITS, jnp.int32)))
                t = lax.bitcast_convert_type(lo, jnp.float32)

                def tail(i, carry):
                    sgt, cgt = carry
                    for j in range(inner):
                        v = row_v[pl.ds((i * inner + j) * 16, 16)]
                        gt = v > t
                        sgt = sgt + jnp.where(gt, v,
                                               jnp.zeros((16,), jnp.float32))
                        cgt = cgt + jnp.where(
                            gt, jnp.ones((16,), jnp.int32),
                            jnp.zeros((16,), jnp.int32))
                    return sgt, cgt

                sgt_v, cgt_v = lax.fori_loop(
                    0, outer, tail,
                    (jnp.zeros((16,), jnp.float32), jnp.zeros((16,), jnp.int32)))
                cg_s = cgt_v[0]
                for j in range(1, 16):
                    cg_s = cg_s + cgt_v[j]
                corr = (kf - cg_s.astype(jnp.float32)) * (1.0 / 16.0)
                return sgt_v + t * lax.broadcast_in_dim(corr, (16,), ())

            need = (ki > 0) & (ki < p)
            gate = jnp.where(ki > 0, 1.0, 0.0).astype(jnp.float32)

            @pl.when(jnp.logical_not(need))
            def _():
                out_v[...] = tot_v * lax.broadcast_in_dim(gate, (16,), ())

            @pl.when(need)
            def _():
                out_v[...] = search()

            pltpu.sync_copy(out_v, out_hbm.at[row])

    return sc_topk


def kernel(loc_preds, cls_preds, loc_targets, cls_targets):
    bsz, p, c = cls_preds.shape
    ga = p // 32

    cp_t = jnp.transpose(cls_preds.astype(jnp.bfloat16), (0, 2, 1))
    notbg = (cls_targets[:, :, 0] != 1).astype(jnp.int8)
    tgt0_row = notbg.reshape(bsz, 1, p)
    mask4 = jnp.repeat(notbg, 4, axis=1).reshape(bsz, ga, 128)
    lp = loc_preds.reshape(bsz, ga, 128)
    lt = loc_targets.reshape(bsz, ga, 128)

    ncl, stats = pl.pallas_call(
        _phase1_body,
        grid=(bsz,),
        in_specs=[
            pl.BlockSpec((1, c, p), lambda b: (b, 0, 0)),
            pl.BlockSpec((1, 1, p), lambda b: (b, 0, 0)),
            pl.BlockSpec((1, ga, 128), lambda b: (b, 0, 0)),
            pl.BlockSpec((1, ga, 128), lambda b: (b, 0, 0)),
            pl.BlockSpec((1, ga, 128), lambda b: (b, 0, 0)),
        ],
        out_specs=[
            pl.BlockSpec((1, 1, p), lambda b: (b, 0, 0)),
            pl.BlockSpec((1, 1, 128), lambda b: (b, 0, 0)),
        ],
        out_shape=[
            jax.ShapeDtypeStruct((bsz, 1, p), jnp.float32),
            jax.ShapeDtypeStruct((bsz, 1, 128), jnp.float32),
        ],
    )(cp_t, tgt0_row, mask4, lp, lt)

    sc_out = _make_sc_topk(bsz, p)(ncl.reshape(bsz, p))
    return jnp.sum(sc_out) + jnp.sum(stats.reshape(bsz, 128)[:, 0])

# --- scband reference (transcript-rebuilt; emitter-appended) ---
"""Pipeline reference for scband-multi-box-loss-5918464934649 (READ-ONLY COPY).

The authoritative reference and input builder live on the scoring server;
editing this copy changes nothing except your own understanding.
"""

import jax, jax.numpy as jnp
import numpy as np

B, P, C = 64, 20000, 21
NEG_POS_RATIO = 3

def setup_inputs(seed: int = 0):
    key = jax.random.key(seed)
    k1, k2, k3, k4 = jax.random.split(key, 4)
    loc_preds = jax.random.normal(k1, (B, P, 4), dtype=jnp.float32)
    cls_preds = jax.random.normal(k2, (B, P, C), dtype=jnp.float32)
    loc_targets = jax.random.normal(k3, (B, P, 4), dtype=jnp.float32)
    cls_targets = jax.random.randint(k4, (B, P, C), 0, 2)
    return {"loc_preds": loc_preds, "cls_preds": cls_preds,
            "loc_targets": loc_targets, "cls_targets": cls_targets}

def _smooth_l1_sum(pred, target, mask):
    diff = pred - target
    ad = jnp.abs(diff)
    sl1 = jnp.where(ad < 1.0, 0.5 * diff * diff, ad - 0.5)
    return jnp.sum(sl1 * mask[:, :, None].astype(sl1.dtype))

def reference(loc_preds, cls_preds, loc_targets, cls_targets):
    not_background = cls_targets[:, :, 0] != 1
    # localization smooth-L1 over positive (non-background) anchors, reduction='sum'
    loc_loss = _smooth_l1_sum(loc_preds, loc_targets, not_background)
    num_pos = jnp.sum(not_background.astype(jnp.int32), axis=1, keepdims=True)
    max_neg = NEG_POS_RATIO * num_pos  # [B,1]
    Bn, Pn = cls_preds.shape[0], cls_preds.shape[1]
    # negative-class confidence loss: -log softmax(cls_preds)[..., 0]
    neg_conf_loss = -jax.nn.log_softmax(cls_preds, axis=2)[:, :, 0]
    neg_conf_loss = jnp.where(not_background, 0.0, neg_conf_loss)
    # sort descending, keep top max_neg per row (hard negative mining)
    neg_indices = jnp.argsort(-neg_conf_loss, axis=1)  # [B,P]
    rank_keep = jnp.arange(Pn)[None, :] < max_neg       # [B,P] bool
    neg_keep = jnp.zeros((Bn, Pn), dtype=bool)
    neg_keep = neg_keep.at[jnp.arange(Bn)[:, None], neg_indices].set(rank_keep)
    hard_neg_loss = jnp.sum(neg_conf_loss * neg_keep.astype(neg_conf_loss.dtype))
    return loc_loss + hard_neg_loss

if __name__ == "__main__":
    import jax
    _d = setup_inputs()
    print(jax.jit(kernel)(*tuple(_d.values())))

</pallas_src>

<mosaic_0001>
#map = affine_map<(d0, d1) -> (0, 0)>
module attributes {stable_mosaic.version = 14 : i64} {
  func.func @sc_topk(%arg0: i32, %arg1: i32, %arg2: memref<64x20000xf32, #tpu.memory_space<hbm>>, %arg3: memref<64x16xf32, #tpu.memory_space<hbm>>, %arg4: memref<20000xf32, #tpu.memory_space<vmem>>, %arg5: memref<16xf32, #tpu.memory_space<vmem>>) attributes {dimension_semantics = [#tpu.dimension_semantics<core_parallel>, #tpu.dimension_semantics<subcore_parallel>], iteration_bounds = array<i64: 2, 16>, scalar_prefetch = 0 : i64, scratch_operands = 2 : i64, tpu.core_type = #tpu.core_type<sc_vector_subcore>, window_params = [{transform_indices = #map}, {transform_indices = #map}]} {
    %mul3A = arith.constant 2 : i32
    %mul3A_0 = arith.muli %arg1, %mul3A : i32
    %add3A = arith.addi %mul3A_0, %arg0 : i32
    %mul3A_1 = arith.constant 2 : i32
    %mul3A_2 = arith.muli %add3A, %mul3A_1 : i32
    %add3A_3 = arith.constant 0 : i32
    %add3A_4 = arith.addi %mul3A_2, %add3A_3 : i32
    "tpu.region"() ({
      %run_scoped3A = tpu.sem_alloc : memref<!tpu.dma_semaphore, #tpu.memory_space<semaphore_mem>>
      %dma_start3A = arith.constant 0 : i32
      %dma_start3A_153 = tpu.memref_slice %arg2[%add3A_4, %dma_start3A] : memref<64x20000xf32, #tpu.memory_space<hbm>> -> memref<1x20000xf32, #tpu.memory_space<hbm>>
      %dma_start3A_154 = tpu.memref_squeeze %dma_start3A_153 : memref<1x20000xf32, #tpu.memory_space<hbm>> -> memref<20000xf32, #tpu.memory_space<hbm>>
      %dma_start3A_155 = arith.constant 0 : i32
      %dma_start3A_156 = tpu.memref_slice %arg2[%add3A_4, %dma_start3A_155] : memref<64x20000xf32, #tpu.memory_space<hbm>> -> memref<1x20000xf32, #tpu.memory_space<hbm>>
      %dma_start3A_157 = tpu.memref_squeeze %dma_start3A_156 : memref<1x20000xf32, #tpu.memory_space<hbm>> -> memref<20000xf32, #tpu.memory_space<hbm>>
      tpu.enqueue_dma source(%dma_start3A_157 : memref<20000xf32, #tpu.memory_space<hbm>>) target(%arg4 : memref<20000xf32, #tpu.memory_space<vmem>>) target_semaphore(%run_scoped3A : memref<!tpu.dma_semaphore, #tpu.memory_space<semaphore_mem>>)
      %dma_wait3A = arith.constant 0 : i32
      %dma_wait3A_158 = tpu.memref_slice %arg2[%add3A_4, %dma_wait3A] : memref<64x20000xf32, #tpu.memory_space<hbm>> -> memref<1x20000xf32, #tpu.memory_space<hbm>>
      %dma_wait3A_159 = tpu.memref_squeeze %dma_wait3A_158 : memref<1x20000xf32, #tpu.memory_space<hbm>> -> memref<20000xf32, #tpu.memory_space<hbm>>
      %dma_wait3A_160 = arith.constant 0 : i32
      %dma_wait3A_161 = tpu.memref_slice %arg2[%add3A_4, %dma_wait3A_160] : memref<64x20000xf32, #tpu.memory_space<hbm>> -> memref<1x20000xf32, #tpu.memory_space<hbm>>
      %dma_wait3A_162 = tpu.memref_squeeze %dma_wait3A_161 : memref<1x20000xf32, #tpu.memory_space<hbm>> -> memref<20000xf32, #tpu.memory_space<hbm>>
      tpu.wait_dma2 semaphore(%run_scoped3A : memref<!tpu.dma_semaphore, #tpu.memory_space<semaphore_mem>>) src(%dma_wait3A_162 : memref<20000xf32, #tpu.memory_space<hbm>>) dst(%arg4 : memref<20000xf32, #tpu.memory_space<vmem>>)
      tpu.yield
    }) : () -> ()
    %broadcast_in_dim3A = arith.constant 0.000000e+00 : f32
    %broadcast_in_dim3A_5 = vector.broadcast %broadcast_in_dim3A : f32 to vector<16xf32>
    %broadcast_in_dim3A_6 = arith.constant 0 : i32
    %broadcast_in_dim3A_7 = vector.broadcast %broadcast_in_dim3A_6 : i32 to vector<16xi32>
    %scan3A = arith.constant 0 : i32
    %scan3A_8 = arith.constant 125 : i32
    %scan3A_9 = arith.addi %scan3A, %scan3A_8 : i32
    %scan3A_10 = arith.constant 1 : i32
    %scan3A_11:2 = scf.for %scan3A_153 = %scan3A to %scan3A_9 step %scan3A_10 iter_args(%scan3A_154 = %broadcast_in_dim3A_5, %scan3A_155 = %broadcast_in_dim3A_7) -> (vector<16xf32>, vector<16xi32>)  : i32 {
      %mul3A_156 = arith.constant 10 : i32
      %mul3A_157 = arith.muli %scan3A_153, %mul3A_156 : i32
      %add3A_158 = arith.constant 0 : i32
      %add3A_159 = arith.addi %mul3A_157, %add3A_158 : i32
      %mul3A_160 = arith.constant 16 : i32
      %mul3A_161 = arith.muli %add3A_159, %mul3A_160 : i32
      %get3A = arith.index_cast %mul3A_161 : i32 to index
      %get3A_162 = tpu.vector_load %arg4[%get3A] {strides = array<i32>} : memref<20000xf32, #tpu.memory_space<vmem>>, vector<16xf32>,
      %get3A_163 = vector.shape_cast %get3A_162 : vector<16xf32> to vector<16xf32>
      %bitcast_convert_type3A = tpu.bitcast %get3A_163 : vector<16xf32> -> vector<16xi32>
      %add3A_164 = arith.addf %scan3A_154, %get3A_163 : vector<16xf32>
      %lt3A_165 = arith.constant 0 : i32
      %lt3A_166 = vector.broadcast %lt3A_165 : i32 to vector<16xi32>
      %lt3A_167 = arith.cmpi slt, %bitcast_convert_type3A, %lt3A_166 : vector<16xi32>
      %broadcast_in_dim3A_168 = arith.constant 1 : i32
      %broadcast_in_dim3A_169 = vector.broadcast %broadcast_in_dim3A_168 : i32 to vector<16xi32>
      %broadcast_in_dim3A_170 = arith.constant 0 : i32
      %broadcast_in_dim3A_171 = vector.broadcast %broadcast_in_dim3A_170 : i32 to vector<16xi32>
      %select_n3A_172 = arith.select %lt3A_167, %broadcast_in_dim3A_169, %broadcast_in_dim3A_171 : vector<16xi1>, vector<16xi32>
      %add3A_173 = arith.addi %scan3A_155, %select_n3A_172 : vector<16xi32>
      %mul3A_174 = arith.constant 10 : i32
      %mul3A_175 = arith.muli %scan3A_153, %mul3A_174 : i32
      %add3A_176 = arith.constant 1 : i32
      %add3A_177 = arith.addi %mul3A_175, %add3A_176 : i32
      %mul3A_178 = arith.constant 16 : i32
      %mul3A_179 = arith.muli %add3A_177, %mul3A_178 : i32
      %get3A_180 = arith.index_cast %mul3A_179 : i32 to index
      %get3A_181 = tpu.vector_load %arg4[%get3A_180] {strides = array<i32>} : memref<20000xf32, #tpu.memory_space<vmem>>, vector<16xf32>,
      %get3A_182 = vector.shape_cast %get3A_181 : vector<16xf32> to vector<16xf32>
      %bitcast_convert_type3A_183 = tpu.bitcast %get3A_182 : vector<16xf32> -> vector<16xi32>
      %add3A_184 = arith.addf %add3A_164, %get3A_182 : vector<16xf32>
      %lt3A_185 = arith.constant 0 : i32
      %lt3A_186 = vector.broadcast %lt3A_185 : i32 to vector<16xi32>
      %lt3A_187 = arith.cmpi slt, %bitcast_convert_type3A_183, %lt3A_186 : vector<16xi32>
      %broadcast_in_dim3A_188 = arith.constant 1 : i32
      %broadcast_in_dim3A_189 = vector.broadcast %broadcast_in_dim3A_188 : i32 to vector<16xi32>
      %broadcast_in_dim3A_190 = arith.constant 0 : i32
      %broadcast_in_dim3A_191 = vector.broadcast %broadcast_in_dim3A_190 : i32 to vector<16xi32>
      %select_n3A_192 = arith.select %lt3A_187, %broadcast_in_dim3A_189, %broadcast_in_dim3A_191 : vector<16xi1>, vector<16xi32>
      %add3A_193 = arith.addi %add3A_173, %select_n3A_192 : vector<16xi32>
      %mul3A_194 = arith.constant 10 : i32
      %mul3A_195 = arith.muli %scan3A_153, %mul3A_194 : i32
      %add3A_196 = arith.constant 2 : i32
      %add3A_197 = arith.addi %mul3A_195, %add3A_196 : i32
      %mul3A_198 = arith.constant 16 : i32
      %mul3A_199 = arith.muli %add3A_197, %mul3A_198 : i32
      %get3A_200 = arith.index_cast %mul3A_199 : i32 to index
      %get3A_201 = tpu.vector_load %arg4[%get3A_200] {strides = array<i32>} : memref<20000xf32, #tpu.memory_space<vmem>>, vector<16xf32>,
      %get3A_202 = vector.shape_cast %get3A_201 : vector<16xf32> to vector<16xf32>
      %bitcast_convert_type3A_203 = tpu.bitcast %get3A_202 : vector<16xf32> -> vector<16xi32>
      %add3A_204 = arith.addf %add3A_184, %get3A_202 : vector<16xf32>
      %lt3A_205 = arith.constant 0 : i32
      %lt3A_206 = vector.broadcast %lt3A_205 : i32 to vector<16xi32>
      %lt3A_207 = arith.cmpi slt, %bitcast_convert_type3A_203, %lt3A_206 : vector<16xi32>
      %broadcast_in_dim3A_208 = arith.constant 1 : i32
      %broadcast_in_dim3A_209 = vector.broadcast %broadcast_in_dim3A_208 : i32 to vector<16xi32>
      %broadcast_in_dim3A_210 = arith.constant 0 : i32
      %broadcast_in_dim3A_211 = vector.broadcast %broadcast_in_dim3A_210 : i32 to vector<16xi32>
      %select_n3A_212 = arith.select %lt3A_207, %broadcast_in_dim3A_209, %broadcast_in_dim3A_211 : vector<16xi1>, vector<16xi32>
      %add3A_213 = arith.addi %add3A_193, %select_n3A_212 : vector<16xi32>
      %mul3A_214 = arith.constant 10 : i32
      %mul3A_215 = arith.muli %scan3A_153, %mul3A_214 : i32
      %add3A_216 = arith.constant 3 : i32
      %add3A_217 = arith.addi %mul3A_215, %add3A_216 : i32
      %mul3A_218 = arith.constant 16 : i32
      %mul3A_219 = arith.muli %add3A_217, %mul3A_218 : i32
      %get3A_220 = arith.index_cast %mul3A_219 : i32 to index
      %get3A_221 = tpu.vector_load %arg4[%get3A_220] {strides = array<i32>} : memref<20000xf32, #tpu.memory_space<vmem>>, vector<16xf32>,
      %get3A_222 = vector.shape_cast %get3A_221 : vector<16xf32> to vector<16xf32>
      %bitcast_convert_type3A_223 = tpu.bitcast %get3A_222 : vector<16xf32> -> vector<16xi32>
      %add3A_224 = arith.addf %add3A_204, %get3A_222 : vector<16xf32>
      %lt3A_225 = arith.constant 0 : i32
      %lt3A_226 = vector.broadcast %lt3A_225 : i32 to vector<16xi32>
      %lt3A_227 = arith.cmpi slt, %bitcast_convert_type3A_223, %lt3A_226 : vector<16xi32>
      %broadcast_in_dim3A_228 = arith.constant 1 : i32
      %broadcast_in_dim3A_229 = vector.broadcast %broadcast_in_dim3A_228 : i32 to vector<16xi32>
      %broadcast_in_dim3A_230 = arith.constant 0 : i32
      %broadcast_in_dim3A_231 = vector.broadcast %broadcast_in_dim3A_230 : i32 to vector<16xi32>
      %select_n3A_232 = arith.select %lt3A_227, %broadcast_in_dim3A_229, %broadcast_in_dim3A_231 : vector<16xi1>, vector<16xi32>
      %add3A_233 = arith.addi %add3A_213, %select_n3A_232 : vector<16xi32>
      %mul3A_234 = arith.constant 10 : i32
      %mul3A_235 = arith.muli %scan3A_153, %mul3A_234 : i32
      %add3A_236 = arith.constant 4 : i32
      %add3A_237 = arith.addi %mul3A_235, %add3A_236 : i32
      %mul3A_238 = arith.constant 16 : i32
      %mul3A_239 = arith.muli %add3A_237, %mul3A_238 : i32
      %get3A_240 = arith.index_cast %mul3A_239 : i32 to index
      %get3A_241 = tpu.vector_load %arg4[%get3A_240] {strides = array<i32>} : memref<20000xf32, #tpu.memory_space<vmem>>, vector<16xf32>,
      %get3A_242 = vector.shape_cast %get3A_241 : vector<16xf32> to vector<16xf32>
      %bitcast_convert_type3A_243 = tpu.bitcast %get3A_242 : vector<16xf32> -> vector<16xi32>
      %add3A_244 = arith.addf %add3A_224, %get3A_242 : vector<16xf32>
      %lt3A_245 = arith.constant 0 : i32
      %lt3A_246 = vector.broadcast %lt3A_245 : i32 to vector<16xi32>
      %lt3A_247 = arith.cmpi slt, %bitcast_convert_type3A_243, %lt3A_246 : vector<16xi32>
      %broadcast_in_dim3A_248 = arith.constant 1 : i32
      %broadcast_in_dim3A_249 = vector.broadcast %broadcast_in_dim3A_248 : i32 to vector<16xi32>
      %broadcast_in_dim3A_250 = arith.constant 0 : i32
      %broadcast_in_dim3A_251 = vector.broadcast %broadcast_in_dim3A_250 : i32 to vector<16xi32>
      %select_n3A_252 = arith.select %lt3A_247, %broadcast_in_dim3A_249, %broadcast_in_dim3A_251 : vector<16xi1>, vector<16xi32>
      %add3A_253 = arith.addi %add3A_233, %select_n3A_252 : vector<16xi32>
      %mul3A_254 = arith.constant 10 : i32
      %mul3A_255 = arith.muli %scan3A_153, %mul3A_254 : i32
      %add3A_256 = arith.constant 5 : i32
      %add3A_257 = arith.addi %mul3A_255, %add3A_256 : i32
      %mul3A_258 = arith.constant 16 : i32
      %mul3A_259 = arith.muli %add3A_257, %mul3A_258 : i32
      %get3A_260 = arith.index_cast %mul3A_259 : i32 to index
      %get3A_261 = tpu.vector_load %arg4[%get3A_260] {strides = array<i32>} : memref<20000xf32, #tpu.memory_space<vmem>>, vector<16xf32>,
      %get3A_262 = vector.shape_cast %get3A_261 : vector<16xf32> to vector<16xf32>
      %bitcast_convert_type3A_263 = tpu.bitcast %get3A_262 : vector<16xf32> -> vector<16xi32>
      %add3A_264 = arith.addf %add3A_244, %get3A_262 : vector<16xf32>
      %lt3A_265 = arith.constant 0 : i32
      %lt3A_266 = vector.broadcast %lt3A_265 : i32 to vector<16xi32>
      %lt3A_267 = arith.cmpi slt, %bitcast_convert_type3A_263, %lt3A_266 : vector<16xi32>
      %broadcast_in_dim3A_268 = arith.constant 1 : i32
      %broadcast_in_dim3A_269 = vector.broadcast %broadcast_in_dim3A_268 : i32 to vector<16xi32>
      %broadcast_in_dim3A_270 = arith.constant 0 : i32
      %broadcast_in_dim3A_271 = vector.broadcast %broadcast_in_dim3A_270 : i32 to vector<16xi32>
      %select_n3A_272 = arith.select %lt3A_267, %broadcast_in_dim3A_269, %broadcast_in_dim3A_271 : vector<16xi1>, vector<16xi32>
      %add3A_273 = arith.addi %add3A_253, %select_n3A_272 : vector<16xi32>
      %mul3A_274 = arith.constant 10 : i32
      %mul3A_275 = arith.muli %scan3A_153, %mul3A_274 : i32
      %add3A_276 = arith.constant 6 : i32
      %add3A_277 = arith.addi %mul3A_275, %add3A_276 : i32
      %mul3A_278 = arith.constant 16 : i32
      %mul3A_279 = arith.muli %add3A_277, %mul3A_278 : i32
      %get3A_280 = arith.index_cast %mul3A_279 : i32 to index
      %get3A_281 = tpu.vector_load %arg4[%get3A_280] {strides = array<i32>} : memref<20000xf32, #tpu.memory_space<vmem>>, vector<16xf32>,
      %get3A_282 = vector.shape_cast %get3A_281 : vector<16xf32> to vector<16xf32>
      %bitcast_convert_type3A_283 = tpu.bitcast %get3A_282 : vector<16xf32> -> vector<16xi32>
      %add3A_284 = arith.addf %add3A_264, %get3A_282 : vector<16xf32>
      %lt3A_285 = arith.constant 0 : i32
      %lt3A_286 = vector.broadcast %lt3A_285 : i32 to vector<16xi32>
      %lt3A_287 = arith.cmpi slt, %bitcast_convert_type3A_283, %lt3A_286 : vector<16xi32>
      %broadcast_in_dim3A_288 = arith.constant 1 : i32
      %broadcast_in_dim3A_289 = vector.broadcast %broadcast_in_dim3A_288 : i32 to vector<16xi32>
      %broadcast_in_dim3A_290 = arith.constant 0 : i32
      %broadcast_in_dim3A_291 = vector.broadcast %broadcast_in_dim3A_290 : i32 to vector<16xi32>
      %select_n3A_292 = arith.select %lt3A_287, %broadcast_in_dim3A_289, %broadcast_in_dim3A_291 : vector<16xi1>, vector<16xi32>
      %add3A_293 = arith.addi %add3A_273, %select_n3A_292 : vector<16xi32>
      %mul3A_294 = arith.constant 10 : i32
      %mul3A_295 = arith.muli %scan3A_153, %mul3A_294 : i32
      %add3A_296 = arith.constant 7 : i32
      %add3A_297 = arith.addi %mul3A_295, %add3A_296 : i32
      %mul3A_298 = arith.constant 16 : i32
      %mul3A_299 = arith.muli %add3A_297, %mul3A_298 : i32
      %get3A_300 = arith.index_cast %mul3A_299 : i32 to index
      %get3A_301 = tpu.vector_load %arg4[%get3A_300] {strides = array<i32>} : memref<20000xf32, #tpu.memory_space<vmem>>, vector<16xf32>,
      %get3A_302 = vector.shape_cast %get3A_301 : vector<16xf32> to vector<16xf32>
      %bitcast_convert_type3A_303 = tpu.bitcast %get3A_302 : vector<16xf32> -> vector<16xi32>
      %add3A_304 = arith.addf %add3A_284, %get3A_302 : vector<16xf32>
      %lt3A_305 = arith.constant 0 : i32
      %lt3A_306 = vector.broadcast %lt3A_305 : i32 to vector<16xi32>
      %lt3A_307 = arith.cmpi slt, %bitcast_convert_type3A_303, %lt3A_306 : vector<16xi32>
      %broadcast_in_dim3A_308 = arith.constant 1 : i32
      %broadcast_in_dim3A_309 = vector.broadcast %broadcast_in_dim3A_308 : i32 to vector<16xi32>
      %broadcast_in_dim3A_310 = arith.constant 0 : i32
      %broadcast_in_dim3A_311 = vector.broadcast %broadcast_in_dim3A_310 : i32 to vector<16xi32>
      %select_n3A_312 = arith.select %lt3A_307, %broadcast_in_dim3A_309, %broadcast_in_dim3A_311 : vector<16xi1>, vector<16xi32>
      %add3A_313 = arith.addi %add3A_293, %select_n3A_312 : vector<16xi32>
      %mul3A_314 = arith.constant 10 : i32
      %mul3A_315 = arith.muli %scan3A_153, %mul3A_314 : i32
      %add3A_316 = arith.constant 8 : i32
      %add3A_317 = arith.addi %mul3A_315, %add3A_316 : i32
      %mul3A_318 = arith.constant 16 : i32
      %mul3A_319 = arith.muli %add3A_317, %mul3A_318 : i32
      %get3A_320 = arith.index_cast %mul3A_319 : i32 to index
      %get3A_321 = tpu.vector_load %arg4[%get3A_320] {strides = array<i32>} : memref<20000xf32, #tpu.memory_space<vmem>>, vector<16xf32>,
      %get3A_322 = vector.shape_cast %get3A_321 : vector<16xf32> to vector<16xf32>
      %bitcast_convert_type3A_323 = tpu.bitcast %get3A_322 : vector<16xf32> -> vector<16xi32>
      %add3A_324 = arith.addf %add3A_304, %get3A_322 : vector<16xf32>
      %lt3A_325 = arith.constant 0 : i32
      %lt3A_326 = vector.broadcast %lt3A_325 : i32 to vector<16xi32>
      %lt3A_327 = arith.cmpi slt, %bitcast_convert_type3A_323, %lt3A_326 : vector<16xi32>
      %broadcast_in_dim3A_328 = arith.constant 1 : i32
      %broadcast_in_dim3A_329 = vector.broadcast %broadcast_in_dim3A_328 : i32 to vector<16xi32>
      %broadcast_in_dim3A_330 = arith.constant 0 : i32
      %broadcast_in_dim3A_331 = vector.broadcast %broadcast_in_dim3A_330 : i32 to vector<16xi32>
      %select_n3A_332 = arith.select %lt3A_327, %broadcast_in_dim3A_329, %broadcast_in_dim3A_331 : vector<16xi1>, vector<16xi32>
      %add3A_333 = arith.addi %add3A_313, %select_n3A_332 : vector<16xi32>
      %mul3A_334 = arith.constant 10 : i32
      %mul3A_335 = arith.muli %scan3A_153, %mul3A_334 : i32
      %add3A_336 = arith.constant 9 : i32
      %add3A_337 = arith.addi %mul3A_335, %add3A_336 : i32
      %mul3A_338 = arith.constant 16 : i32
      %mul3A_339 = arith.muli %add3A_337, %mul3A_338 : i32
      %get3A_340 = arith.index_cast %mul3A_339 : i32 to index
      %get3A_341 = tpu.vector_load %arg4[%get3A_340] {strides = array<i32>} : memref<20000xf32, #tpu.memory_space<vmem>>, vector<16xf32>,
      %get3A_342 = vector.shape_cast %get3A_341 : vector<16xf32> to vector<16xf32>
      %bitcast_convert_type3A_343 = tpu.bitcast %get3A_342 : vector<16xf32> -> vector<16xi32>
      %add3A_344 = arith.addf %add3A_324, %get3A_342 : vector<16xf32>
      %lt3A_345 = arith.constant 0 : i32
      %lt3A_346 = vector.broadcast %lt3A_345 : i32 to vector<16xi32>
      %lt3A_347 = arith.cmpi slt, %bitcast_convert_type3A_343, %lt3A_346 : vector<16xi32>
      %broadcast_in_dim3A_348 = arith.constant 1 : i32
      %broadcast_in_dim3A_349 = vector.broadcast %broadcast_in_dim3A_348 : i32 to vector<16xi32>
      %broadcast_in_dim3A_350 = arith.constant 0 : i32
      %broadcast_in_dim3A_351 = vector.broadcast %broadcast_in_dim3A_350 : i32 to vector<16xi32>
      %select_n3A_352 = arith.select %lt3A_347, %broadcast_in_dim3A_349, %broadcast_in_dim3A_351 : vector<16xi1>, vector<16xi32>
      %add3A_353 = arith.addi %add3A_333, %select_n3A_352 : vector<16xi32>
      scf.yield %add3A_344, %add3A_353 : vector<16xf32>, vector<16xi32>
    }
    %scan3A_12 = arith.constant 125 : i32
    %slice3A = vector.extract_strided_slice %scan3A_11#1 {offsets = [0], sizes = [1], strides = [1]} : vector<16xi32> to vector<1xi32>
    %squeeze3A = vector.extract %slice3A[0] : i32 from vector<1xi32>
    %slice3A_13 = vector.extract_strided_slice %scan3A_11#1 {offsets = [1], sizes = [1], strides = [1]} : vector<16xi32> to vector<1xi32>
    %squeeze3A_14 = vector.extract %slice3A_13[0] : i32 from vector<1xi32>
    %add3A_15 = arith.addi %squeeze3A, %squeeze3A_14 : i32
    %slice3A_16 = vector.extract_strided_slice %scan3A_11#1 {offsets = [2], sizes = [1], strides = [1]} : vector<16xi32> to vector<1xi32>
    %squeeze3A_17 = vector.extract %slice3A_16[0] : i32 from vector<1xi32>
    %add3A_18 = arith.addi %add3A_15, %squeeze3A_17 : i32
    %slice3A_19 = vector.extract_strided_slice %scan3A_11#1 {offsets = [3], sizes = [1], strides = [1]} : vector<16xi32> to vector<1xi32>
    %squeeze3A_20 = vector.extract %slice3A_19[0] : i32 from vector<1xi32>
    %add3A_21 = arith.addi %add3A_18, %squeeze3A_20 : i32
    %slice3A_22 = vector.extract_strided_slice %scan3A_11#1 {offsets = [4], sizes = [1], strides = [1]} : vector<16xi32> to vector<1xi32>
    %squeeze3A_23 = vector.extract %slice3A_22[0] : i32 from vector<1xi32>
    %add3A_24 = arith.addi %add3A_21, %squeeze3A_23 : i32
    %slice3A_25 = vector.extract_strided_slice %scan3A_11#1 {offsets = [5], sizes = [1], strides = [1]} : vector<16xi32> to vector<1xi32>
    %squeeze3A_26 = vector.extract %slice3A_25[0] : i32 from vector<1xi32>
    %add3A_27 = arith.addi %add3A_24, %squeeze3A_26 : i32
    %slice3A_28 = vector.extract_strided_slice %scan3A_11#1 {offsets = [6], sizes = [1], strides = [1]} : vector<16xi32> to vector<1xi32>
    %squeeze3A_29 = vector.extract %slice3A_28[0] : i32 from vector<1xi32>
    %add3A_30 = arith.addi %add3A_27, %squeeze3A_29 : i32
    %slice3A_31 = vector.extract_strided_slice %scan3A_11#1 {offsets = [7], sizes = [1], strides = [1]} : vector<16xi32> to vector<1xi32>
    %squeeze3A_32 = vector.extract %slice3A_31[0] : i32 from vector<1xi32>
    %add3A_33 = arith.addi %add3A_30, %squeeze3A_32 : i32
    %slice3A_34 = vector.extract_strided_slice %scan3A_11#1 {offsets = [8], sizes = [1], strides = [1]} : vector<16xi32> to vector<1xi32>
    %squeeze3A_35 = vector.extract %slice3A_34[0] : i32 from vector<1xi32>
    %add3A_36 = arith.addi %add3A_33, %squeeze3A_35 : i32
    %slice3A_37 = vector.extract_strided_slice %scan3A_11#1 {offsets = [9], sizes = [1], strides = [1]} : vector<16xi32> to vector<1xi32>
    %squeeze3A_38 = vector.extract %slice3A_37[0] : i32 from vector<1xi32>
    %add3A_39 = arith.addi %add3A_36, %squeeze3A_38 : i32
    %slice3A_40 = vector.extract_strided_slice %scan3A_11#1 {offsets = [10], sizes = [1], strides = [1]} : vector<16xi32> to vector<1xi32>
    %squeeze3A_41 = vector.extract %slice3A_40[0] : i32 from vector<1xi32>
    %add3A_42 = arith.addi %add3A_39, %squeeze3A_41 : i32
    %slice3A_43 = vector.extract_strided_slice %scan3A_11#1 {offsets = [11], sizes = [1], strides = [1]} : vector<16xi32> to vector<1xi32>
    %squeeze3A_44 = vector.extract %slice3A_43[0] : i32 from vector<1xi32>
    %add3A_45 = arith.addi %add3A_42, %squeeze3A_44 : i32
    %slice3A_46 = vector.extract_strided_slice %scan3A_11#1 {offsets = [12], sizes = [1], strides = [1]} : vector<16xi32> to vector<1xi32>
    %squeeze3A_47 = vector.extract %slice3A_46[0] : i32 from vector<1xi32>
    %add3A_48 = arith.addi %add3A_45, %squeeze3A_47 : i32
    %slice3A_49 = vector.extract_strided_slice %scan3A_11#1 {offsets = [13], sizes = [1], strides = [1]} : vector<16xi32> to vector<1xi32>
    %squeeze3A_50 = vector.extract %slice3A_49[0] : i32 from vector<1xi32>
    %add3A_51 = arith.addi %add3A_48, %squeeze3A_50 : i32
    %slice3A_52 = vector.extract_strided_slice %scan3A_11#1 {offsets = [14], sizes = [1], strides = [1]} : vector<16xi32> to vector<1xi32>
    %squeeze3A_53 = vector.extract %slice3A_52[0] : i32 from vector<1xi32>
    %add3A_54 = arith.addi %add3A_51, %squeeze3A_53 : i32
    %slice3A_55 = vector.extract_strided_slice %scan3A_11#1 {offsets = [15], sizes = [1], strides = [1]} : vector<16xi32> to vector<1xi32>
    %squeeze3A_56 = vector.extract %slice3A_55[0] : i32 from vector<1xi32>
    %add3A_57 = arith.addi %add3A_54, %squeeze3A_56 : i32
    %mul3A_58 = arith.constant 3 : i32
    %mul3A_59 = arith.muli %mul3A_58, %add3A_57 : i32
    %convert_element_type3A = arith.sitofp %mul3A_59 : i32 to f32
    %gt3A = arith.constant 0 : i32
    %gt3A_60 = arith.cmpi sgt, %mul3A_59, %gt3A : i32
    %lt3A = arith.constant 20000 : i32
    %lt3A_61 = arith.cmpi slt, %mul3A_59, %lt3A : i32
    %and3A = arith.andi %gt3A_60, %lt3A_61 : i1
    %gt3A_62 = arith.constant 0 : i32
    %gt3A_63 = arith.cmpi sgt, %mul3A_59, %gt3A_62 : i32
    %jit3A = arith.constant 1.000000e+00 : f32
    %jit3A_64 = arith.constant 0.000000e+00 : f32
    %select_n3A = arith.select %gt3A_63, %jit3A, %jit3A_64 : f32
    %not3A = arith.constant true
    %not3A_65 = arith.xori %and3A, %not3A : i1
    %convert_element_type3A_66 = arith.extui %not3A_65 : i1 to i32
    %cond3A = arith.constant 0 : i32
    %cond3A_67 = arith.cmpi ne, %convert_element_type3A_66, %cond3A : i32
    scf.if %cond3A_67 {
      %broadcast_in_dim3A_153 = vector.broadcast %select_n3A : f32 to vector<16xf32>
      %mul3A_154 = arith.mulf %scan3A_11#0, %broadcast_in_dim3A_153 : vector<16xf32>
      %swap3A = arith.constant 0 : index
      %swap3A_155 = tpu.vector_load %arg5[%swap3A] {strides = array<i32>} : memref<16xf32, #tpu.memory_space<vmem>>, vector<16xf32>,
      %swap3A_156 = vector.shape_cast %swap3A_155 : vector<16xf32> to vector<16xf32>
      %swap3A_157 = vector.shape_cast %mul3A_154 : vector<16xf32> to vector<16xf32>
      tpu.vector_store %arg5[%swap3A], %swap3A_157 {strides = array<i32>} : memref<16xf32, #tpu.memory_space<vmem>>, vector<16xf32>,
    } else {
    }
    %convert_element_type3A_68 = arith.extui %and3A : i1 to i32
    %cond3A_69 = arith.constant 0 : i32
    %cond3A_70 = arith.cmpi ne, %convert_element_type3A_68, %cond3A_69 : i32
    scf.if %cond3A_70 {
      %broadcast_in_dim3A_153 = arith.constant 0 : i32
      %broadcast_in_dim3A_154 = vector.broadcast %broadcast_in_dim3A_153 : i32 to vector<16xi32>
      %broadcast_in_dim3A_155 = arith.constant 2139095041 : i32
      %broadcast_in_dim3A_156 = vector.broadcast %broadcast_in_dim3A_155 : i32 to vector<16xi32>
      %scan3A_157 = arith.constant 0 : i32
      %scan3A_158 = arith.constant 31 : i32
      %scan3A_159 = arith.addi %scan3A_157, %scan3A_158 : i32
      %scan3A_160 = arith.constant 1 : i32
      %scan3A_161:2 = scf.for %scan3A_229 = %scan3A_157 to %scan3A_159 step %scan3A_160 iter_args(%scan3A_230 = %broadcast_in_dim3A_154, %scan3A_231 = %broadcast_in_dim3A_156) -> (vector<16xi32>, vector<16xi32>)  : i32 {
        %sub3A_232 = arith.subi %scan3A_231, %scan3A_230 : vector<16xi32>
        %broadcast_in_dim3A_233 = arith.constant 1 : i32
        %broadcast_in_dim3A_234 = vector.broadcast %broadcast_in_dim3A_233 : i32 to vector<16xi32>
        %shift_right_arithmetic3A = arith.shrsi %sub3A_232, %broadcast_in_dim3A_234 : vector<16xi32>
        %add3A_235 = arith.addi %scan3A_230, %shift_right_arithmetic3A : vector<16xi32>
        %bitcast_convert_type3A_236 = tpu.bitcast %add3A_235 : vector<16xi32> -> vector<16xf32>
        %broadcast_in_dim3A_237 = arith.constant 0 : i32
        %broadcast_in_dim3A_238 = vector.broadcast %broadcast_in_dim3A_237 : i32 to vector<16xi32>
        %scan3A_239 = arith.constant 0 : i32
        %scan3A_240 = arith.constant 125 : i32
        %scan3A_241 = arith.addi %scan3A_239, %scan3A_240 : i32
        %scan3A_242 = arith.constant 1 : i32
        %scan3A_243 = scf.for %scan3A_300 = %scan3A_239 to %scan3A_241 step %scan3A_242 iter_args(%scan3A_301 = %broadcast_in_dim3A_238) -> (vector<16xi32>)  : i32 {
          %mul3A_302 = arith.constant 10 : i32
          %mul3A_303 = arith.muli %scan3A_300, %mul3A_302 : i32
          %add3A_304 = arith.constant 0 : i32
          %add3A_305 = arith.addi %mul3A_303, %add3A_304 : i32
          %mul3A_306 = arith.constant 16 : i32
          %mul3A_307 = arith.muli %add3A_305, %mul3A_306 : i32
          %get3A = arith.index_cast %mul3A_307 : i32 to index
          %get3A_308 = tpu.vector_load %arg4[%get3A] {strides = array<i32>} : memref<20000xf32, #tpu.memory_space<vmem>>, vector<16xf32>,
          %get3A_309 = vector.shape_cast %get3A_308 : vector<16xf32> to vector<16xf32>
          %ge3A_310 = arith.cmpf oge, %get3A_309, %bitcast_convert_type3A_236 : vector<16xf32>
          %broadcast_in_dim3A_311 = arith.constant 1 : i32
          %broadcast_in_dim3A_312 = vector.broadcast %broadcast_in_dim3A_311 : i32 to vector<16xi32>
          %broadcast_in_dim3A_313 = arith.constant 0 : i32
          %broadcast_in_dim3A_314 = vector.broadcast %broadcast_in_dim3A_313 : i32 to vector<16xi32>
          %select_n3A_315 = arith.select %ge3A_310, %broadcast_in_dim3A_312, %broadcast_in_dim3A_314 : vector<16xi1>, vector<16xi32>
          %add3A_316 = arith.addi %scan3A_301, %select_n3A_315 : vector<16xi32>
          %mul3A_317 = arith.constant 10 : i32
          %mul3A_318 = arith.muli %scan3A_300, %mul3A_317 : i32
          %add3A_319 = arith.constant 1 : i32
          %add3A_320 = arith.addi %mul3A_318, %add3A_319 : i32
          %mul3A_321 = arith.constant 16 : i32
          %mul3A_322 = arith.muli %add3A_320, %mul3A_321 : i32
          %get3A_323 = arith.index_cast %mul3A_322 : i32 to index
          %get3A_324 = tpu.vector_load %arg4[%get3A_323] {strides = array<i32>} : memref<20000xf32, #tpu.memory_space<vmem>>, vector<16xf32>,
          %get3A_325 = vector.shape_cast %get3A_324 : vector<16xf32> to vector<16xf32>
          %ge3A_326 = arith.cmpf oge, %get3A_325, %bitcast_convert_type3A_236 : vector<16xf32>
          %broadcast_in_dim3A_327 = arith.constant 1 : i32
          %broadcast_in_dim3A_328 = vector.broadcast %broadcast_in_dim3A_327 : i32 to vector<16xi32>
          %broadcast_in_dim3A_329 = arith.constant 0 : i32
          %broadcast_in_dim3A_330 = vector.broadcast %broadcast_in_dim3A_329 : i32 to vector<16xi32>
          %select_n3A_331 = arith.select %ge3A_326, %broadcast_in_dim3A_328, %broadcast_in_dim3A_330 : vector<16xi1>, vector<16xi32>
          %add3A_332 = arith.addi %add3A_316, %select_n3A_331 : vector<16xi32>
          %mul3A_333 = arith.constant 10 : i32
          %mul3A_334 = arith.muli %scan3A_300, %mul3A_333 : i32
          %add3A_335 = arith.constant 2 : i32
          %add3A_336 = arith.addi %mul3A_334, %add3A_335 : i32
          %mul3A_337 = arith.constant 16 : i32
          %mul3A_338 = arith.muli %add3A_336, %mul3A_337 : i32
          %get3A_339 = arith.index_cast %mul3A_338 : i32 to index
          %get3A_340 = tpu.vector_load %arg4[%get3A_339] {strides = array<i32>} : memref<20000xf32, #tpu.memory_space<vmem>>, vector<16xf32>,
          %get3A_341 = vector.shape_cast %get3A_340 : vector<16xf32> to vector<16xf32>
          %ge3A_342 = arith.cmpf oge, %get3A_341, %bitcast_convert_type3A_236 : vector<16xf32>
          %broadcast_in_dim3A_343 = arith.constant 1 : i32
          %broadcast_in_dim3A_344 = vector.broadcast %broadcast_in_dim3A_343 : i32 to vector<16xi32>
          %broadcast_in_dim3A_345 = arith.constant 0 : i32
          %broadcast_in_dim3A_346 = vector.broadcast %broadcast_in_dim3A_345 : i32 to vector<16xi32>
          %select_n3A_347 = arith.select %ge3A_342, %broadcast_in_dim3A_344, %broadcast_in_dim3A_346 : vector<16xi1>, vector<16xi32>
          %add3A_348 = arith.addi %add3A_332, %select_n3A_347 : vector<16xi32>
          %mul3A_349 = arith.constant 10 : i32
          %mul3A_350 = arith.muli %scan3A_300, %mul3A_349 : i32
          %add3A_351 = arith.constant 3 : i32
          %add3A_352 = arith.addi %mul3A_350, %add3A_351 : i32
          %mul3A_353 = arith.constant 16 : i32
          %mul3A_354 = arith.muli %add3A_352, %mul3A_353 : i32
          %get3A_355 = arith.index_cast %mul3A_354 : i32 to index
          %get3A_356 = tpu.vector_load %arg4[%get3A_355] {strides = array<i32>} : memref<20000xf32, #tpu.memory_space<vmem>>, vector<16xf32>,
          %get3A_357 = vector.shape_cast %get3A_356 : vector<16xf32> to vector<16xf32>
          %ge3A_358 = arith.cmpf oge, %get3A_357, %bitcast_convert_type3A_236 : vector<16xf32>
          %broadcast_in_dim3A_359 = arith.constant 1 : i32
          %broadcast_in_dim3A_360 = vector.broadcast %broadcast_in_dim3A_359 : i32 to vector<16xi32>
          %broadcast_in_dim3A_361 = arith.constant 0 : i32
          %broadcast_in_dim3A_362 = vector.broadcast %broadcast_in_dim3A_361 : i32 to vector<16xi32>
          %select_n3A_363 = arith.select %ge3A_358, %broadcast_in_dim3A_360, %broadcast_in_dim3A_362 : vector<16xi1>, vector<16xi32>
          %add3A_364 = arith.addi %add3A_348, %select_n3A_363 : vector<16xi32>
          %mul3A_365 = arith.constant 10 : i32
          %mul3A_366 = arith.muli %scan3A_300, %mul3A_365 : i32
          %add3A_367 = arith.constant 4 : i32
          %add3A_368 = arith.addi %mul3A_366, %add3A_367 : i32
          %mul3A_369 = arith.constant 16 : i32
          %mul3A_370 = arith.muli %add3A_368, %mul3A_369 : i32
          %get3A_371 = arith.index_cast %mul3A_370 : i32 to index
          %get3A_372 = tpu.vector_load %arg4[%get3A_371] {strides = array<i32>} : memref<20000xf32, #tpu.memory_space<vmem>>, vector<16xf32>,
          %get3A_373 = vector.shape_cast %get3A_372 : vector<16xf32> to vector<16xf32>
          %ge3A_374 = arith.cmpf oge, %get3A_373, %bitcast_convert_type3A_236 : vector<16xf32>
          %broadcast_in_dim3A_375 = arith.constant 1 : i32
          %broadcast_in_dim3A_376 = vector.broadcast %broadcast_in_dim3A_375 : i32 to vector<16xi32>
          %broadcast_in_dim3A_377 = arith.constant 0 : i32
          %broadcast_in_dim3A_378 = vector.broadcast %broadcast_in_dim3A_377 : i32 to vector<16xi32>
          %select_n3A_379 = arith.select %ge3A_374, %broadcast_in_dim3A_376, %broadcast_in_dim3A_378 : vector<16xi1>, vector<16xi32>
          %add3A_380 = arith.addi %add3A_364, %select_n3A_379 : vector<16xi32>
          %mul3A_381 = arith.constant 10 : i32
          %mul3A_382 = arith.muli %scan3A_300, %mul3A_381 : i32
          %add3A_383 = arith.constant 5 : i32
          %add3A_384 = arith.addi %mul3A_382, %add3A_383 : i32
          %mul3A_385 = arith.constant 16 : i32
          %mul3A_386 = arith.muli %add3A_384, %mul3A_385 : i32
          %get3A_387 = arith.index_cast %mul3A_386 : i32 to index
          %get3A_388 = tpu.vector_load %arg4[%get3A_387] {strides = array<i32>} : memref<20000xf32, #tpu.memory_space<vmem>>, vector<16xf32>,
          %get3A_389 = vector.shape_cast %get3A_388 : vector<16xf32> to vector<16xf32>
          %ge3A_390 = arith.cmpf oge, %get3A_389, %bitcast_convert_type3A_236 : vector<16xf32>
          %broadcast_in_dim3A_391 = arith.constant 1 : i32
          %broadcast_in_dim3A_392 = vector.broadcast %broadcast_in_dim3A_391 : i32 to vector<16xi32>
          %broadcast_in_dim3A_393 = arith.constant 0 : i32
          %broadcast_in_dim3A_394 = vector.broadcast %broadcast_in_dim3A_393 : i32 to vector<16xi32>
          %select_n3A_395 = arith.select %ge3A_390, %broadcast_in_dim3A_392, %broadcast_in_dim3A_394 : vector<16xi1>, vector<16xi32>
          %add3A_396 = arith.addi %add3A_380, %select_n3A_395 : vector<16xi32>
          %mul3A_397 = arith.constant 10 : i32
          %mul3A_398 = arith.muli %scan3A_300, %mul3A_397 : i32
          %add3A_399 = arith.constant 6 : i32
          %add3A_400 = arith.addi %mul3A_398, %add3A_399 : i32
          %mul3A_401 = arith.constant 16 : i32
          %mul3A_402 = arith.muli %add3A_400, %mul3A_401 : i32
          %get3A_403 = arith.index_cast %mul3A_402 : i32 to index
          %get3A_404 = tpu.vector_load %arg4[%get3A_403] {strides = array<i32>} : memref<20000xf32, #tpu.memory_space<vmem>>, vector<16xf32>,
          %get3A_405 = vector.shape_cast %get3A_404 : vector<16xf32> to vector<16xf32>
          %ge3A_406 = arith.cmpf oge, %get3A_405, %bitcast_convert_type3A_236 : vector<16xf32>
          %broadcast_in_dim3A_407 = arith.constant 1 : i32
          %broadcast_in_dim3A_408 = vector.broadcast %broadcast_in_dim3A_407 : i32 to vector<16xi32>
          %broadcast_in_dim3A_409 = arith.constant 0 : i32
          %broadcast_in_dim3A_410 = vector.broadcast %broadcast_in_dim3A_409 : i32 to vector<16xi32>
          %select_n3A_411 = arith.select %ge3A_406, %broadcast_in_dim3A_408, %broadcast_in_dim3A_410 : vector<16xi1>, vector<16xi32>
          %add3A_412 = arith.addi %add3A_396, %select_n3A_411 : vector<16xi32>
          %mul3A_413 = arith.constant 10 : i32
          %mul3A_414 = arith.muli %scan3A_300, %mul3A_413 : i32
          %add3A_415 = arith.constant 7 : i32
          %add3A_416 = arith.addi %mul3A_414, %add3A_415 : i32
          %mul3A_417 = arith.constant 16 : i32
          %mul3A_418 = arith.muli %add3A_416, %mul3A_417 : i32
          %get3A_419 = arith.index_cast %mul3A_418 : i32 to index
          %get3A_420 = tpu.vector_load %arg4[%get3A_419] {strides = array<i32>} : memref<20000xf32, #tpu.memory_space<vmem>>, vector<16xf32>,
          %get3A_421 = vector.shape_cast %get3A_420 : vector<16xf32> to vector<16xf32>
          %ge3A_422 = arith.cmpf oge, %get3A_421, %bitcast_convert_type3A_236 : vector<16xf32>
          %broadcast_in_dim3A_423 = arith.constant 1 : i32
          %broadcast_in_dim3A_424 = vector.broadcast %broadcast_in_dim3A_423 : i32 to vector<16xi32>
          %broadcast_in_dim3A_425 = arith.constant 0 : i32
          %broadcast_in_dim3A_426 = vector.broadcast %broadcast_in_dim3A_425 : i32 to vector<16xi32>
          %select_n3A_427 = arith.select %ge3A_422, %broadcast_in_dim3A_424, %broadcast_in_dim3A_426 : vector<16xi1>, vector<16xi32>
          %add3A_428 = arith.addi %add3A_412, %select_n3A_427 : vector<16xi32>
          %mul3A_429 = arith.constant 10 : i32
          %mul3A_430 = arith.muli %scan3A_300, %mul3A_429 : i32
          %add3A_431 = arith.constant 8 : i32
          %add3A_432 = arith.addi %mul3A_430, %add3A_431 : i32
          %mul3A_433 = arith.constant 16 : i32
          %mul3A_434 = arith.muli %add3A_432, %mul3A_433 : i32
          %get3A_435 = arith.index_cast %mul3A_434 : i32 to index
          %get3A_436 = tpu.vector_load %arg4[%get3A_435] {strides = array<i32>} : memref<20000xf32, #tpu.memory_space<vmem>>, vector<16xf32>,
          %get3A_437 = vector.shape_cast %get3A_436 : vector<16xf32> to vector<16xf32>
          %ge3A_438 = arith.cmpf oge, %get3A_437, %bitcast_convert_type3A_236 : vector<16xf32>
          %broadcast_in_dim3A_439 = arith.constant 1 : i32
          %broadcast_in_dim3A_440 = vector.broadcast %broadcast_in_dim3A_439 : i32 to vector<16xi32>
          %broadcast_in_dim3A_441 = arith.constant 0 : i32
          %broadcast_in_dim3A_442 = vector.broadcast %broadcast_in_dim3A_441 : i32 to vector<16xi32>
          %select_n3A_443 = arith.select %ge3A_438, %broadcast_in_dim3A_440, %broadcast_in_dim3A_442 : vector<16xi1>, vector<16xi32>
          %add3A_444 = arith.addi %add3A_428, %select_n3A_443 : vector<16xi32>
          %mul3A_445 = arith.constant 10 : i32
          %mul3A_446 = arith.muli %scan3A_300, %mul3A_445 : i32
          %add3A_447 = arith.constant 9 : i32
          %add3A_448 = arith.addi %mul3A_446, %add3A_447 : i32
          %mul3A_449 = arith.constant 16 : i32
          %mul3A_450 = arith.muli %add3A_448, %mul3A_449 : i32
          %get3A_451 = arith.index_cast %mul3A_450 : i32 to index
          %get3A_452 = tpu.vector_load %arg4[%get3A_451] {strides = array<i32>} : memref<20000xf32, #tpu.memory_space<vmem>>, vector<16xf32>,
          %get3A_453 = vector.shape_cast %get3A_452 : vector<16xf32> to vector<16xf32>
          %ge3A_454 = arith.cmpf oge, %get3A_453, %bitcast_convert_type3A_236 : vector<16xf32>
          %broadcast_in_dim3A_455 = arith.constant 1 : i32
          %broadcast_in_dim3A_456 = vector.broadcast %broadcast_in_dim3A_455 : i32 to vector<16xi32>
          %broadcast_in_dim3A_457 = arith.constant 0 : i32
          %broadcast_in_dim3A_458 = vector.broadcast %broadcast_in_dim3A_457 : i32 to vector<16xi32>
          %select_n3A_459 = arith.select %ge3A_454, %broadcast_in_dim3A_456, %broadcast_in_dim3A_458 : vector<16xi1>, vector<16xi32>
          %add3A_460 = arith.addi %add3A_444, %select_n3A_459 : vector<16xi32>
          scf.yield %add3A_460 : vector<16xi32>
        }
        %scan3A_244 = arith.constant 125 : i32
        %slice3A_245 = vector.extract_strided_slice %scan3A_243 {offsets = [0], sizes = [1], strides = [1]} : vector<16xi32> to vector<1xi32>
        %squeeze3A_246 = vector.extract %slice3A_245[0] : i32 from vector<1xi32>
        %slice3A_247 = vector.extract_strided_slice %scan3A_243 {offsets = [1], sizes = [1], strides = [1]} : vector<16xi32> to vector<1xi32>
        %squeeze3A_248 = vector.extract %slice3A_247[0] : i32 from vector<1xi32>
        %add3A_249 = arith.addi %squeeze3A_246, %squeeze3A_248 : i32
        %slice3A_250 = vector.extract_strided_slice %scan3A_243 {offsets = [2], sizes = [1], strides = [1]} : vector<16xi32> to vector<1xi32>
        %squeeze3A_251 = vector.extract %slice3A_250[0] : i32 from vector<1xi32>
        %add3A_252 = arith.addi %add3A_249, %squeeze3A_251 : i32
        %slice3A_253 = vector.extract_strided_slice %scan3A_243 {offsets = [3], sizes = [1], strides = [1]} : vector<16xi32> to vector<1xi32>
        %squeeze3A_254 = vector.extract %slice3A_253[0] : i32 from vector<1xi32>
        %add3A_255 = arith.addi %add3A_252, %squeeze3A_254 : i32
        %slice3A_256 = vector.extract_strided_slice %scan3A_243 {offsets = [4], sizes = [1], strides = [1]} : vector<16xi32> to vector<1xi32>
        %squeeze3A_257 = vector.extract %slice3A_256[0] : i32 from vector<1xi32>
        %add3A_258 = arith.addi %add3A_255, %squeeze3A_257 : i32
        %slice3A_259 = vector.extract_strided_slice %scan3A_243 {offsets = [5], sizes = [1], strides = [1]} : vector<16xi32> to vector<1xi32>
        %squeeze3A_260 = vector.extract %slice3A_259[0] : i32 from vector<1xi32>
        %add3A_261 = arith.addi %add3A_258, %squeeze3A_260 : i32
        %slice3A_262 = vector.extract_strided_slice %scan3A_243 {offsets = [6], sizes = [1], strides = [1]} : vector<16xi32> to vector<1xi32>
        %squeeze3A_263 = vector.extract %slice3A_262[0] : i32 from vector<1xi32>
        %add3A_264 = arith.addi %add3A_261, %squeeze3A_263 : i32
        %slice3A_265 = vector.extract_strided_slice %scan3A_243 {offsets = [7], sizes = [1], strides = [1]} : vector<16xi32> to vector<1xi32>
        %squeeze3A_266 = vector.extract %slice3A_265[0] : i32 from vector<1xi32>
        %add3A_267 = arith.addi %add3A_264, %squeeze3A_266 : i32
        %slice3A_268 = vector.extract_strided_slice %scan3A_243 {offsets = [8], sizes = [1], strides = [1]} : vector<16xi32> to vector<1xi32>
        %squeeze3A_269 = vector.extract %slice3A_268[0] : i32 from vector<1xi32>
        %add3A_270 = arith.addi %add3A_267, %squeeze3A_269 : i32
        %slice3A_271 = vector.extract_strided_slice %scan3A_243 {offsets = [9], sizes = [1], strides = [1]} : vector<16xi32> to vector<1xi32>
        %squeeze3A_272 = vector.extract %slice3A_271[0] : i32 from vector<1xi32>
        %add3A_273 = arith.addi %add3A_270, %squeeze3A_272 : i32
        %slice3A_274 = vector.extract_strided_slice %scan3A_243 {offsets = [10], sizes = [1], strides = [1]} : vector<16xi32> to vector<1xi32>
        %squeeze3A_275 = vector.extract %slice3A_274[0] : i32 from vector<1xi32>
        %add3A_276 = arith.addi %add3A_273, %squeeze3A_275 : i32
        %slice3A_277 = vector.extract_strided_slice %scan3A_243 {offsets = [11], sizes = [1], strides = [1]} : vector<16xi32> to vector<1xi32>
        %squeeze3A_278 = vector.extract %slice3A_277[0] : i32 from vector<1xi32>
        %add3A_279 = arith.addi %add3A_276, %squeeze3A_278 : i32
        %slice3A_280 = vector.extract_strided_slice %scan3A_243 {offsets = [12], sizes = [1], strides = [1]} : vector<16xi32> to vector<1xi32>
        %squeeze3A_281 = vector.extract %slice3A_280[0] : i32 from vector<1xi32>
        %add3A_282 = arith.addi %add3A_279, %squeeze3A_281 : i32
        %slice3A_283 = vector.extract_strided_slice %scan3A_243 {offsets = [13], sizes = [1], strides = [1]} : vector<16xi32> to vector<1xi32>
        %squeeze3A_284 = vector.extract %slice3A_283[0] : i32 from vector<1xi32>
        %add3A_285 = arith.addi %add3A_282, %squeeze3A_284 : i32
        %slice3A_286 = vector.extract_strided_slice %scan3A_243 {offsets = [14], sizes = [1], strides = [1]} : vector<16xi32> to vector<1xi32>
        %squeeze3A_287 = vector.extract %slice3A_286[0] : i32 from vector<1xi32>
        %add3A_288 = arith.addi %add3A_285, %squeeze3A_287 : i32
        %slice3A_289 = vector.extract_strided_slice %scan3A_243 {offsets = [15], sizes = [1], strides = [1]} : vector<16xi32> to vector<1xi32>
        %squeeze3A_290 = vector.extract %slice3A_289[0] : i32 from vector<1xi32>
        %add3A_291 = arith.addi %add3A_288, %squeeze3A_290 : i32
        %ge3A = arith.cmpi sge, %add3A_291, %mul3A_59 : i32
        %convert_element_type3A_292 = arith.extui %ge3A : i1 to i32
        %broadcast_in_dim3A_293 = vector.broadcast %convert_element_type3A_292 : i32 to vector<16xi32>
        %sub3A_294 = arith.subi %add3A_235, %scan3A_230 : vector<16xi32>
        %mul3A_295 = arith.muli %sub3A_294, %broadcast_in_dim3A_293 : vector<16xi32>
        %add3A_296 = arith.addi %scan3A_230, %mul3A_295 : vector<16xi32>
        %sub3A_297 = arith.subi %scan3A_231, %add3A_235 : vector<16xi32>
        %mul3A_298 = arith.muli %sub3A_297, %broadcast_in_dim3A_293 : vector<16xi32>
        %add3A_299 = arith.addi %add3A_235, %mul3A_298 : vector<16xi32>
        scf.yield %add3A_296, %add3A_299 : vector<16xi32>, vector<16xi32>
      }
      %scan3A_162 = arith.constant 31 : i32
      %bitcast_convert_type3A = tpu.bitcast %scan3A_161#0 : vector<16xi32> -> vector<16xf32>
      %broadcast_in_dim3A_163 = arith.constant 0.000000e+00 : f32
      %broadcast_in_dim3A_164 = vector.broadcast %broadcast_in_dim3A_163 : f32 to vector<16xf32>
      %broadcast_in_dim3A_165 = arith.constant 0 : i32
      %broadcast_in_dim3A_166 = vector.broadcast %broadcast_in_dim3A_165 : i32 to vector<16xi32>
      %scan3A_167 = arith.constant 0 : i32
      %scan3A_168 = arith.constant 125 : i32
      %scan3A_169 = arith.addi %scan3A_167, %scan3A_168 : i32
      %scan3A_170 = arith.constant 1 : i32
      %scan3A_171:2 = scf.for %scan3A_229 = %scan3A_167 to %scan3A_169 step %scan3A_170 iter_args(%scan3A_230 = %broadcast_in_dim3A_164, %scan3A_231 = %broadcast_in_dim3A_166) -> (vector<16xf32>, vector<16xi32>)  : i32 {
        %mul3A_232 = arith.constant 10 : i32
        %mul3A_233 = arith.muli %scan3A_229, %mul3A_232 : i32
        %add3A_234 = arith.constant 0 : i32
        %add3A_235 = arith.addi %mul3A_233, %add3A_234 : i32
        %mul3A_236 = arith.constant 16 : i32
        %mul3A_237 = arith.muli %add3A_235, %mul3A_236 : i32
        %get3A = arith.index_cast %mul3A_237 : i32 to index
        %get3A_238 = tpu.vector_load %arg4[%get3A] {strides = array<i32>} : memref<20000xf32, #tpu.memory_space<vmem>>, vector<16xf32>,
        %get3A_239 = vector.shape_cast %get3A_238 : vector<16xf32> to vector<16xf32>
        %gt3A_240 = arith.cmpf ogt, %get3A_239, %bitcast_convert_type3A : vector<16xf32>
        %broadcast_in_dim3A_241 = arith.constant 0.000000e+00 : f32
        %broadcast_in_dim3A_242 = vector.broadcast %broadcast_in_dim3A_241 : f32 to vector<16xf32>
        %select_n3A_243 = arith.select %gt3A_240, %get3A_239, %broadcast_in_dim3A_242 : vector<16xi1>, vector<16xf32>
        %add3A_244 = arith.addf %scan3A_230, %select_n3A_243 : vector<16xf32>
        %broadcast_in_dim3A_245 = arith.constant 1 : i32
        %broadcast_in_dim3A_246 = vector.broadcast %broadcast_in_dim3A_245 : i32 to vector<16xi32>
        %broadcast_in_dim3A_247 = arith.constant 0 : i32
        %broadcast_in_dim3A_248 = vector.broadcast %broadcast_in_dim3A_247 : i32 to vector<16xi32>
        %select_n3A_249 = arith.select %gt3A_240, %broadcast_in_dim3A_246, %broadcast_in_dim3A_248 : vector<16xi1>, vector<16xi32>
        %add3A_250 = arith.addi %scan3A_231, %select_n3A_249 : vector<16xi32>
        %mul3A_251 = arith.constant 10 : i32
        %mul3A_252 = arith.muli %scan3A_229, %mul3A_251 : i32
        %add3A_253 = arith.constant 1 : i32
        %add3A_254 = arith.addi %mul3A_252, %add3A_253 : i32
        %mul3A_255 = arith.constant 16 : i32
        %mul3A_256 = arith.muli %add3A_254, %mul3A_255 : i32
        %get3A_257 = arith.index_cast %mul3A_256 : i32 to index
        %get3A_258 = tpu.vector_load %arg4[%get3A_257] {strides = array<i32>} : memref<20000xf32, #tpu.memory_space<vmem>>, vector<16xf32>,
        %get3A_259 = vector.shape_cast %get3A_258 : vector<16xf32> to vector<16xf32>
        %gt3A_260 = arith.cmpf ogt, %get3A_259, %bitcast_convert_type3A : vector<16xf32>
        %broadcast_in_dim3A_261 = arith.constant 0.000000e+00 : f32
        %broadcast_in_dim3A_262 = vector.broadcast %broadcast_in_dim3A_261 : f32 to vector<16xf32>
        %select_n3A_263 = arith.select %gt3A_260, %get3A_259, %broadcast_in_dim3A_262 : vector<16xi1>, vector<16xf32>
        %add3A_264 = arith.addf %add3A_244, %select_n3A_263 : vector<16xf32>
        %broadcast_in_dim3A_265 = arith.constant 1 : i32
        %broadcast_in_dim3A_266 = vector.broadcast %broadcast_in_dim3A_265 : i32 to vector<16xi32>
        %broadcast_in_dim3A_267 = arith.constant 0 : i32
        %broadcast_in_dim3A_268 = vector.broadcast %broadcast_in_dim3A_267 : i32 to vector<16xi32>
        %select_n3A_269 = arith.select %gt3A_260, %broadcast_in_dim3A_266, %broadcast_in_dim3A_268 : vector<16xi1>, vector<16xi32>
        %add3A_270 = arith.addi %add3A_250, %select_n3A_269 : vector<16xi32>
        %mul3A_271 = arith.constant 10 : i32
        %mul3A_272 = arith.muli %scan3A_229, %mul3A_271 : i32
        %add3A_273 = arith.constant 2 : i32
        %add3A_274 = arith.addi %mul3A_272, %add3A_273 : i32
        %mul3A_275 = arith.constant 16 : i32
        %mul3A_276 = arith.muli %add3A_274, %mul3A_275 : i32
        %get3A_277 = arith.index_cast %mul3A_276 : i32 to index
        %get3A_278 = tpu.vector_load %arg4[%get3A_277] {strides = array<i32>} : memref<20000xf32, #tpu.memory_space<vmem>>, vector<16xf32>,
        %get3A_279 = vector.shape_cast %get3A_278 : vector<16xf32> to vector<16xf32>
        %gt3A_280 = arith.cmpf ogt, %get3A_279, %bitcast_convert_type3A : vector<16xf32>
        %broadcast_in_dim3A_281 = arith.constant 0.000000e+00 : f32
        %broadcast_in_dim3A_282 = vector.broadcast %broadcast_in_dim3A_281 : f32 to vector<16xf32>
        %select_n3A_283 = arith.select %gt3A_280, %get3A_279, %broadcast_in_dim3A_282 : vector<16xi1>, vector<16xf32>
        %add3A_284 = arith.addf %add3A_264, %select_n3A_283 : vector<16xf32>
        %broadcast_in_dim3A_285 = arith.constant 1 : i32
        %broadcast_in_dim3A_286 = vector.broadcast %broadcast_in_dim3A_285 : i32 to vector<16xi32>
        %broadcast_in_dim3A_287 = arith.constant 0 : i32
        %broadcast_in_dim3A_288 = vector.broadcast %broadcast_in_dim3A_287 : i32 to vector<16xi32>
        %select_n3A_289 = arith.select %gt3A_280, %broadcast_in_dim3A_286, %broadcast_in_dim3A_288 : vector<16xi1>, vector<16xi32>
        %add3A_290 = arith.addi %add3A_270, %select_n3A_289 : vector<16xi32>
        %mul3A_291 = arith.constant 10 : i32
        %mul3A_292 = arith.muli %scan3A_229, %mul3A_291 : i32
        %add3A_293 = arith.constant 3 : i32
        %add3A_294 = arith.addi %mul3A_292, %add3A_293 : i32
        %mul3A_295 = arith.constant 16 : i32
        %mul3A_296 = arith.muli %add3A_294, %mul3A_295 : i32
        %get3A_297 = arith.index_cast %mul3A_296 : i32 to index
        %get3A_298 = tpu.vector_load %arg4[%get3A_297] {strides = array<i32>} : memref<20000xf32, #tpu.memory_space<vmem>>, vector<16xf32>,
        %get3A_299 = vector.shape_cast %get3A_298 : vector<16xf32> to vector<16xf32>
        %gt3A_300 = arith.cmpf ogt, %get3A_299, %bitcast_convert_type3A : vector<16xf32>
        %broadcast_in_dim3A_301 = arith.constant 0.000000e+00 : f32
        %broadcast_in_dim3A_302 = vector.broadcast %broadcast_in_dim3A_301 : f32 to vector<16xf32>
        %select_n3A_303 = arith.select %gt3A_300, %get3A_299, %broadcast_in_dim3A_302 : vector<16xi1>, vector<16xf32>
        %add3A_304 = arith.addf %add3A_284, %select_n3A_303 : vector<16xf32>
        %broadcast_in_dim3A_305 = arith.constant 1 : i32
        %broadcast_in_dim3A_306 = vector.broadcast %broadcast_in_dim3A_305 : i32 to vector<16xi32>
        %broadcast_in_dim3A_307 = arith.constant 0 : i32
        %broadcast_in_dim3A_308 = vector.broadcast %broadcast_in_dim3A_307 : i32 to vector<16xi32>
        %select_n3A_309 = arith.select %gt3A_300, %broadcast_in_dim3A_306, %broadcast_in_dim3A_308 : vector<16xi1>, vector<16xi32>
        %add3A_310 = arith.addi %add3A_290, %select_n3A_309 : vector<16xi32>
        %mul3A_311 = arith.constant 10 : i32
        %mul3A_312 = arith.muli %scan3A_229, %mul3A_311 : i32
        %add3A_313 = arith.constant 4 : i32
        %add3A_314 = arith.addi %mul3A_312, %add3A_313 : i32
        %mul3A_315 = arith.constant 16 : i32
        %mul3A_316 = arith.muli %add3A_314, %mul3A_315 : i32
        %get3A_317 = arith.index_cast %mul3A_316 : i32 to index
        %get3A_318 = tpu.vector_load %arg4[%get3A_317] {strides = array<i32>} : memref<20000xf32, #tpu.memory_space<vmem>>, vector<16xf32>,
        %get3A_319 = vector.shape_cast %get3A_318 : vector<16xf32> to vector<16xf32>
        %gt3A_320 = arith.cmpf ogt, %get3A_319, %bitcast_convert_type3A : vector<16xf32>
        %broadcast_in_dim3A_321 = arith.constant 0.000000e+00 : f32
        %broadcast_in_dim3A_322 = vector.broadcast %broadcast_in_dim3A_321 : f32 to vector<16xf32>
        %select_n3A_323 = arith.select %gt3A_320, %get3A_319, %broadcast_in_dim3A_322 : vector<16xi1>, vector<16xf32>
        %add3A_324 = arith.addf %add3A_304, %select_n3A_323 : vector<16xf32>
        %broadcast_in_dim3A_325 = arith.constant 1 : i32
        %broadcast_in_dim3A_326 = vector.broadcast %broadcast_in_dim3A_325 : i32 to vector<16xi32>
        %broadcast_in_dim3A_327 = arith.constant 0 : i32
        %broadcast_in_dim3A_328 = vector.broadcast %broadcast_in_dim3A_327 : i32 to vector<16xi32>
        %select_n3A_329 = arith.select %gt3A_320, %broadcast_in_dim3A_326, %broadcast_in_dim3A_328 : vector<16xi1>, vector<16xi32>
        %add3A_330 = arith.addi %add3A_310, %select_n3A_329 : vector<16xi32>
        %mul3A_331 = arith.constant 10 : i32
        %mul3A_332 = arith.muli %scan3A_229, %mul3A_331 : i32
        %add3A_333 = arith.constant 5 : i32
        %add3A_334 = arith.addi %mul3A_332, %add3A_333 : i32
        %mul3A_335 = arith.constant 16 : i32
        %mul3A_336 = arith.muli %add3A_334, %mul3A_335 : i32
        %get3A_337 = arith.index_cast %mul3A_336 : i32 to index
        %get3A_338 = tpu.vector_load %arg4[%get3A_337] {strides = array<i32>} : memref<20000xf32, #tpu.memory_space<vmem>>, vector<16xf32>,
        %get3A_339 = vector.shape_cast %get3A_338 : vector<16xf32> to vector<16xf32>
        %gt3A_340 = arith.cmpf ogt, %get3A_339, %bitcast_convert_type3A : vector<16xf32>
        %broadcast_in_dim3A_341 = arith.constant 0.000000e+00 : f32
        %broadcast_in_dim3A_342 = vector.broadcast %broadcast_in_dim3A_341 : f32 to vector<16xf32>
        %select_n3A_343 = arith.select %gt3A_340, %get3A_339, %broadcast_in_dim3A_342 : vector<16xi1>, vector<16xf32>
        %add3A_344 = arith.addf %add3A_324, %select_n3A_343 : vector<16xf32>
        %broadcast_in_dim3A_345 = arith.constant 1 : i32
        %broadcast_in_dim3A_346 = vector.broadcast %broadcast_in_dim3A_345 : i32 to vector<16xi32>
        %broadcast_in_dim3A_347 = arith.constant 0 : i32
        %broadcast_in_dim3A_348 = vector.broadcast %broadcast_in_dim3A_347 : i32 to vector<16xi32>
        %select_n3A_349 = arith.select %gt3A_340, %broadcast_in_dim3A_346, %broadcast_in_dim3A_348 : vector<16xi1>, vector<16xi32>
        %add3A_350 = arith.addi %add3A_330, %select_n3A_349 : vector<16xi32>
        %mul3A_351 = arith.constant 10 : i32
        %mul3A_352 = arith.muli %scan3A_229, %mul3A_351 : i32
        %add3A_353 = arith.constant 6 : i32
        %add3A_354 = arith.addi %mul3A_352, %add3A_353 : i32
        %mul3A_355 = arith.constant 16 : i32
        %mul3A_356 = arith.muli %add3A_354, %mul3A_355 : i32
        %get3A_357 = arith.index_cast %mul3A_356 : i32 to index
        %get3A_358 = tpu.vector_load %arg4[%get3A_357] {strides = array<i32>} : memref<20000xf32, #tpu.memory_space<vmem>>, vector<16xf32>,
        %get3A_359 = vector.shape_cast %get3A_358 : vector<16xf32> to vector<16xf32>
        %gt3A_360 = arith.cmpf ogt, %get3A_359, %bitcast_convert_type3A : vector<16xf32>
        %broadcast_in_dim3A_361 = arith.constant 0.000000e+00 : f32
        %broadcast_in_dim3A_362 = vector.broadcast %broadcast_in_dim3A_361 : f32 to vector<16xf32>
        %select_n3A_363 = arith.select %gt3A_360, %get3A_359, %broadcast_in_dim3A_362 : vector<16xi1>, vector<16xf32>
        %add3A_364 = arith.addf %add3A_344, %select_n3A_363 : vector<16xf32>
        %broadcast_in_dim3A_365 = arith.constant 1 : i32
        %broadcast_in_dim3A_366 = vector.broadcast %broadcast_in_dim3A_365 : i32 to vector<16xi32>
        %broadcast_in_dim3A_367 = arith.constant 0 : i32
        %broadcast_in_dim3A_368 = vector.broadcast %broadcast_in_dim3A_367 : i32 to vector<16xi32>
        %select_n3A_369 = arith.select %gt3A_360, %broadcast_in_dim3A_366, %broadcast_in_dim3A_368 : vector<16xi1>, vector<16xi32>
        %add3A_370 = arith.addi %add3A_350, %select_n3A_369 : vector<16xi32>
        %mul3A_371 = arith.constant 10 : i32
        %mul3A_372 = arith.muli %scan3A_229, %mul3A_371 : i32
        %add3A_373 = arith.constant 7 : i32
        %add3A_374 = arith.addi %mul3A_372, %add3A_373 : i32
        %mul3A_375 = arith.constant 16 : i32
        %mul3A_376 = arith.muli %add3A_374, %mul3A_375 : i32
        %get3A_377 = arith.index_cast %mul3A_376 : i32 to index
        %get3A_378 = tpu.vector_load %arg4[%get3A_377] {strides = array<i32>} : memref<20000xf32, #tpu.memory_space<vmem>>, vector<16xf32>,
        %get3A_379 = vector.shape_cast %get3A_378 : vector<16xf32> to vector<16xf32>
        %gt3A_380 = arith.cmpf ogt, %get3A_379, %bitcast_convert_type3A : vector<16xf32>
        %broadcast_in_dim3A_381 = arith.constant 0.000000e+00 : f32
        %broadcast_in_dim3A_382 = vector.broadcast %broadcast_in_dim3A_381 : f32 to vector<16xf32>
        %select_n3A_383 = arith.select %gt3A_380, %get3A_379, %broadcast_in_dim3A_382 : vector<16xi1>, vector<16xf32>
        %add3A_384 = arith.addf %add3A_364, %select_n3A_383 : vector<16xf32>
        %broadcast_in_dim3A_385 = arith.constant 1 : i32
        %broadcast_in_dim3A_386 = vector.broadcast %broadcast_in_dim3A_385 : i32 to vector<16xi32>
        %broadcast_in_dim3A_387 = arith.constant 0 : i32
        %broadcast_in_dim3A_388 = vector.broadcast %broadcast_in_dim3A_387 : i32 to vector<16xi32>
        %select_n3A_389 = arith.select %gt3A_380, %broadcast_in_dim3A_386, %broadcast_in_dim3A_388 : vector<16xi1>, vector<16xi32>
        %add3A_390 = arith.addi %add3A_370, %select_n3A_389 : vector<16xi32>
        %mul3A_391 = arith.constant 10 : i32
        %mul3A_392 = arith.muli %scan3A_229, %mul3A_391 : i32
        %add3A_393 = arith.constant 8 : i32
        %add3A_394 = arith.addi %mul3A_392, %add3A_393 : i32
        %mul3A_395 = arith.constant 16 : i32
        %mul3A_396 = arith.muli %add3A_394, %mul3A_395 : i32
        %get3A_397 = arith.index_cast %mul3A_396 : i32 to index
        %get3A_398 = tpu.vector_load %arg4[%get3A_397] {strides = array<i32>} : memref<20000xf32, #tpu.memory_space<vmem>>, vector<16xf32>,
        %get3A_399 = vector.shape_cast %get3A_398 : vector<16xf32> to vector<16xf32>
        %gt3A_400 = arith.cmpf ogt, %get3A_399, %bitcast_convert_type3A : vector<16xf32>
        %broadcast_in_dim3A_401 = arith.constant 0.000000e+00 : f32
        %broadcast_in_dim3A_402 = vector.broadcast %broadcast_in_dim3A_401 : f32 to vector<16xf32>
        %select_n3A_403 = arith.select %gt3A_400, %get3A_399, %broadcast_in_dim3A_402 : vector<16xi1>, vector<16xf32>
        %add3A_404 = arith.addf %add3A_384, %select_n3A_403 : vector<16xf32>
        %broadcast_in_dim3A_405 = arith.constant 1 : i32
        %broadcast_in_dim3A_406 = vector.broadcast %broadcast_in_dim3A_405 : i32 to vector<16xi32>
        %broadcast_in_dim3A_407 = arith.constant 0 : i32
        %broadcast_in_dim3A_408 = vector.broadcast %broadcast_in_dim3A_407 : i32 to vector<16xi32>
        %select_n3A_409 = arith.select %gt3A_400, %broadcast_in_dim3A_406, %broadcast_in_dim3A_408 : vector<16xi1>, vector<16xi32>
        %add3A_410 = arith.addi %add3A_390, %select_n3A_409 : vector<16xi32>
        %mul3A_411 = arith.constant 10 : i32
        %mul3A_412 = arith.muli %scan3A_229, %mul3A_411 : i32
        %add3A_413 = arith.constant 9 : i32
        %add3A_414 = arith.addi %mul3A_412, %add3A_413 : i32
        %mul3A_415 = arith.constant 16 : i32
        %mul3A_416 = arith.muli %add3A_414, %mul3A_415 : i32
        %get3A_417 = arith.index_cast %mul3A_416 : i32 to index
        %get3A_418 = tpu.vector_load %arg4[%get3A_417] {strides = array<i32>} : memref<20000xf32, #tpu.memory_space<vmem>>, vector<16xf32>,
        %get3A_419 = vector.shape_cast %get3A_418 : vector<16xf32> to vector<16xf32>
        %gt3A_420 = arith.cmpf ogt, %get3A_419, %bitcast_convert_type3A : vector<16xf32>
        %broadcast_in_dim3A_421 = arith.constant 0.000000e+00 : f32
        %broadcast_in_dim3A_422 = vector.broadcast %broadcast_in_dim3A_421 : f32 to vector<16xf32>
        %select_n3A_423 = arith.select %gt3A_420, %get3A_419, %broadcast_in_dim3A_422 : vector<16xi1>, vector<16xf32>
        %add3A_424 = arith.addf %add3A_404, %select_n3A_423 : vector<16xf32>
        %broadcast_in_dim3A_425 = arith.constant 1 : i32
        %broadcast_in_dim3A_426 = vector.broadcast %broadcast_in_dim3A_425 : i32 to vector<16xi32>
        %broadcast_in_dim3A_427 = arith.constant 0 : i32
        %broadcast_in_dim3A_428 = vector.broadcast %broadcast_in_dim3A_427 : i32 to vector<16xi32>
        %select_n3A_429 = arith.select %gt3A_420, %broadcast_in_dim3A_426, %broadcast_in_dim3A_428 : vector<16xi1>, vector<16xi32>
        %add3A_430 = arith.addi %add3A_410, %select_n3A_429 : vector<16xi32>
        scf.yield %add3A_424, %add3A_430 : vector<16xf32>, vector<16xi32>
      }
      %scan3A_172 = arith.constant 125 : i32
      %slice3A_173 = vector.extract_strided_slice %scan3A_171#1 {offsets = [0], sizes = [1], strides = [1]} : vector<16xi32> to vector<1xi32>
      %squeeze3A_174 = vector.extract %slice3A_173[0] : i32 from vector<1xi32>
      %slice3A_175 = vector.extract_strided_slice %scan3A_171#1 {offsets = [1], sizes = [1], strides = [1]} : vector<16xi32> to vector<1xi32>
      %squeeze3A_176 = vector.extract %slice3A_175[0] : i32 from vector<1xi32>
      %add3A_177 = arith.addi %squeeze3A_174, %squeeze3A_176 : i32
      %slice3A_178 = vector.extract_strided_slice %scan3A_171#1 {offsets = [2], sizes = [1], strides = [1]} : vector<16xi32> to vector<1xi32>
      %squeeze3A_179 = vector.extract %slice3A_178[0] : i32 from vector<1xi32>
      %add3A_180 = arith.addi %add3A_177, %squeeze3A_179 : i32
      %slice3A_181 = vector.extract_strided_slice %scan3A_171#1 {offsets = [3], sizes = [1], strides = [1]} : vector<16xi32> to vector<1xi32>
      %squeeze3A_182 = vector.extract %slice3A_181[0] : i32 from vector<1xi32>
      %add3A_183 = arith.addi %add3A_180, %squeeze3A_182 : i32
      %slice3A_184 = vector.extract_strided_slice %scan3A_171#1 {offsets = [4], sizes = [1], strides = [1]} : vector<16xi32> to vector<1xi32>
      %squeeze3A_185 = vector.extract %slice3A_184[0] : i32 from vector<1xi32>
      %add3A_186 = arith.addi %add3A_183, %squeeze3A_185 : i32
      %slice3A_187 = vector.extract_strided_slice %scan3A_171#1 {offsets = [5], sizes = [1], strides = [1]} : vector<16xi32> to vector<1xi32>
      %squeeze3A_188 = vector.extract %slice3A_187[0] : i32 from vector<1xi32>
      %add3A_189 = arith.addi %add3A_186, %squeeze3A_188 : i32
      %slice3A_190 = vector.extract_strided_slice %scan3A_171#1 {offsets = [6], sizes = [1], strides = [1]} : vector<16xi32> to vector<1xi32>
      %squeeze3A_191 = vector.extract %slice3A_190[0] : i32 from vector<1xi32>
      %add3A_192 = arith.addi %add3A_189, %squeeze3A_191 : i32
      %slice3A_193 = vector.extract_strided_slice %scan3A_171#1 {offsets = [7], sizes = [1], strides = [1]} : vector<16xi32> to vector<1xi32>
      %squeeze3A_194 = vector.extract %slice3A_193[0] : i32 from vector<1xi32>
      %add3A_195 = arith.addi %add3A_192, %squeeze3A_194 : i32
      %slice3A_196 = vector.extract_strided_slice %scan3A_171#1 {offsets = [8], sizes = [1], strides = [1]} : vector<16xi32> to vector<1xi32>
      %squeeze3A_197 = vector.extract %slice3A_196[0] : i32 from vector<1xi32>
      %add3A_198 = arith.addi %add3A_195, %squeeze3A_197 : i32
      %slice3A_199 = vector.extract_strided_slice %scan3A_171#1 {offsets = [9], sizes = [1], strides = [1]} : vector<16xi32> to vector<1xi32>
      %squeeze3A_200 = vector.extract %slice3A_199[0] : i32 from vector<1xi32>
      %add3A_201 = arith.addi %add3A_198, %squeeze3A_200 : i32
      %slice3A_202 = vector.extract_strided_slice %scan3A_171#1 {offsets = [10], sizes = [1], strides = [1]} : vector<16xi32> to vector<1xi32>
      %squeeze3A_203 = vector.extract %slice3A_202[0] : i32 from vector<1xi32>
      %add3A_204 = arith.addi %add3A_201, %squeeze3A_203 : i32
      %slice3A_205 = vector.extract_strided_slice %scan3A_171#1 {offsets = [11], sizes = [1], strides = [1]} : vector<16xi32> to vector<1xi32>
      %squeeze3A_206 = vector.extract %slice3A_205[0] : i32 from vector<1xi32>
      %add3A_207 = arith.addi %add3A_204, %squeeze3A_206 : i32
      %slice3A_208 = vector.extract_strided_slice %scan3A_171#1 {offsets = [12], sizes = [1], strides = [1]} : vector<16xi32> to vector<1xi32>
      %squeeze3A_209 = vector.extract %slice3A_208[0] : i32 from vector<1xi32>
      %add3A_210 = arith.addi %add3A_207, %squeeze3A_209 : i32
      %slice3A_211 = vector.extract_strided_slice %scan3A_171#1 {offsets = [13], sizes = [1], strides = [1]} : vector<16xi32> to vector<1xi32>
      %squeeze3A_212 = vector.extract %slice3A_211[0] : i32 from vector<1xi32>
      %add3A_213 = arith.addi %add3A_210, %squeeze3A_212 : i32
      %slice3A_214 = vector.extract_strided_slice %scan3A_171#1 {offsets = [14], sizes = [1], strides = [1]} : vector<16xi32> to vector<1xi32>
      %squeeze3A_215 = vector.extract %slice3A_214[0] : i32 from vector<1xi32>
      %add3A_216 = arith.addi %add3A_213, %squeeze3A_215 : i32
      %slice3A_217 = vector.extract_strided_slice %scan3A_171#1 {offsets = [15], sizes = [1], strides = [1]} : vector<16xi32> to vector<1xi32>
      %squeeze3A_218 = vector.extract %slice3A_217[0] : i32 from vector<1xi32>
      %add3A_219 = arith.addi %add3A_216, %squeeze3A_218 : i32
      %convert_element_type3A_220 = arith.sitofp %add3A_219 : i32 to f32
      %sub3A = arith.subf %convert_element_type3A, %convert_element_type3A_220 : f32
      %mul3A_221 = arith.constant 6.250000e-02 : f32
      %mul3A_222 = arith.mulf %sub3A, %mul3A_221 : f32
      %broadcast_in_dim3A_223 = vector.broadcast %mul3A_222 : f32 to vector<16xf32>
      %mul3A_224 = arith.mulf %bitcast_convert_type3A, %broadcast_in_dim3A_223 : vector<16xf32>
      %add3A_225 = arith.addf %scan3A_171#0, %mul3A_224 : vector<16xf32>
      %swap3A = arith.constant 0 : index
      %swap3A_226 = tpu.vector_load %arg5[%swap3A] {strides = array<i32>} : memref<16xf32, #tpu.memory_space<vmem>>, vector<16xf32>,
      %swap3A_227 = vector.shape_cast %swap3A_226 : vector<16xf32> to vector<16xf32>
      %swap3A_228 = vector.shape_cast %add3A_225 : vector<16xf32> to vector<16xf32>
      tpu.vector_store %arg5[%swap3A], %swap3A_228 {strides = array<i32>} : memref<16xf32, #tpu.memory_space<vmem>>, vector<16xf32>,
    } else {
    }
    "tpu.region"() ({
      %run_scoped3A = tpu.sem_alloc : memref<!tpu.dma_semaphore, #tpu.memory_space<semaphore_mem>>
      %dma_start3A = arith.constant 0 : i32
      %dma_start3A_153 = tpu.memref_slice %arg3[%add3A_4, %dma_start3A] : memref<64x16xf32, #tpu.memory_space<hbm>> -> memref<1x16xf32, #tpu.memory_space<hbm>>
      %dma_start3A_154 = tpu.memref_squeeze %dma_start3A_153 : memref<1x16xf32, #tpu.memory_space<hbm>> -> memref<16xf32, #tpu.memory_space<hbm>>
      %dma_start3A_155 = arith.constant 0 : i32
      %dma_start3A_156 = tpu.memref_slice %arg3[%add3A_4, %dma_start3A_155] : memref<64x16xf32, #tpu.memory_space<hbm>> -> memref<1x16xf32, #tpu.memory_space<hbm>>
      %dma_start3A_157 = tpu.memref_squeeze %dma_start3A_156 : memref<1x16xf32, #tpu.memory_space<hbm>> -> memref<16xf32, #tpu.memory_space<hbm>>
      tpu.enqueue_dma source(%arg5 : memref<16xf32, #tpu.memory_space<vmem>>) target(%dma_start3A_157 : memref<16xf32, #tpu.memory_space<hbm>>) target_semaphore(%run_scoped3A : memref<!tpu.dma_semaphore, #tpu.memory_space<semaphore_mem>>)
      %dma_wait3A = arith.constant 0 : i32
      %dma_wait3A_158 = tpu.memref_slice %arg3[%add3A_4, %dma_wait3A] : memref<64x16xf32, #tpu.memory_space<hbm>> -> memref<1x16xf32, #tpu.memory_space<hbm>>
      %dma_wait3A_159 = tpu.memref_squeeze %dma_wait3A_158 : memref<1x16xf32, #tpu.memory_space<hbm>> -> memref<16xf32, #tpu.memory_space<hbm>>
      %dma_wait3A_160 = arith.constant 0 : i32
      %dma_wait3A_161 = tpu.memref_slice %arg3[%add3A_4, %dma_wait3A_160] : memref<64x16xf32, #tpu.memory_space<hbm>> -> memref<1x16xf32, #tpu.memory_space<hbm>>
      %dma_wait3A_162 = tpu.memref_squeeze %dma_wait3A_161 : memref<1x16xf32, #tpu.memory_space<hbm>> -> memref<16xf32, #tpu.memory_space<hbm>>
      tpu.wait_dma2 semaphore(%run_scoped3A : memref<!tpu.dma_semaphore, #tpu.memory_space<semaphore_mem>>) src(%arg5 : memref<16xf32, #tpu.memory_space<vmem>>) dst(%dma_wait3A_162 : memref<16xf32, #tpu.memory_space<hbm>>)
      tpu.yield
    }) : () -> ()
    %mul3A_71 = arith.constant 2 : i32
    %mul3A_72 = arith.muli %add3A, %mul3A_71 : i32
    %add3A_73 = arith.constant 1 : i32
    %add3A_74 = arith.addi %mul3A_72, %add3A_73 : i32
    "tpu.region"() ({
      %run_scoped3A = tpu.sem_alloc : memref<!tpu.dma_semaphore, #tpu.memory_space<semaphore_mem>>
      %dma_start3A = arith.constant 0 : i32
      %dma_start3A_153 = tpu.memref_slice %arg2[%add3A_74, %dma_start3A] : memref<64x20000xf32, #tpu.memory_space<hbm>> -> memref<1x20000xf32, #tpu.memory_space<hbm>>
      %dma_start3A_154 = tpu.memref_squeeze %dma_start3A_153 : memref<1x20000xf32, #tpu.memory_space<hbm>> -> memref<20000xf32, #tpu.memory_space<hbm>>
      %dma_start3A_155 = arith.constant 0 : i32
      %dma_start3A_156 = tpu.memref_slice %arg2[%add3A_74, %dma_start3A_155] : memref<64x20000xf32, #tpu.memory_space<hbm>> -> memref<1x20000xf32, #tpu.memory_space<hbm>>
      %dma_start3A_157 = tpu.memref_squeeze %dma_start3A_156 : memref<1x20000xf32, #tpu.memory_space<hbm>> -> memref<20000xf32, #tpu.memory_space<hbm>>
      tpu.enqueue_dma source(%dma_start3A_157 : memref<20000xf32, #tpu.memory_space<hbm>>) target(%arg4 : memref<20000xf32, #tpu.memory_space<vmem>>) target_semaphore(%run_scoped3A : memref<!tpu.dma_semaphore, #tpu.memory_space<semaphore_mem>>)
      %dma_wait3A = arith.constant 0 : i32
      %dma_wait3A_158 = tpu.memref_slice %arg2[%add3A_74, %dma_wait3A] : memref<64x20000xf32, #tpu.memory_space<hbm>> -> memref<1x20000xf32, #tpu.memory_space<hbm>>
      %dma_wait3A_159 = tpu.memref_squeeze %dma_wait3A_158 : memref<1x20000xf32, #tpu.memory_space<hbm>> -> memref<20000xf32, #tpu.memory_space<hbm>>
      %dma_wait3A_160 = arith.constant 0 : i32
      %dma_wait3A_161 = tpu.memref_slice %arg2[%add3A_74, %dma_wait3A_160] : memref<64x20000xf32, #tpu.memory_space<hbm>> -> memref<1x20000xf32, #tpu.memory_space<hbm>>
      %dma_wait3A_162 = tpu.memref_squeeze %dma_wait3A_161 : memref<1x20000xf32, #tpu.memory_space<hbm>> -> memref<20000xf32, #tpu.memory_space<hbm>>
      tpu.wait_dma2 semaphore(%run_scoped3A : memref<!tpu.dma_semaphore, #tpu.memory_space<semaphore_mem>>) src(%dma_wait3A_162 : memref<20000xf32, #tpu.memory_space<hbm>>) dst(%arg4 : memref<20000xf32, #tpu.memory_space<vmem>>)
      tpu.yield
    }) : () -> ()
    %broadcast_in_dim3A_75 = arith.constant 0.000000e+00 : f32
    %broadcast_in_dim3A_76 = vector.broadcast %broadcast_in_dim3A_75 : f32 to vector<16xf32>
    %broadcast_in_dim3A_77 = arith.constant 0 : i32
    %broadcast_in_dim3A_78 = vector.broadcast %broadcast_in_dim3A_77 : i32 to vector<16xi32>
    %scan3A_79 = arith.constant 0 : i32
    %scan3A_80 = arith.constant 125 : i32
    %scan3A_81 = arith.addi %scan3A_79, %scan3A_80 : i32
    %scan3A_82 = arith.constant 1 : i32
    %scan3A_83:2 = scf.for %scan3A_153 = %scan3A_79 to %scan3A_81 step %scan3A_82 iter_args(%scan3A_154 = %broadcast_in_dim3A_76, %scan3A_155 = %broadcast_in_dim3A_78) -> (vector<16xf32>, vector<16xi32>)  : i32 {
      %mul3A_156 = arith.constant 10 : i32
      %mul3A_157 = arith.muli %scan3A_153, %mul3A_156 : i32
      %add3A_158 = arith.constant 0 : i32
      %add3A_159 = arith.addi %mul3A_157, %add3A_158 : i32
      %mul3A_160 = arith.constant 16 : i32
      %mul3A_161 = arith.muli %add3A_159, %mul3A_160 : i32
      %get3A = arith.index_cast %mul3A_161 : i32 to index
      %get3A_162 = tpu.vector_load %arg4[%get3A] {strides = array<i32>} : memref<20000xf32, #tpu.memory_space<vmem>>, vector<16xf32>,
      %get3A_163 = vector.shape_cast %get3A_162 : vector<16xf32> to vector<16xf32>
      %bitcast_convert_type3A = tpu.bitcast %get3A_163 : vector<16xf32> -> vector<16xi32>
      %add3A_164 = arith.addf %scan3A_154, %get3A_163 : vector<16xf32>
      %lt3A_165 = arith.constant 0 : i32
      %lt3A_166 = vector.broadcast %lt3A_165 : i32 to vector<16xi32>
      %lt3A_167 = arith.cmpi slt, %bitcast_convert_type3A, %lt3A_166 : vector<16xi32>
      %broadcast_in_dim3A_168 = arith.constant 1 : i32
      %broadcast_in_dim3A_169 = vector.broadcast %broadcast_in_dim3A_168 : i32 to vector<16xi32>
      %broadcast_in_dim3A_170 = arith.constant 0 : i32
      %broadcast_in_dim3A_171 = vector.broadcast %broadcast_in_dim3A_170 : i32 to vector<16xi32>
      %select_n3A_172 = arith.select %lt3A_167, %broadcast_in_dim3A_169, %broadcast_in_dim3A_171 : vector<16xi1>, vector<16xi32>
      %add3A_173 = arith.addi %scan3A_155, %select_n3A_172 : vector<16xi32>
      %mul3A_174 = arith.constant 10 : i32
      %mul3A_175 = arith.muli %scan3A_153, %mul3A_174 : i32
      %add3A_176 = arith.constant 1 : i32
      %add3A_177 = arith.addi %mul3A_175, %add3A_176 : i32
      %mul3A_178 = arith.constant 16 : i32
      %mul3A_179 = arith.muli %add3A_177, %mul3A_178 : i32
      %get3A_180 = arith.index_cast %mul3A_179 : i32 to index
      %get3A_181 = tpu.vector_load %arg4[%get3A_180] {strides = array<i32>} : memref<20000xf32, #tpu.memory_space<vmem>>, vector<16xf32>,
      %get3A_182 = vector.shape_cast %get3A_181 : vector<16xf32> to vector<16xf32>
      %bitcast_convert_type3A_183 = tpu.bitcast %get3A_182 : vector<16xf32> -> vector<16xi32>
      %add3A_184 = arith.addf %add3A_164, %get3A_182 : vector<16xf32>
      %lt3A_185 = arith.constant 0 : i32
      %lt3A_186 = vector.broadcast %lt3A_185 : i32 to vector<16xi32>
      %lt3A_187 = arith.cmpi slt, %bitcast_convert_type3A_183, %lt3A_186 : vector<16xi32>
      %broadcast_in_dim3A_188 = arith.constant 1 : i32
      %broadcast_in_dim3A_189 = vector.broadcast %broadcast_in_dim3A_188 : i32 to vector<16xi32>
      %broadcast_in_dim3A_190 = arith.constant 0 : i32
      %broadcast_in_dim3A_191 = vector.broadcast %broadcast_in_dim3A_190 : i32 to vector<16xi32>
      %select_n3A_192 = arith.select %lt3A_187, %broadcast_in_dim3A_189, %broadcast_in_dim3A_191 : vector<16xi1>, vector<16xi32>
      %add3A_193 = arith.addi %add3A_173, %select_n3A_192 : vector<16xi32>
      %mul3A_194 = arith.constant 10 : i32
      %mul3A_195 = arith.muli %scan3A_153, %mul3A_194 : i32
      %add3A_196 = arith.constant 2 : i32
      %add3A_197 = arith.addi %mul3A_195, %add3A_196 : i32
      %mul3A_198 = arith.constant 16 : i32
      %mul3A_199 = arith.muli %add3A_197, %mul3A_198 : i32
      %get3A_200 = arith.index_cast %mul3A_199 : i32 to index
      %get3A_201 = tpu.vector_load %arg4[%get3A_200] {strides = array<i32>} : memref<20000xf32, #tpu.memory_space<vmem>>, vector<16xf32>,
      %get3A_202 = vector.shape_cast %get3A_201 : vector<16xf32> to vector<16xf32>
      %bitcast_convert_type3A_203 = tpu.bitcast %get3A_202 : vector<16xf32> -> vector<16xi32>
      %add3A_204 = arith.addf %add3A_184, %get3A_202 : vector<16xf32>
      %lt3A_205 = arith.constant 0 : i32
      %lt3A_206 = vector.broadcast %lt3A_205 : i32 to vector<16xi32>
      %lt3A_207 = arith.cmpi slt, %bitcast_convert_type3A_203, %lt3A_206 : vector<16xi32>
      %broadcast_in_dim3A_208 = arith.constant 1 : i32
      %broadcast_in_dim3A_209 = vector.broadcast %broadcast_in_dim3A_208 : i32 to vector<16xi32>
      %broadcast_in_dim3A_210 = arith.constant 0 : i32
      %broadcast_in_dim3A_211 = vector.broadcast %broadcast_in_dim3A_210 : i32 to vector<16xi32>
      %select_n3A_212 = arith.select %lt3A_207, %broadcast_in_dim3A_209, %broadcast_in_dim3A_211 : vector<16xi1>, vector<16xi32>
      %add3A_213 = arith.addi %add3A_193, %select_n3A_212 : vector<16xi32>
      %mul3A_214 = arith.constant 10 : i32
      %mul3A_215 = arith.muli %scan3A_153, %mul3A_214 : i32
      %add3A_216 = arith.constant 3 : i32
      %add3A_217 = arith.addi %mul3A_215, %add3A_216 : i32
      %mul3A_218 = arith.constant 16 : i32
      %mul3A_219 = arith.muli %add3A_217, %mul3A_218 : i32
      %get3A_220 = arith.index_cast %mul3A_219 : i32 to index
      %get3A_221 = tpu.vector_load %arg4[%get3A_220] {strides = array<i32>} : memref<20000xf32, #tpu.memory_space<vmem>>, vector<16xf32>,
      %get3A_222 = vector.shape_cast %get3A_221 : vector<16xf32> to vector<16xf32>
      %bitcast_convert_type3A_223 = tpu.bitcast %get3A_222 : vector<16xf32> -> vector<16xi32>
      %add3A_224 = arith.addf %add3A_204, %get3A_222 : vector<16xf32>
      %lt3A_225 = arith.constant 0 : i32
      %lt3A_226 = vector.broadcast %lt3A_225 : i32 to vector<16xi32>
      %lt3A_227 = arith.cmpi slt, %bitcast_convert_type3A_223, %lt3A_226 : vector<16xi32>
      %broadcast_in_dim3A_228 = arith.constant 1 : i32
      %broadcast_in_dim3A_229 = vector.broadcast %broadcast_in_dim3A_228 : i32 to vector<16xi32>
      %broadcast_in_dim3A_230 = arith.constant 0 : i32
      %broadcast_in_dim3A_231 = vector.broadcast %broadcast_in_dim3A_230 : i32 to vector<16xi32>
      %select_n3A_232 = arith.select %lt3A_227, %broadcast_in_dim3A_229, %broadcast_in_dim3A_231 : vector<16xi1>, vector<16xi32>
      %add3A_233 = arith.addi %add3A_213, %select_n3A_232 : vector<16xi32>
      %mul3A_234 = arith.constant 10 : i32
      %mul3A_235 = arith.muli %scan3A_153, %mul3A_234 : i32
      %add3A_236 = arith.constant 4 : i32
      %add3A_237 = arith.addi %mul3A_235, %add3A_236 : i32
      %mul3A_238 = arith.constant 16 : i32
      %mul3A_239 = arith.muli %add3A_237, %mul3A_238 : i32
      %get3A_240 = arith.index_cast %mul3A_239 : i32 to index
      %get3A_241 = tpu.vector_load %arg4[%get3A_240] {strides = array<i32>} : memref<20000xf32, #tpu.memory_space<vmem>>, vector<16xf32>,
      %get3A_242 = vector.shape_cast %get3A_241 : vector<16xf32> to vector<16xf32>
      %bitcast_convert_type3A_243 = tpu.bitcast %get3A_242 : vector<16xf32> -> vector<16xi32>
      %add3A_244 = arith.addf %add3A_224, %get3A_242 : vector<16xf32>
      %lt3A_245 = arith.constant 0 : i32
      %lt3A_246 = vector.broadcast %lt3A_245 : i32 to vector<16xi32>
      %lt3A_247 = arith.cmpi slt, %bitcast_convert_type3A_243, %lt3A_246 : vector<16xi32>
      %broadcast_in_dim3A_248 = arith.constant 1 : i32
      %broadcast_in_dim3A_249 = vector.broadcast %broadcast_in_dim3A_248 : i32 to vector<16xi32>
      %broadcast_in_dim3A_250 = arith.constant 0 : i32
      %broadcast_in_dim3A_251 = vector.broadcast %broadcast_in_dim3A_250 : i32 to vector<16xi32>
      %select_n3A_252 = arith.select %lt3A_247, %broadcast_in_dim3A_249, %broadcast_in_dim3A_251 : vector<16xi1>, vector<16xi32>
      %add3A_253 = arith.addi %add3A_233, %select_n3A_252 : vector<16xi32>
      %mul3A_254 = arith.constant 10 : i32
      %mul3A_255 = arith.muli %scan3A_153, %mul3A_254 : i32
      %add3A_256 = arith.constant 5 : i32
      %add3A_257 = arith.addi %mul3A_255, %add3A_256 : i32
      %mul3A_258 = arith.constant 16 : i32
      %mul3A_259 = arith.muli %add3A_257, %mul3A_258 : i32
      %get3A_260 = arith.index_cast %mul3A_259 : i32 to index
      %get3A_261 = tpu.vector_load %arg4[%get3A_260] {strides = array<i32>} : memref<20000xf32, #tpu.memory_space<vmem>>, vector<16xf32>,
      %get3A_262 = vector.shape_cast %get3A_261 : vector<16xf32> to vector<16xf32>
      %bitcast_convert_type3A_263 = tpu.bitcast %get3A_262 : vector<16xf32> -> vector<16xi32>
      %add3A_264 = arith.addf %add3A_244, %get3A_262 : vector<16xf32>
      %lt3A_265 = arith.constant 0 : i32
      %lt3A_266 = vector.broadcast %lt3A_265 : i32 to vector<16xi32>
      %lt3A_267 = arith.cmpi slt, %bitcast_convert_type3A_263, %lt3A_266 : vector<16xi32>
      %broadcast_in_dim3A_268 = arith.constant 1 : i32
      %broadcast_in_dim3A_269 = vector.broadcast %broadcast_in_dim3A_268 : i32 to vector<16xi32>
      %broadcast_in_dim3A_270 = arith.constant 0 : i32
      %broadcast_in_dim3A_271 = vector.broadcast %broadcast_in_dim3A_270 : i32 to vector<16xi32>
      %select_n3A_272 = arith.select %lt3A_267, %broadcast_in_dim3A_269, %broadcast_in_dim3A_271 : vector<16xi1>, vector<16xi32>
      %add3A_273 = arith.addi %add3A_253, %select_n3A_272 : vector<16xi32>
      %mul3A_274 = arith.constant 10 : i32
      %mul3A_275 = arith.muli %scan3A_153, %mul3A_274 : i32
      %add3A_276 = arith.constant 6 : i32
      %add3A_277 = arith.addi %mul3A_275, %add3A_276 : i32
      %mul3A_278 = arith.constant 16 : i32
      %mul3A_279 = arith.muli %add3A_277, %mul3A_278 : i32
      %get3A_280 = arith.index_cast %mul3A_279 : i32 to index
      %get3A_281 = tpu.vector_load %arg4[%get3A_280] {strides = array<i32>} : memref<20000xf32, #tpu.memory_space<vmem>>, vector<16xf32>,
      %get3A_282 = vector.shape_cast %get3A_281 : vector<16xf32> to vector<16xf32>
      %bitcast_convert_type3A_283 = tpu.bitcast %get3A_282 : vector<16xf32> -> vector<16xi32>
      %add3A_284 = arith.addf %add3A_264, %get3A_282 : vector<16xf32>
      %lt3A_285 = arith.constant 0 : i32
      %lt3A_286 = vector.broadcast %lt3A_285 : i32 to vector<16xi32>
      %lt3A_287 = arith.cmpi slt, %bitcast_convert_type3A_283, %lt3A_286 : vector<16xi32>
      %broadcast_in_dim3A_288 = arith.constant 1 : i32
      %broadcast_in_dim3A_289 = vector.broadcast %broadcast_in_dim3A_288 : i32 to vector<16xi32>
      %broadcast_in_dim3A_290 = arith.constant 0 : i32
      %broadcast_in_dim3A_291 = vector.broadcast %broadcast_in_dim3A_290 : i32 to vector<16xi32>
      %select_n3A_292 = arith.select %lt3A_287, %broadcast_in_dim3A_289, %broadcast_in_dim3A_291 : vector<16xi1>, vector<16xi32>
      %add3A_293 = arith.addi %add3A_273, %select_n3A_292 : vector<16xi32>
      %mul3A_294 = arith.constant 10 : i32
      %mul3A_295 = arith.muli %scan3A_153, %mul3A_294 : i32
      %add3A_296 = arith.constant 7 : i32
      %add3A_297 = arith.addi %mul3A_295, %add3A_296 : i32
      %mul3A_298 = arith.constant 16 : i32
      %mul3A_299 = arith.muli %add3A_297, %mul3A_298 : i32
      %get3A_300 = arith.index_cast %mul3A_299 : i32 to index
      %get3A_301 = tpu.vector_load %arg4[%get3A_300] {strides = array<i32>} : memref<20000xf32, #tpu.memory_space<vmem>>, vector<16xf32>,
      %get3A_302 = vector.shape_cast %get3A_301 : vector<16xf32> to vector<16xf32>
      %bitcast_convert_type3A_303 = tpu.bitcast %get3A_302 : vector<16xf32> -> vector<16xi32>
      %add3A_304 = arith.addf %add3A_284, %get3A_302 : vector<16xf32>
      %lt3A_305 = arith.constant 0 : i32
      %lt3A_306 = vector.broadcast %lt3A_305 : i32 to vector<16xi32>
      %lt3A_307 = arith.cmpi slt, %bitcast_convert_type3A_303, %lt3A_306 : vector<16xi32>
      %broadcast_in_dim3A_308 = arith.constant 1 : i32
      %broadcast_in_dim3A_309 = vector.broadcast %broadcast_in_dim3A_308 : i32 to vector<16xi32>
      %broadcast_in_dim3A_310 = arith.constant 0 : i32
      %broadcast_in_dim3A_311 = vector.broadcast %broadcast_in_dim3A_310 : i32 to vector<16xi32>
      %select_n3A_312 = arith.select %lt3A_307, %broadcast_in_dim3A_309, %broadcast_in_dim3A_311 : vector<16xi1>, vector<16xi32>
      %add3A_313 = arith.addi %add3A_293, %select_n3A_312 : vector<16xi32>
      %mul3A_314 = arith.constant 10 : i32
      %mul3A_315 = arith.muli %scan3A_153, %mul3A_314 : i32
      %add3A_316 = arith.constant 8 : i32
      %add3A_317 = arith.addi %mul3A_315, %add3A_316 : i32
      %mul3A_318 = arith.constant 16 : i32
      %mul3A_319 = arith.muli %add3A_317, %mul3A_318 : i32
      %get3A_320 = arith.index_cast %mul3A_319 : i32 to index
      %get3A_321 = tpu.vector_load %arg4[%get3A_320] {strides = array<i32>} : memref<20000xf32, #tpu.memory_space<vmem>>, vector<16xf32>,
      %get3A_322 = vector.shape_cast %get3A_321 : vector<16xf32> to vector<16xf32>
      %bitcast_convert_type3A_323 = tpu.bitcast %get3A_322 : vector<16xf32> -> vector<16xi32>
      %add3A_324 = arith.addf %add3A_304, %get3A_322 : vector<16xf32>
      %lt3A_325 = arith.constant 0 : i32
      %lt3A_326 = vector.broadcast %lt3A_325 : i32 to vector<16xi32>
      %lt3A_327 = arith.cmpi slt, %bitcast_convert_type3A_323, %lt3A_326 : vector<16xi32>
      %broadcast_in_dim3A_328 = arith.constant 1 : i32
      %broadcast_in_dim3A_329 = vector.broadcast %broadcast_in_dim3A_328 : i32 to vector<16xi32>
      %broadcast_in_dim3A_330 = arith.constant 0 : i32
      %broadcast_in_dim3A_331 = vector.broadcast %broadcast_in_dim3A_330 : i32 to vector<16xi32>
      %select_n3A_332 = arith.select %lt3A_327, %broadcast_in_dim3A_329, %broadcast_in_dim3A_331 : vector<16xi1>, vector<16xi32>
      %add3A_333 = arith.addi %add3A_313, %select_n3A_332 : vector<16xi32>
      %mul3A_334 = arith.constant 10 : i32
      %mul3A_335 = arith.muli %scan3A_153, %mul3A_334 : i32
      %add3A_336 = arith.constant 9 : i32
      %add3A_337 = arith.addi %mul3A_335, %add3A_336 : i32
      %mul3A_338 = arith.constant 16 : i32
      %mul3A_339 = arith.muli %add3A_337, %mul3A_338 : i32
      %get3A_340 = arith.index_cast %mul3A_339 : i32 to index
      %get3A_341 = tpu.vector_load %arg4[%get3A_340] {strides = array<i32>} : memref<20000xf32, #tpu.memory_space<vmem>>, vector<16xf32>,
      %get3A_342 = vector.shape_cast %get3A_341 : vector<16xf32> to vector<16xf32>
      %bitcast_convert_type3A_343 = tpu.bitcast %get3A_342 : vector<16xf32> -> vector<16xi32>
      %add3A_344 = arith.addf %add3A_324, %get3A_342 : vector<16xf32>
      %lt3A_345 = arith.constant 0 : i32
      %lt3A_346 = vector.broadcast %lt3A_345 : i32 to vector<16xi32>
      %lt3A_347 = arith.cmpi slt, %bitcast_convert_type3A_343, %lt3A_346 : vector<16xi32>
      %broadcast_in_dim3A_348 = arith.constant 1 : i32
      %broadcast_in_dim3A_349 = vector.broadcast %broadcast_in_dim3A_348 : i32 to vector<16xi32>
      %broadcast_in_dim3A_350 = arith.constant 0 : i32
      %broadcast_in_dim3A_351 = vector.broadcast %broadcast_in_dim3A_350 : i32 to vector<16xi32>
      %select_n3A_352 = arith.select %lt3A_347, %broadcast_in_dim3A_349, %broadcast_in_dim3A_351 : vector<16xi1>, vector<16xi32>
      %add3A_353 = arith.addi %add3A_333, %select_n3A_352 : vector<16xi32>
      scf.yield %add3A_344, %add3A_353 : vector<16xf32>, vector<16xi32>
    }
    %scan3A_84 = arith.constant 125 : i32
    %slice3A_85 = vector.extract_strided_slice %scan3A_83#1 {offsets = [0], sizes = [1], strides = [1]} : vector<16xi32> to vector<1xi32>
    %squeeze3A_86 = vector.extract %slice3A_85[0] : i32 from vector<1xi32>
    %slice3A_87 = vector.extract_strided_slice %scan3A_83#1 {offsets = [1], sizes = [1], strides = [1]} : vector<16xi32> to vector<1xi32>
    %squeeze3A_88 = vector.extract %slice3A_87[0] : i32 from vector<1xi32>
    %add3A_89 = arith.addi %squeeze3A_86, %squeeze3A_88 : i32
    %slice3A_90 = vector.extract_strided_slice %scan3A_83#1 {offsets = [2], sizes = [1], strides = [1]} : vector<16xi32> to vector<1xi32>
    %squeeze3A_91 = vector.extract %slice3A_90[0] : i32 from vector<1xi32>
    %add3A_92 = arith.addi %add3A_89, %squeeze3A_91 : i32
    %slice3A_93 = vector.extract_strided_slice %scan3A_83#1 {offsets = [3], sizes = [1], strides = [1]} : vector<16xi32> to vector<1xi32>
    %squeeze3A_94 = vector.extract %slice3A_93[0] : i32 from vector<1xi32>
    %add3A_95 = arith.addi %add3A_92, %squeeze3A_94 : i32
    %slice3A_96 = vector.extract_strided_slice %scan3A_83#1 {offsets = [4], sizes = [1], strides = [1]} : vector<16xi32> to vector<1xi32>
    %squeeze3A_97 = vector.extract %slice3A_96[0] : i32 from vector<1xi32>
    %add3A_98 = arith.addi %add3A_95, %squeeze3A_97 : i32
    %slice3A_99 = vector.extract_strided_slice %scan3A_83#1 {offsets = [5], sizes = [1], strides = [1]} : vector<16xi32> to vector<1xi32>
    %squeeze3A_100 = vector.extract %slice3A_99[0] : i32 from vector<1xi32>
    %add3A_101 = arith.addi %add3A_98, %squeeze3A_100 : i32
    %slice3A_102 = vector.extract_strided_slice %scan3A_83#1 {offsets = [6], sizes = [1], strides = [1]} : vector<16xi32> to vector<1xi32>
    %squeeze3A_103 = vector.extract %slice3A_102[0] : i32 from vector<1xi32>
    %add3A_104 = arith.addi %add3A_101, %squeeze3A_103 : i32
    %slice3A_105 = vector.extract_strided_slice %scan3A_83#1 {offsets = [7], sizes = [1], strides = [1]} : vector<16xi32> to vector<1xi32>
    %squeeze3A_106 = vector.extract %slice3A_105[0] : i32 from vector<1xi32>
    %add3A_107 = arith.addi %add3A_104, %squeeze3A_106 : i32
    %slice3A_108 = vector.extract_strided_slice %scan3A_83#1 {offsets = [8], sizes = [1], strides = [1]} : vector<16xi32> to vector<1xi32>
    %squeeze3A_109 = vector.extract %slice3A_108[0] : i32 from vector<1xi32>
    %add3A_110 = arith.addi %add3A_107, %squeeze3A_109 : i32
    %slice3A_111 = vector.extract_strided_slice %scan3A_83#1 {offsets = [9], sizes = [1], strides = [1]} : vector<16xi32> to vector<1xi32>
    %squeeze3A_112 = vector.extract %slice3A_111[0] : i32 from vector<1xi32>
    %add3A_113 = arith.addi %add3A_110, %squeeze3A_112 : i32
    %slice3A_114 = vector.extract_strided_slice %scan3A_83#1 {offsets = [10], sizes = [1], strides = [1]} : vector<16xi32> to vector<1xi32>
    %squeeze3A_115 = vector.extract %slice3A_114[0] : i32 from vector<1xi32>
    %add3A_116 = arith.addi %add3A_113, %squeeze3A_115 : i32
    %slice3A_117 = vector.extract_strided_slice %scan3A_83#1 {offsets = [11], sizes = [1], strides = [1]} : vector<16xi32> to vector<1xi32>
    %squeeze3A_118 = vector.extract %slice3A_117[0] : i32 from vector<1xi32>
    %add3A_119 = arith.addi %add3A_116, %squeeze3A_118 : i32
    %slice3A_120 = vector.extract_strided_slice %scan3A_83#1 {offsets = [12], sizes = [1], strides = [1]} : vector<16xi32> to vector<1xi32>
    %squeeze3A_121 = vector.extract %slice3A_120[0] : i32 from vector<1xi32>
    %add3A_122 = arith.addi %add3A_119, %squeeze3A_121 : i32
    %slice3A_123 = vector.extract_strided_slice %scan3A_83#1 {offsets = [13], sizes = [1], strides = [1]} : vector<16xi32> to vector<1xi32>
    %squeeze3A_124 = vector.extract %slice3A_123[0] : i32 from vector<1xi32>
    %add3A_125 = arith.addi %add3A_122, %squeeze3A_124 : i32
    %slice3A_126 = vector.extract_strided_slice %scan3A_83#1 {offsets = [14], sizes = [1], strides = [1]} : vector<16xi32> to vector<1xi32>
    %squeeze3A_127 = vector.extract %slice3A_126[0] : i32 from vector<1xi32>
    %add3A_128 = arith.addi %add3A_125, %squeeze3A_127 : i32
    %slice3A_129 = vector.extract_strided_slice %scan3A_83#1 {offsets = [15], sizes = [1], strides = [1]} : vector<16xi32> to vector<1xi32>
    %squeeze3A_130 = vector.extract %slice3A_129[0] : i32 from vector<1xi32>
    %add3A_131 = arith.addi %add3A_128, %squeeze3A_130 : i32
    %mul3A_132 = arith.constant 3 : i32
    %mul3A_133 = arith.muli %mul3A_132, %add3A_131 : i32
    %convert_element_type3A_134 = arith.sitofp %mul3A_133 : i32 to f32
    %gt3A_135 = arith.constant 0 : i32
    %gt3A_136 = arith.cmpi sgt, %mul3A_133, %gt3A_135 : i32
    %lt3A_137 = arith.constant 20000 : i32
    %lt3A_138 = arith.cmpi slt, %mul3A_133, %lt3A_137 : i32
    %and3A_139 = arith.andi %gt3A_136, %lt3A_138 : i1
    %gt3A_140 = arith.constant 0 : i32
    %gt3A_141 = arith.cmpi sgt, %mul3A_133, %gt3A_140 : i32
    %jit3A_142 = arith.constant 1.000000e+00 : f32
    %jit3A_143 = arith.constant 0.000000e+00 : f32
    %select_n3A_144 = arith.select %gt3A_141, %jit3A_142, %jit3A_143 : f32
    %not3A_145 = arith.constant true
    %not3A_146 = arith.xori %and3A_139, %not3A_145 : i1
    %convert_element_type3A_147 = arith.extui %not3A_146 : i1 to i32
    %cond3A_148 = arith.constant 0 : i32
    %cond3A_149 = arith.cmpi ne, %convert_element_type3A_147, %cond3A_148 : i32
    scf.if %cond3A_149 {
      %broadcast_in_dim3A_153 = vector.broadcast %select_n3A_144 : f32 to vector<16xf32>
      %mul3A_154 = arith.mulf %scan3A_83#0, %broadcast_in_dim3A_153 : vector<16xf32>
      %swap3A = arith.constant 0 : index
      %swap3A_155 = tpu.vector_load %arg5[%swap3A] {strides = array<i32>} : memref<16xf32, #tpu.memory_space<vmem>>, vector<16xf32>,
      %swap3A_156 = vector.shape_cast %swap3A_155 : vector<16xf32> to vector<16xf32>
      %swap3A_157 = vector.shape_cast %mul3A_154 : vector<16xf32> to vector<16xf32>
      tpu.vector_store %arg5[%swap3A], %swap3A_157 {strides = array<i32>} : memref<16xf32, #tpu.memory_space<vmem>>, vector<16xf32>,
    } else {
    }
    %convert_element_type3A_150 = arith.extui %and3A_139 : i1 to i32
    %cond3A_151 = arith.constant 0 : i32
    %cond3A_152 = arith.cmpi ne, %convert_element_type3A_150, %cond3A_151 : i32
    scf.if %cond3A_152 {
      %broadcast_in_dim3A_153 = arith.constant 0 : i32
      %broadcast_in_dim3A_154 = vector.broadcast %broadcast_in_dim3A_153 : i32 to vector<16xi32>
      %broadcast_in_dim3A_155 = arith.constant 2139095041 : i32
      %broadcast_in_dim3A_156 = vector.broadcast %broadcast_in_dim3A_155 : i32 to vector<16xi32>
      %scan3A_157 = arith.constant 0 : i32
      %scan3A_158 = arith.constant 31 : i32
      %scan3A_159 = arith.addi %scan3A_157, %scan3A_158 : i32
      %scan3A_160 = arith.constant 1 : i32
      %scan3A_161:2 = scf.for %scan3A_229 = %scan3A_157 to %scan3A_159 step %scan3A_160 iter_args(%scan3A_230 = %broadcast_in_dim3A_154, %scan3A_231 = %broadcast_in_dim3A_156) -> (vector<16xi32>, vector<16xi32>)  : i32 {
        %sub3A_232 = arith.subi %scan3A_231, %scan3A_230 : vector<16xi32>
        %broadcast_in_dim3A_233 = arith.constant 1 : i32
        %broadcast_in_dim3A_234 = vector.broadcast %broadcast_in_dim3A_233 : i32 to vector<16xi32>
        %shift_right_arithmetic3A = arith.shrsi %sub3A_232, %broadcast_in_dim3A_234 : vector<16xi32>
        %add3A_235 = arith.addi %scan3A_230, %shift_right_arithmetic3A : vector<16xi32>
        %bitcast_convert_type3A_236 = tpu.bitcast %add3A_235 : vector<16xi32> -> vector<16xf32>
        %broadcast_in_dim3A_237 = arith.constant 0 : i32
        %broadcast_in_dim3A_238 = vector.broadcast %broadcast_in_dim3A_237 : i32 to vector<16xi32>
        %scan3A_239 = arith.constant 0 : i32
        %scan3A_240 = arith.constant 125 : i32
        %scan3A_241 = arith.addi %scan3A_239, %scan3A_240 : i32
        %scan3A_242 = arith.constant 1 : i32
        %scan3A_243 = scf.for %scan3A_300 = %scan3A_239 to %scan3A_241 step %scan3A_242 iter_args(%scan3A_301 = %broadcast_in_dim3A_238) -> (vector<16xi32>)  : i32 {
          %mul3A_302 = arith.constant 10 : i32
          %mul3A_303 = arith.muli %scan3A_300, %mul3A_302 : i32
          %add3A_304 = arith.constant 0 : i32
          %add3A_305 = arith.addi %mul3A_303, %add3A_304 : i32
          %mul3A_306 = arith.constant 16 : i32
          %mul3A_307 = arith.muli %add3A_305, %mul3A_306 : i32
          %get3A = arith.index_cast %mul3A_307 : i32 to index
          %get3A_308 = tpu.vector_load %arg4[%get3A] {strides = array<i32>} : memref<20000xf32, #tpu.memory_space<vmem>>, vector<16xf32>,
          %get3A_309 = vector.shape_cast %get3A_308 : vector<16xf32> to vector<16xf32>
          %ge3A_310 = arith.cmpf oge, %get3A_309, %bitcast_convert_type3A_236 : vector<16xf32>
          %broadcast_in_dim3A_311 = arith.constant 1 : i32
          %broadcast_in_dim3A_312 = vector.broadcast %broadcast_in_dim3A_311 : i32 to vector<16xi32>
          %broadcast_in_dim3A_313 = arith.constant 0 : i32
          %broadcast_in_dim3A_314 = vector.broadcast %broadcast_in_dim3A_313 : i32 to vector<16xi32>
          %select_n3A_315 = arith.select %ge3A_310, %broadcast_in_dim3A_312, %broadcast_in_dim3A_314 : vector<16xi1>, vector<16xi32>
          %add3A_316 = arith.addi %scan3A_301, %select_n3A_315 : vector<16xi32>
          %mul3A_317 = arith.constant 10 : i32
          %mul3A_318 = arith.muli %scan3A_300, %mul3A_317 : i32
          %add3A_319 = arith.constant 1 : i32
          %add3A_320 = arith.addi %mul3A_318, %add3A_319 : i32
          %mul3A_321 = arith.constant 16 : i32
          %mul3A_322 = arith.muli %add3A_320, %mul3A_321 : i32
          %get3A_323 = arith.index_cast %mul3A_322 : i32 to index
          %get3A_324 = tpu.vector_load %arg4[%get3A_323] {strides = array<i32>} : memref<20000xf32, #tpu.memory_space<vmem>>, vector<16xf32>,
          %get3A_325 = vector.shape_cast %get3A_324 : vector<16xf32> to vector<16xf32>
          %ge3A_326 = arith.cmpf oge, %get3A_325, %bitcast_convert_type3A_236 : vector<16xf32>
          %broadcast_in_dim3A_327 = arith.constant 1 : i32
          %broadcast_in_dim3A_328 = vector.broadcast %broadcast_in_dim3A_327 : i32 to vector<16xi32>
          %broadcast_in_dim3A_329 = arith.constant 0 : i32
          %broadcast_in_dim3A_330 = vector.broadcast %broadcast_in_dim3A_329 : i32 to vector<16xi32>
          %select_n3A_331 = arith.select %ge3A_326, %broadcast_in_dim3A_328, %broadcast_in_dim3A_330 : vector<16xi1>, vector<16xi32>
          %add3A_332 = arith.addi %add3A_316, %select_n3A_331 : vector<16xi32>
          %mul3A_333 = arith.constant 10 : i32
          %mul3A_334 = arith.muli %scan3A_300, %mul3A_333 : i32
          %add3A_335 = arith.constant 2 : i32
          %add3A_336 = arith.addi %mul3A_334, %add3A_335 : i32
          %mul3A_337 = arith.constant 16 : i32
          %mul3A_338 = arith.muli %add3A_336, %mul3A_337 : i32
          %get3A_339 = arith.index_cast %mul3A_338 : i32 to index
          %get3A_340 = tpu.vector_load %arg4[%get3A_339] {strides = array<i32>} : memref<20000xf32, #tpu.memory_space<vmem>>, vector<16xf32>,
          %get3A_341 = vector.shape_cast %get3A_340 : vector<16xf32> to vector<16xf32>
          %ge3A_342 = arith.cmpf oge, %get3A_341, %bitcast_convert_type3A_236 : vector<16xf32>
          %broadcast_in_dim3A_343 = arith.constant 1 : i32
          %broadcast_in_dim3A_344 = vector.broadcast %broadcast_in_dim3A_343 : i32 to vector<16xi32>
          %broadcast_in_dim3A_345 = arith.constant 0 : i32
          %broadcast_in_dim3A_346 = vector.broadcast %broadcast_in_dim3A_345 : i32 to vector<16xi32>
          %select_n3A_347 = arith.select %ge3A_342, %broadcast_in_dim3A_344, %broadcast_in_dim3A_346 : vector<16xi1>, vector<16xi32>
          %add3A_348 = arith.addi %add3A_332, %select_n3A_347 : vector<16xi32>
          %mul3A_349 = arith.constant 10 : i32
          %mul3A_350 = arith.muli %scan3A_300, %mul3A_349 : i32
          %add3A_351 = arith.constant 3 : i32
          %add3A_352 = arith.addi %mul3A_350, %add3A_351 : i32
          %mul3A_353 = arith.constant 16 : i32
          %mul3A_354 = arith.muli %add3A_352, %mul3A_353 : i32
          %get3A_355 = arith.index_cast %mul3A_354 : i32 to index
          %get3A_356 = tpu.vector_load %arg4[%get3A_355] {strides = array<i32>} : memref<20000xf32, #tpu.memory_space<vmem>>, vector<16xf32>,
          %get3A_357 = vector.shape_cast %get3A_356 : vector<16xf32> to vector<16xf32>
          %ge3A_358 = arith.cmpf oge, %get3A_357, %bitcast_convert_type3A_236 : vector<16xf32>
          %broadcast_in_dim3A_359 = arith.constant 1 : i32
          %broadcast_in_dim3A_360 = vector.broadcast %broadcast_in_dim3A_359 : i32 to vector<16xi32>
          %broadcast_in_dim3A_361 = arith.constant 0 : i32
          %broadcast_in_dim3A_362 = vector.broadcast %broadcast_in_dim3A_361 : i32 to vector<16xi32>
          %select_n3A_363 = arith.select %ge3A_358, %broadcast_in_dim3A_360, %broadcast_in_dim3A_362 : vector<16xi1>, vector<16xi32>
          %add3A_364 = arith.addi %add3A_348, %select_n3A_363 : vector<16xi32>
          %mul3A_365 = arith.constant 10 : i32
          %mul3A_366 = arith.muli %scan3A_300, %mul3A_365 : i32
          %add3A_367 = arith.constant 4 : i32
          %add3A_368 = arith.addi %mul3A_366, %add3A_367 : i32
          %mul3A_369 = arith.constant 16 : i32
          %mul3A_370 = arith.muli %add3A_368, %mul3A_369 : i32
          %get3A_371 = arith.index_cast %mul3A_370 : i32 to index
          %get3A_372 = tpu.vector_load %arg4[%get3A_371] {strides = array<i32>} : memref<20000xf32, #tpu.memory_space<vmem>>, vector<16xf32>,
          %get3A_373 = vector.shape_cast %get3A_372 : vector<16xf32> to vector<16xf32>
          %ge3A_374 = arith.cmpf oge, %get3A_373, %bitcast_convert_type3A_236 : vector<16xf32>
          %broadcast_in_dim3A_375 = arith.constant 1 : i32
          %broadcast_in_dim3A_376 = vector.broadcast %broadcast_in_dim3A_375 : i32 to vector<16xi32>
          %broadcast_in_dim3A_377 = arith.constant 0 : i32
          %broadcast_in_dim3A_378 = vector.broadcast %broadcast_in_dim3A_377 : i32 to vector<16xi32>
          %select_n3A_379 = arith.select %ge3A_374, %broadcast_in_dim3A_376, %broadcast_in_dim3A_378 : vector<16xi1>, vector<16xi32>
          %add3A_380 = arith.addi %add3A_364, %select_n3A_379 : vector<16xi32>
          %mul3A_381 = arith.constant 10 : i32
          %mul3A_382 = arith.muli %scan3A_300, %mul3A_381 : i32
          %add3A_383 = arith.constant 5 : i32
          %add3A_384 = arith.addi %mul3A_382, %add3A_383 : i32
          %mul3A_385 = arith.constant 16 : i32
          %mul3A_386 = arith.muli %add3A_384, %mul3A_385 : i32
          %get3A_387 = arith.index_cast %mul3A_386 : i32 to index
          %get3A_388 = tpu.vector_load %arg4[%get3A_387] {strides = array<i32>} : memref<20000xf32, #tpu.memory_space<vmem>>, vector<16xf32>,
          %get3A_389 = vector.shape_cast %get3A_388 : vector<16xf32> to vector<16xf32>
          %ge3A_390 = arith.cmpf oge, %get3A_389, %bitcast_convert_type3A_236 : vector<16xf32>
          %broadcast_in_dim3A_391 = arith.constant 1 : i32
          %broadcast_in_dim3A_392 = vector.broadcast %broadcast_in_dim3A_391 : i32 to vector<16xi32>
          %broadcast_in_dim3A_393 = arith.constant 0 : i32
          %broadcast_in_dim3A_394 = vector.broadcast %broadcast_in_dim3A_393 : i32 to vector<16xi32>
          %select_n3A_395 = arith.select %ge3A_390, %broadcast_in_dim3A_392, %broadcast_in_dim3A_394 : vector<16xi1>, vector<16xi32>
          %add3A_396 = arith.addi %add3A_380, %select_n3A_395 : vector<16xi32>
          %mul3A_397 = arith.constant 10 : i32
          %mul3A_398 = arith.muli %scan3A_300, %mul3A_397 : i32
          %add3A_399 = arith.constant 6 : i32
          %add3A_400 = arith.addi %mul3A_398, %add3A_399 : i32
          %mul3A_401 = arith.constant 16 : i32
          %mul3A_402 = arith.muli %add3A_400, %mul3A_401 : i32
          %get3A_403 = arith.index_cast %mul3A_402 : i32 to index
          %get3A_404 = tpu.vector_load %arg4[%get3A_403] {strides = array<i32>} : memref<20000xf32, #tpu.memory_space<vmem>>, vector<16xf32>,
          %get3A_405 = vector.shape_cast %get3A_404 : vector<16xf32> to vector<16xf32>
          %ge3A_406 = arith.cmpf oge, %get3A_405, %bitcast_convert_type3A_236 : vector<16xf32>
          %broadcast_in_dim3A_407 = arith.constant 1 : i32
          %broadcast_in_dim3A_408 = vector.broadcast %broadcast_in_dim3A_407 : i32 to vector<16xi32>
          %broadcast_in_dim3A_409 = arith.constant 0 : i32
          %broadcast_in_dim3A_410 = vector.broadcast %broadcast_in_dim3A_409 : i32 to vector<16xi32>
          %select_n3A_411 = arith.select %ge3A_406, %broadcast_in_dim3A_408, %broadcast_in_dim3A_410 : vector<16xi1>, vector<16xi32>
          %add3A_412 = arith.addi %add3A_396, %select_n3A_411 : vector<16xi32>
          %mul3A_413 = arith.constant 10 : i32
          %mul3A_414 = arith.muli %scan3A_300, %mul3A_413 : i32
          %add3A_415 = arith.constant 7 : i32
          %add3A_416 = arith.addi %mul3A_414, %add3A_415 : i32
          %mul3A_417 = arith.constant 16 : i32
          %mul3A_418 = arith.muli %add3A_416, %mul3A_417 : i32
          %get3A_419 = arith.index_cast %mul3A_418 : i32 to index
          %get3A_420 = tpu.vector_load %arg4[%get3A_419] {strides = array<i32>} : memref<20000xf32, #tpu.memory_space<vmem>>, vector<16xf32>,
          %get3A_421 = vector.shape_cast %get3A_420 : vector<16xf32> to vector<16xf32>
          %ge3A_422 = arith.cmpf oge, %get3A_421, %bitcast_convert_type3A_236 : vector<16xf32>
          %broadcast_in_dim3A_423 = arith.constant 1 : i32
          %broadcast_in_dim3A_424 = vector.broadcast %broadcast_in_dim3A_423 : i32 to vector<16xi32>
          %broadcast_in_dim3A_425 = arith.constant 0 : i32
          %broadcast_in_dim3A_426 = vector.broadcast %broadcast_in_dim3A_425 : i32 to vector<16xi32>
          %select_n3A_427 = arith.select %ge3A_422, %broadcast_in_dim3A_424, %broadcast_in_dim3A_426 : vector<16xi1>, vector<16xi32>
          %add3A_428 = arith.addi %add3A_412, %select_n3A_427 : vector<16xi32>
          %mul3A_429 = arith.constant 10 : i32
          %mul3A_430 = arith.muli %scan3A_300, %mul3A_429 : i32
          %add3A_431 = arith.constant 8 : i32
          %add3A_432 = arith.addi %mul3A_430, %add3A_431 : i32
          %mul3A_433 = arith.constant 16 : i32
          %mul3A_434 = arith.muli %add3A_432, %mul3A_433 : i32
          %get3A_435 = arith.index_cast %mul3A_434 : i32 to index
          %get3A_436 = tpu.vector_load %arg4[%get3A_435] {strides = array<i32>} : memref<20000xf32, #tpu.memory_space<vmem>>, vector<16xf32>,
          %get3A_437 = vector.shape_cast %get3A_436 : vector<16xf32> to vector<16xf32>
          %ge3A_438 = arith.cmpf oge, %get3A_437, %bitcast_convert_type3A_236 : vector<16xf32>
          %broadcast_in_dim3A_439 = arith.constant 1 : i32
          %broadcast_in_dim3A_440 = vector.broadcast %broadcast_in_dim3A_439 : i32 to vector<16xi32>
          %broadcast_in_dim3A_441 = arith.constant 0 : i32
          %broadcast_in_dim3A_442 = vector.broadcast %broadcast_in_dim3A_441 : i32 to vector<16xi32>
          %select_n3A_443 = arith.select %ge3A_438, %broadcast_in_dim3A_440, %broadcast_in_dim3A_442 : vector<16xi1>, vector<16xi32>
          %add3A_444 = arith.addi %add3A_428, %select_n3A_443 : vector<16xi32>
          %mul3A_445 = arith.constant 10 : i32
          %mul3A_446 = arith.muli %scan3A_300, %mul3A_445 : i32
          %add3A_447 = arith.constant 9 : i32
          %add3A_448 = arith.addi %mul3A_446, %add3A_447 : i32
          %mul3A_449 = arith.constant 16 : i32
          %mul3A_450 = arith.muli %add3A_448, %mul3A_449 : i32
          %get3A_451 = arith.index_cast %mul3A_450 : i32 to index
          %get3A_452 = tpu.vector_load %arg4[%get3A_451] {strides = array<i32>} : memref<20000xf32, #tpu.memory_space<vmem>>, vector<16xf32>,
          %get3A_453 = vector.shape_cast %get3A_452 : vector<16xf32> to vector<16xf32>
          %ge3A_454 = arith.cmpf oge, %get3A_453, %bitcast_convert_type3A_236 : vector<16xf32>
          %broadcast_in_dim3A_455 = arith.constant 1 : i32
          %broadcast_in_dim3A_456 = vector.broadcast %broadcast_in_dim3A_455 : i32 to vector<16xi32>
          %broadcast_in_dim3A_457 = arith.constant 0 : i32
          %broadcast_in_dim3A_458 = vector.broadcast %broadcast_in_dim3A_457 : i32 to vector<16xi32>
          %select_n3A_459 = arith.select %ge3A_454, %broadcast_in_dim3A_456, %broadcast_in_dim3A_458 : vector<16xi1>, vector<16xi32>
          %add3A_460 = arith.addi %add3A_444, %select_n3A_459 : vector<16xi32>
          scf.yield %add3A_460 : vector<16xi32>
        }
        %scan3A_244 = arith.constant 125 : i32
        %slice3A_245 = vector.extract_strided_slice %scan3A_243 {offsets = [0], sizes = [1], strides = [1]} : vector<16xi32> to vector<1xi32>
        %squeeze3A_246 = vector.extract %slice3A_245[0] : i32 from vector<1xi32>
        %slice3A_247 = vector.extract_strided_slice %scan3A_243 {offsets = [1], sizes = [1], strides = [1]} : vector<16xi32> to vector<1xi32>
        %squeeze3A_248 = vector.extract %slice3A_247[0] : i32 from vector<1xi32>
        %add3A_249 = arith.addi %squeeze3A_246, %squeeze3A_248 : i32
        %slice3A_250 = vector.extract_strided_slice %scan3A_243 {offsets = [2], sizes = [1], strides = [1]} : vector<16xi32> to vector<1xi32>
        %squeeze3A_251 = vector.extract %slice3A_250[0] : i32 from vector<1xi32>
        %add3A_252 = arith.addi %add3A_249, %squeeze3A_251 : i32
        %slice3A_253 = vector.extract_strided_slice %scan3A_243 {offsets = [3], sizes = [1], strides = [1]} : vector<16xi32> to vector<1xi32>
        %squeeze3A_254 = vector.extract %slice3A_253[0] : i32 from vector<1xi32>
        %add3A_255 = arith.addi %add3A_252, %squeeze3A_254 : i32
        %slice3A_256 = vector.extract_strided_slice %scan3A_243 {offsets = [4], sizes = [1], strides = [1]} : vector<16xi32> to vector<1xi32>
        %squeeze3A_257 = vector.extract %slice3A_256[0] : i32 from vector<1xi32>
        %add3A_258 = arith.addi %add3A_255, %squeeze3A_257 : i32
        %slice3A_259 = vector.extract_strided_slice %scan3A_243 {offsets = [5], sizes = [1], strides = [1]} : vector<16xi32> to vector<1xi32>
        %squeeze3A_260 = vector.extract %slice3A_259[0] : i32 from vector<1xi32>
        %add3A_261 = arith.addi %add3A_258, %squeeze3A_260 : i32
        %slice3A_262 = vector.extract_strided_slice %scan3A_243 {offsets = [6], sizes = [1], strides = [1]} : vector<16xi32> to vector<1xi32>
        %squeeze3A_263 = vector.extract %slice3A_262[0] : i32 from vector<1xi32>
        %add3A_264 = arith.addi %add3A_261, %squeeze3A_263 : i32
        %slice3A_265 = vector.extract_strided_slice %scan3A_243 {offsets = [7], sizes = [1], strides = [1]} : vector<16xi32> to vector<1xi32>
        %squeeze3A_266 = vector.extract %slice3A_265[0] : i32 from vector<1xi32>
        %add3A_267 = arith.addi %add3A_264, %squeeze3A_266 : i32
        %slice3A_268 = vector.extract_strided_slice %scan3A_243 {offsets = [8], sizes = [1], strides = [1]} : vector<16xi32> to vector<1xi32>
        %squeeze3A_269 = vector.extract %slice3A_268[0] : i32 from vector<1xi32>
        %add3A_270 = arith.addi %add3A_267, %squeeze3A_269 : i32
        %slice3A_271 = vector.extract_strided_slice %scan3A_243 {offsets = [9], sizes = [1], strides = [1]} : vector<16xi32> to vector<1xi32>
        %squeeze3A_272 = vector.extract %slice3A_271[0] : i32 from vector<1xi32>
        %add3A_273 = arith.addi %add3A_270, %squeeze3A_272 : i32
        %slice3A_274 = vector.extract_strided_slice %scan3A_243 {offsets = [10], sizes = [1], strides = [1]} : vector<16xi32> to vector<1xi32>
        %squeeze3A_275 = vector.extract %slice3A_274[0] : i32 from vector<1xi32>
        %add3A_276 = arith.addi %add3A_273, %squeeze3A_275 : i32
        %slice3A_277 = vector.extract_strided_slice %scan3A_243 {offsets = [11], sizes = [1], strides = [1]} : vector<16xi32> to vector<1xi32>
        %squeeze3A_278 = vector.extract %slice3A_277[0] : i32 from vector<1xi32>
        %add3A_279 = arith.addi %add3A_276, %squeeze3A_278 : i32
        %slice3A_280 = vector.extract_strided_slice %scan3A_243 {offsets = [12], sizes = [1], strides = [1]} : vector<16xi32> to vector<1xi32>
        %squeeze3A_281 = vector.extract %slice3A_280[0] : i32 from vector<1xi32>
        %add3A_282 = arith.addi %add3A_279, %squeeze3A_281 : i32
        %slice3A_283 = vector.extract_strided_slice %scan3A_243 {offsets = [13], sizes = [1], strides = [1]} : vector<16xi32> to vector<1xi32>
        %squeeze3A_284 = vector.extract %slice3A_283[0] : i32 from vector<1xi32>
        %add3A_285 = arith.addi %add3A_282, %squeeze3A_284 : i32
        %slice3A_286 = vector.extract_strided_slice %scan3A_243 {offsets = [14], sizes = [1], strides = [1]} : vector<16xi32> to vector<1xi32>
        %squeeze3A_287 = vector.extract %slice3A_286[0] : i32 from vector<1xi32>
        %add3A_288 = arith.addi %add3A_285, %squeeze3A_287 : i32
        %slice3A_289 = vector.extract_strided_slice %scan3A_243 {offsets = [15], sizes = [1], strides = [1]} : vector<16xi32> to vector<1xi32>
        %squeeze3A_290 = vector.extract %slice3A_289[0] : i32 from vector<1xi32>
        %add3A_291 = arith.addi %add3A_288, %squeeze3A_290 : i32
        %ge3A = arith.cmpi sge, %add3A_291, %mul3A_133 : i32
        %convert_element_type3A_292 = arith.extui %ge3A : i1 to i32
        %broadcast_in_dim3A_293 = vector.broadcast %convert_element_type3A_292 : i32 to vector<16xi32>
        %sub3A_294 = arith.subi %add3A_235, %scan3A_230 : vector<16xi32>
        %mul3A_295 = arith.muli %sub3A_294, %broadcast_in_dim3A_293 : vector<16xi32>
        %add3A_296 = arith.addi %scan3A_230, %mul3A_295 : vector<16xi32>
        %sub3A_297 = arith.subi %scan3A_231, %add3A_235 : vector<16xi32>
        %mul3A_298 = arith.muli %sub3A_297, %broadcast_in_dim3A_293 : vector<16xi32>
        %add3A_299 = arith.addi %add3A_235, %mul3A_298 : vector<16xi32>
        scf.yield %add3A_296, %add3A_299 : vector<16xi32>, vector<16xi32>
      }
      %scan3A_162 = arith.constant 31 : i32
      %bitcast_convert_type3A = tpu.bitcast %scan3A_161#0 : vector<16xi32> -> vector<16xf32>
      %broadcast_in_dim3A_163 = arith.constant 0.000000e+00 : f32
      %broadcast_in_dim3A_164 = vector.broadcast %broadcast_in_dim3A_163 : f32 to vector<16xf32>
      %broadcast_in_dim3A_165 = arith.constant 0 : i32
      %broadcast_in_dim3A_166 = vector.broadcast %broadcast_in_dim3A_165 : i32 to vector<16xi32>
      %scan3A_167 = arith.constant 0 : i32
      %scan3A_168 = arith.constant 125 : i32
      %scan3A_169 = arith.addi %scan3A_167, %scan3A_168 : i32
      %scan3A_170 = arith.constant 1 : i32
      %scan3A_171:2 = scf.for %scan3A_229 = %scan3A_167 to %scan3A_169 step %scan3A_170 iter_args(%scan3A_230 = %broadcast_in_dim3A_164, %scan3A_231 = %broadcast_in_dim3A_166) -> (vector<16xf32>, vector<16xi32>)  : i32 {
        %mul3A_232 = arith.constant 10 : i32
        %mul3A_233 = arith.muli %scan3A_229, %mul3A_232 : i32
        %add3A_234 = arith.constant 0 : i32
        %add3A_235 = arith.addi %mul3A_233, %add3A_234 : i32
        %mul3A_236 = arith.constant 16 : i32
        %mul3A_237 = arith.muli %add3A_235, %mul3A_236 : i32
        %get3A = arith.index_cast %mul3A_237 : i32 to index
        %get3A_238 = tpu.vector_load %arg4[%get3A] {strides = array<i32>} : memref<20000xf32, #tpu.memory_space<vmem>>, vector<16xf32>,
        %get3A_239 = vector.shape_cast %get3A_238 : vector<16xf32> to vector<16xf32>
        %gt3A_240 = arith.cmpf ogt, %get3A_239, %bitcast_convert_type3A : vector<16xf32>
        %broadcast_in_dim3A_241 = arith.constant 0.000000e+00 : f32
        %broadcast_in_dim3A_242 = vector.broadcast %broadcast_in_dim3A_241 : f32 to vector<16xf32>
        %select_n3A_243 = arith.select %gt3A_240, %get3A_239, %broadcast_in_dim3A_242 : vector<16xi1>, vector<16xf32>
        %add3A_244 = arith.addf %scan3A_230, %select_n3A_243 : vector<16xf32>
        %broadcast_in_dim3A_245 = arith.constant 1 : i32
        %broadcast_in_dim3A_246 = vector.broadcast %broadcast_in_dim3A_245 : i32 to vector<16xi32>
        %broadcast_in_dim3A_247 = arith.constant 0 : i32
        %broadcast_in_dim3A_248 = vector.broadcast %broadcast_in_dim3A_247 : i32 to vector<16xi32>
        %select_n3A_249 = arith.select %gt3A_240, %broadcast_in_dim3A_246, %broadcast_in_dim3A_248 : vector<16xi1>, vector<16xi32>
        %add3A_250 = arith.addi %scan3A_231, %select_n3A_249 : vector<16xi32>
        %mul3A_251 = arith.constant 10 : i32
        %mul3A_252 = arith.muli %scan3A_229, %mul3A_251 : i32
        %add3A_253 = arith.constant 1 : i32
        %add3A_254 = arith.addi %mul3A_252, %add3A_253 : i32
        %mul3A_255 = arith.constant 16 : i32
        %mul3A_256 = arith.muli %add3A_254, %mul3A_255 : i32
        %get3A_257 = arith.index_cast %mul3A_256 : i32 to index
        %get3A_258 = tpu.vector_load %arg4[%get3A_257] {strides = array<i32>} : memref<20000xf32, #tpu.memory_space<vmem>>, vector<16xf32>,
        %get3A_259 = vector.shape_cast %get3A_258 : vector<16xf32> to vector<16xf32>
        %gt3A_260 = arith.cmpf ogt, %get3A_259, %bitcast_convert_type3A : vector<16xf32>
        %broadcast_in_dim3A_261 = arith.constant 0.000000e+00 : f32
        %broadcast_in_dim3A_262 = vector.broadcast %broadcast_in_dim3A_261 : f32 to vector<16xf32>
        %select_n3A_263 = arith.select %gt3A_260, %get3A_259, %broadcast_in_dim3A_262 : vector<16xi1>, vector<16xf32>
        %add3A_264 = arith.addf %add3A_244, %select_n3A_263 : vector<16xf32>
        %broadcast_in_dim3A_265 = arith.constant 1 : i32
        %broadcast_in_dim3A_266 = vector.broadcast %broadcast_in_dim3A_265 : i32 to vector<16xi32>
        %broadcast_in_dim3A_267 = arith.constant 0 : i32
        %broadcast_in_dim3A_268 = vector.broadcast %broadcast_in_dim3A_267 : i32 to vector<16xi32>
        %select_n3A_269 = arith.select %gt3A_260, %broadcast_in_dim3A_266, %broadcast_in_dim3A_268 : vector<16xi1>, vector<16xi32>
        %add3A_270 = arith.addi %add3A_250, %select_n3A_269 : vector<16xi32>
        %mul3A_271 = arith.constant 10 : i32
        %mul3A_272 = arith.muli %scan3A_229, %mul3A_271 : i32
        %add3A_273 = arith.constant 2 : i32
        %add3A_274 = arith.addi %mul3A_272, %add3A_273 : i32
        %mul3A_275 = arith.constant 16 : i32
        %mul3A_276 = arith.muli %add3A_274, %mul3A_275 : i32
        %get3A_277 = arith.index_cast %mul3A_276 : i32 to index
        %get3A_278 = tpu.vector_load %arg4[%get3A_277] {strides = array<i32>} : memref<20000xf32, #tpu.memory_space<vmem>>, vector<16xf32>,
        %get3A_279 = vector.shape_cast %get3A_278 : vector<16xf32> to vector<16xf32>
        %gt3A_280 = arith.cmpf ogt, %get3A_279, %bitcast_convert_type3A : vector<16xf32>
        %broadcast_in_dim3A_281 = arith.constant 0.000000e+00 : f32
        %broadcast_in_dim3A_282 = vector.broadcast %broadcast_in_dim3A_281 : f32 to vector<16xf32>
        %select_n3A_283 = arith.select %gt3A_280, %get3A_279, %broadcast_in_dim3A_282 : vector<16xi1>, vector<16xf32>
        %add3A_284 = arith.addf %add3A_264, %select_n3A_283 : vector<16xf32>
        %broadcast_in_dim3A_285 = arith.constant 1 : i32
        %broadcast_in_dim3A_286 = vector.broadcast %broadcast_in_dim3A_285 : i32 to vector<16xi32>
        %broadcast_in_dim3A_287 = arith.constant 0 : i32
        %broadcast_in_dim3A_288 = vector.broadcast %broadcast_in_dim3A_287 : i32 to vector<16xi32>
        %select_n3A_289 = arith.select %gt3A_280, %broadcast_in_dim3A_286, %broadcast_in_dim3A_288 : vector<16xi1>, vector<16xi32>
        %add3A_290 = arith.addi %add3A_270, %select_n3A_289 : vector<16xi32>
        %mul3A_291 = arith.constant 10 : i32
        %mul3A_292 = arith.muli %scan3A_229, %mul3A_291 : i32
        %add3A_293 = arith.constant 3 : i32
        %add3A_294 = arith.addi %mul3A_292, %add3A_293 : i32
        %mul3A_295 = arith.constant 16 : i32
        %mul3A_296 = arith.muli %add3A_294, %mul3A_295 : i32
        %get3A_297 = arith.index_cast %mul3A_296 : i32 to index
        %get3A_298 = tpu.vector_load %arg4[%get3A_297] {strides = array<i32>} : memref<20000xf32, #tpu.memory_space<vmem>>, vector<16xf32>,
        %get3A_299 = vector.shape_cast %get3A_298 : vector<16xf32> to vector<16xf32>
        %gt3A_300 = arith.cmpf ogt, %get3A_299, %bitcast_convert_type3A : vector<16xf32>
        %broadcast_in_dim3A_301 = arith.constant 0.000000e+00 : f32
        %broadcast_in_dim3A_302 = vector.broadcast %broadcast_in_dim3A_301 : f32 to vector<16xf32>
        %select_n3A_303 = arith.select %gt3A_300, %get3A_299, %broadcast_in_dim3A_302 : vector<16xi1>, vector<16xf32>
        %add3A_304 = arith.addf %add3A_284, %select_n3A_303 : vector<16xf32>
        %broadcast_in_dim3A_305 = arith.constant 1 : i32
        %broadcast_in_dim3A_306 = vector.broadcast %broadcast_in_dim3A_305 : i32 to vector<16xi32>
        %broadcast_in_dim3A_307 = arith.constant 0 : i32
        %broadcast_in_dim3A_308 = vector.broadcast %broadcast_in_dim3A_307 : i32 to vector<16xi32>
        %select_n3A_309 = arith.select %gt3A_300, %broadcast_in_dim3A_306, %broadcast_in_dim3A_308 : vector<16xi1>, vector<16xi32>
        %add3A_310 = arith.addi %add3A_290, %select_n3A_309 : vector<16xi32>
        %mul3A_311 = arith.constant 10 : i32
        %mul3A_312 = arith.muli %scan3A_229, %mul3A_311 : i32
        %add3A_313 = arith.constant 4 : i32
        %add3A_314 = arith.addi %mul3A_312, %add3A_313 : i32
        %mul3A_315 = arith.constant 16 : i32
        %mul3A_316 = arith.muli %add3A_314, %mul3A_315 : i32
        %get3A_317 = arith.index_cast %mul3A_316 : i32 to index
        %get3A_318 = tpu.vector_load %arg4[%get3A_317] {strides = array<i32>} : memref<20000xf32, #tpu.memory_space<vmem>>, vector<16xf32>,
        %get3A_319 = vector.shape_cast %get3A_318 : vector<16xf32> to vector<16xf32>
        %gt3A_320 = arith.cmpf ogt, %get3A_319, %bitcast_convert_type3A : vector<16xf32>
        %broadcast_in_dim3A_321 = arith.constant 0.000000e+00 : f32
        %broadcast_in_dim3A_322 = vector.broadcast %broadcast_in_dim3A_321 : f32 to vector<16xf32>
        %select_n3A_323 = arith.select %gt3A_320, %get3A_319, %broadcast_in_dim3A_322 : vector<16xi1>, vector<16xf32>
        %add3A_324 = arith.addf %add3A_304, %select_n3A_323 : vector<16xf32>
        %broadcast_in_dim3A_325 = arith.constant 1 : i32
        %broadcast_in_dim3A_326 = vector.broadcast %broadcast_in_dim3A_325 : i32 to vector<16xi32>
        %broadcast_in_dim3A_327 = arith.constant 0 : i32
        %broadcast_in_dim3A_328 = vector.broadcast %broadcast_in_dim3A_327 : i32 to vector<16xi32>
        %select_n3A_329 = arith.select %gt3A_320, %broadcast_in_dim3A_326, %broadcast_in_dim3A_328 : vector<16xi1>, vector<16xi32>
        %add3A_330 = arith.addi %add3A_310, %select_n3A_329 : vector<16xi32>
        %mul3A_331 = arith.constant 10 : i32
        %mul3A_332 = arith.muli %scan3A_229, %mul3A_331 : i32
        %add3A_333 = arith.constant 5 : i32
        %add3A_334 = arith.addi %mul3A_332, %add3A_333 : i32
        %mul3A_335 = arith.constant 16 : i32
        %mul3A_336 = arith.muli %add3A_334, %mul3A_335 : i32
        %get3A_337 = arith.index_cast %mul3A_336 : i32 to index
        %get3A_338 = tpu.vector_load %arg4[%get3A_337] {strides = array<i32>} : memref<20000xf32, #tpu.memory_space<vmem>>, vector<16xf32>,
        %get3A_339 = vector.shape_cast %get3A_338 : vector<16xf32> to vector<16xf32>
        %gt3A_340 = arith.cmpf ogt, %get3A_339, %bitcast_convert_type3A : vector<16xf32>
        %broadcast_in_dim3A_341 = arith.constant 0.000000e+00 : f32
        %broadcast_in_dim3A_342 = vector.broadcast %broadcast_in_dim3A_341 : f32 to vector<16xf32>
        %select_n3A_343 = arith.select %gt3A_340, %get3A_339, %broadcast_in_dim3A_342 : vector<16xi1>, vector<16xf32>
        %add3A_344 = arith.addf %add3A_324, %select_n3A_343 : vector<16xf32>
        %broadcast_in_dim3A_345 = arith.constant 1 : i32
        %broadcast_in_dim3A_346 = vector.broadcast %broadcast_in_dim3A_345 : i32 to vector<16xi32>
        %broadcast_in_dim3A_347 = arith.constant 0 : i32
        %broadcast_in_dim3A_348 = vector.broadcast %broadcast_in_dim3A_347 : i32 to vector<16xi32>
        %select_n3A_349 = arith.select %gt3A_340, %broadcast_in_dim3A_346, %broadcast_in_dim3A_348 : vector<16xi1>, vector<16xi32>
        %add3A_350 = arith.addi %add3A_330, %select_n3A_349 : vector<16xi32>
        %mul3A_351 = arith.constant 10 : i32
        %mul3A_352 = arith.muli %scan3A_229, %mul3A_351 : i32
        %add3A_353 = arith.constant 6 : i32
        %add3A_354 = arith.addi %mul3A_352, %add3A_353 : i32
        %mul3A_355 = arith.constant 16 : i32
        %mul3A_356 = arith.muli %add3A_354, %mul3A_355 : i32
        %get3A_357 = arith.index_cast %mul3A_356 : i32 to index
        %get3A_358 = tpu.vector_load %arg4[%get3A_357] {strides = array<i32>} : memref<20000xf32, #tpu.memory_space<vmem>>, vector<16xf32>,
        %get3A_359 = vector.shape_cast %get3A_358 : vector<16xf32> to vector<16xf32>
        %gt3A_360 = arith.cmpf ogt, %get3A_359, %bitcast_convert_type3A : vector<16xf32>
        %broadcast_in_dim3A_361 = arith.constant 0.000000e+00 : f32
        %broadcast_in_dim3A_362 = vector.broadcast %broadcast_in_dim3A_361 : f32 to vector<16xf32>
        %select_n3A_363 = arith.select %gt3A_360, %get3A_359, %broadcast_in_dim3A_362 : vector<16xi1>, vector<16xf32>
        %add3A_364 = arith.addf %add3A_344, %select_n3A_363 : vector<16xf32>
        %broadcast_in_dim3A_365 = arith.constant 1 : i32
        %broadcast_in_dim3A_366 = vector.broadcast %broadcast_in_dim3A_365 : i32 to vector<16xi32>
        %broadcast_in_dim3A_367 = arith.constant 0 : i32
        %broadcast_in_dim3A_368 = vector.broadcast %broadcast_in_dim3A_367 : i32 to vector<16xi32>
        %select_n3A_369 = arith.select %gt3A_360, %broadcast_in_dim3A_366, %broadcast_in_dim3A_368 : vector<16xi1>, vector<16xi32>
        %add3A_370 = arith.addi %add3A_350, %select_n3A_369 : vector<16xi32>
        %mul3A_371 = arith.constant 10 : i32
        %mul3A_372 = arith.muli %scan3A_229, %mul3A_371 : i32
        %add3A_373 = arith.constant 7 : i32
        %add3A_374 = arith.addi %mul3A_372, %add3A_373 : i32
        %mul3A_375 = arith.constant 16 : i32
        %mul3A_376 = arith.muli %add3A_374, %mul3A_375 : i32
        %get3A_377 = arith.index_cast %mul3A_376 : i32 to index
        %get3A_378 = tpu.vector_load %arg4[%get3A_377] {strides = array<i32>} : memref<20000xf32, #tpu.memory_space<vmem>>, vector<16xf32>,
        %get3A_379 = vector.shape_cast %get3A_378 : vector<16xf32> to vector<16xf32>
        %gt3A_380 = arith.cmpf ogt, %get3A_379, %bitcast_convert_type3A : vector<16xf32>
        %broadcast_in_dim3A_381 = arith.constant 0.000000e+00 : f32
        %broadcast_in_dim3A_382 = vector.broadcast %broadcast_in_dim3A_381 : f32 to vector<16xf32>
        %select_n3A_383 = arith.select %gt3A_380, %get3A_379, %broadcast_in_dim3A_382 : vector<16xi1>, vector<16xf32>
        %add3A_384 = arith.addf %add3A_364, %select_n3A_383 : vector<16xf32>
        %broadcast_in_dim3A_385 = arith.constant 1 : i32
        %broadcast_in_dim3A_386 = vector.broadcast %broadcast_in_dim3A_385 : i32 to vector<16xi32>
        %broadcast_in_dim3A_387 = arith.constant 0 : i32
        %broadcast_in_dim3A_388 = vector.broadcast %broadcast_in_dim3A_387 : i32 to vector<16xi32>
        %select_n3A_389 = arith.select %gt3A_380, %broadcast_in_dim3A_386, %broadcast_in_dim3A_388 : vector<16xi1>, vector<16xi32>
        %add3A_390 = arith.addi %add3A_370, %select_n3A_389 : vector<16xi32>
        %mul3A_391 = arith.constant 10 : i32
        %mul3A_392 = arith.muli %scan3A_229, %mul3A_391 : i32
        %add3A_393 = arith.constant 8 : i32
        %add3A_394 = arith.addi %mul3A_392, %add3A_393 : i32
        %mul3A_395 = arith.constant 16 : i32
        %mul3A_396 = arith.muli %add3A_394, %mul3A_395 : i32
        %get3A_397 = arith.index_cast %mul3A_396 : i32 to index
        %get3A_398 = tpu.vector_load %arg4[%get3A_397] {strides = array<i32>} : memref<20000xf32, #tpu.memory_space<vmem>>, vector<16xf32>,
        %get3A_399 = vector.shape_cast %get3A_398 : vector<16xf32> to vector<16xf32>
        %gt3A_400 = arith.cmpf ogt, %get3A_399, %bitcast_convert_type3A : vector<16xf32>
        %broadcast_in_dim3A_401 = arith.constant 0.000000e+00 : f32
        %broadcast_in_dim3A_402 = vector.broadcast %broadcast_in_dim3A_401 : f32 to vector<16xf32>
        %select_n3A_403 = arith.select %gt3A_400, %get3A_399, %broadcast_in_dim3A_402 : vector<16xi1>, vector<16xf32>
        %add3A_404 = arith.addf %add3A_384, %select_n3A_403 : vector<16xf32>
        %broadcast_in_dim3A_405 = arith.constant 1 : i32
        %broadcast_in_dim3A_406 = vector.broadcast %broadcast_in_dim3A_405 : i32 to vector<16xi32>
        %broadcast_in_dim3A_407 = arith.constant 0 : i32
        %broadcast_in_dim3A_408 = vector.broadcast %broadcast_in_dim3A_407 : i32 to vector<16xi32>
        %select_n3A_409 = arith.select %gt3A_400, %broadcast_in_dim3A_406, %broadcast_in_dim3A_408 : vector<16xi1>, vector<16xi32>
        %add3A_410 = arith.addi %add3A_390, %select_n3A_409 : vector<16xi32>
        %mul3A_411 = arith.constant 10 : i32
        %mul3A_412 = arith.muli %scan3A_229, %mul3A_411 : i32
        %add3A_413 = arith.constant 9 : i32
        %add3A_414 = arith.addi %mul3A_412, %add3A_413 : i32
        %mul3A_415 = arith.constant 16 : i32
        %mul3A_416 = arith.muli %add3A_414, %mul3A_415 : i32
        %get3A_417 = arith.index_cast %mul3A_416 : i32 to index
        %get3A_418 = tpu.vector_load %arg4[%get3A_417] {strides = array<i32>} : memref<20000xf32, #tpu.memory_space<vmem>>, vector<16xf32>,
        %get3A_419 = vector.shape_cast %get3A_418 : vector<16xf32> to vector<16xf32>
        %gt3A_420 = arith.cmpf ogt, %get3A_419, %bitcast_convert_type3A : vector<16xf32>
        %broadcast_in_dim3A_421 = arith.constant 0.000000e+00 : f32
        %broadcast_in_dim3A_422 = vector.broadcast %broadcast_in_dim3A_421 : f32 to vector<16xf32>
        %select_n3A_423 = arith.select %gt3A_420, %get3A_419, %broadcast_in_dim3A_422 : vector<16xi1>, vector<16xf32>
        %add3A_424 = arith.addf %add3A_404, %select_n3A_423 : vector<16xf32>
        %broadcast_in_dim3A_425 = arith.constant 1 : i32
        %broadcast_in_dim3A_426 = vector.broadcast %broadcast_in_dim3A_425 : i32 to vector<16xi32>
        %broadcast_in_dim3A_427 = arith.constant 0 : i32
        %broadcast_in_dim3A_428 = vector.broadcast %broadcast_in_dim3A_427 : i32 to vector<16xi32>
        %select_n3A_429 = arith.select %gt3A_420, %broadcast_in_dim3A_426, %broadcast_in_dim3A_428 : vector<16xi1>, vector<16xi32>
        %add3A_430 = arith.addi %add3A_410, %select_n3A_429 : vector<16xi32>
        scf.yield %add3A_424, %add3A_430 : vector<16xf32>, vector<16xi32>
      }
      %scan3A_172 = arith.constant 125 : i32
      %slice3A_173 = vector.extract_strided_slice %scan3A_171#1 {offsets = [0], sizes = [1], strides = [1]} : vector<16xi32> to vector<1xi32>
      %squeeze3A_174 = vector.extract %slice3A_173[0] : i32 from vector<1xi32>
      %slice3A_175 = vector.extract_strided_slice %scan3A_171#1 {offsets = [1], sizes = [1], strides = [1]} : vector<16xi32> to vector<1xi32>
      %squeeze3A_176 = vector.extract %slice3A_175[0] : i32 from vector<1xi32>
      %add3A_177 = arith.addi %squeeze3A_174, %squeeze3A_176 : i32
      %slice3A_178 = vector.extract_strided_slice %scan3A_171#1 {offsets = [2], sizes = [1], strides = [1]} : vector<16xi32> to vector<1xi32>
      %squeeze3A_179 = vector.extract %slice3A_178[0] : i32 from vector<1xi32>
      %add3A_180 = arith.addi %add3A_177, %squeeze3A_179 : i32
      %slice3A_181 = vector.extract_strided_slice %scan3A_171#1 {offsets = [3], sizes = [1], strides = [1]} : vector<16xi32> to vector<1xi32>
      %squeeze3A_182 = vector.extract %slice3A_181[0] : i32 from vector<1xi32>
      %add3A_183 = arith.addi %add3A_180, %squeeze3A_182 : i32
      %slice3A_184 = vector.extract_strided_slice %scan3A_171#1 {offsets = [4], sizes = [1], strides = [1]} : vector<16xi32> to vector<1xi32>
      %squeeze3A_185 = vector.extract %slice3A_184[0] : i32 from vector<1xi32>
      %add3A_186 = arith.addi %add3A_183, %squeeze3A_185 : i32
      %slice3A_187 = vector.extract_strided_slice %scan3A_171#1 {offsets = [5], sizes = [1], strides = [1]} : vector<16xi32> to vector<1xi32>
      %squeeze3A_188 = vector.extract %slice3A_187[0] : i32 from vector<1xi32>
      %add3A_189 = arith.addi %add3A_186, %squeeze3A_188 : i32
      %slice3A_190 = vector.extract_strided_slice %scan3A_171#1 {offsets = [6], sizes = [1], strides = [1]} : vector<16xi32> to vector<1xi32>
      %squeeze3A_191 = vector.extract %slice3A_190[0] : i32 from vector<1xi32>
      %add3A_192 = arith.addi %add3A_189, %squeeze3A_191 : i32
      %slice3A_193 = vector.extract_strided_slice %scan3A_171#1 {offsets = [7], sizes = [1], strides = [1]} : vector<16xi32> to vector<1xi32>
      %squeeze3A_194 = vector.extract %slice3A_193[0] : i32 from vector<1xi32>
      %add3A_195 = arith.addi %add3A_192, %squeeze3A_194 : i32
      %slice3A_196 = vector.extract_strided_slice %scan3A_171#1 {offsets = [8], sizes = [1], strides = [1]} : vector<16xi32> to vector<1xi32>
      %squeeze3A_197 = vector.extract %slice3A_196[0] : i32 from vector<1xi32>
      %add3A_198 = arith.addi %add3A_195, %squeeze3A_197 : i32
      %slice3A_199 = vector.extract_strided_slice %scan3A_171#1 {offsets = [9], sizes = [1], strides = [1]} : vector<16xi32> to vector<1xi32>
      %squeeze3A_200 = vector.extract %slice3A_199[0] : i32 from vector<1xi32>
      %add3A_201 = arith.addi %add3A_198, %squeeze3A_200 : i32
      %slice3A_202 = vector.extract_strided_slice %scan3A_171#1 {offsets = [10], sizes = [1], strides = [1]} : vector<16xi32> to vector<1xi32>
      %squeeze3A_203 = vector.extract %slice3A_202[0] : i32 from vector<1xi32>
      %add3A_204 = arith.addi %add3A_201, %squeeze3A_203 : i32
      %slice3A_205 = vector.extract_strided_slice %scan3A_171#1 {offsets = [11], sizes = [1], strides = [1]} : vector<16xi32> to vector<1xi32>
      %squeeze3A_206 = vector.extract %slice3A_205[0] : i32 from vector<1xi32>
      %add3A_207 = arith.addi %add3A_204, %squeeze3A_206 : i32
      %slice3A_208 = vector.extract_strided_slice %scan3A_171#1 {offsets = [12], sizes = [1], strides = [1]} : vector<16xi32> to vector<1xi32>
      %squeeze3A_209 = vector.extract %slice3A_208[0] : i32 from vector<1xi32>
      %add3A_210 = arith.addi %add3A_207, %squeeze3A_209 : i32
      %slice3A_211 = vector.extract_strided_slice %scan3A_171#1 {offsets = [13], sizes = [1], strides = [1]} : vector<16xi32> to vector<1xi32>
      %squeeze3A_212 = vector.extract %slice3A_211[0] : i32 from vector<1xi32>
      %add3A_213 = arith.addi %add3A_210, %squeeze3A_212 : i32
      %slice3A_214 = vector.extract_strided_slice %scan3A_171#1 {offsets = [14], sizes = [1], strides = [1]} : vector<16xi32> to vector<1xi32>
      %squeeze3A_215 = vector.extract %slice3A_214[0] : i32 from vector<1xi32>
      %add3A_216 = arith.addi %add3A_213, %squeeze3A_215 : i32
      %slice3A_217 = vector.extract_strided_slice %scan3A_171#1 {offsets = [15], sizes = [1], strides = [1]} : vector<16xi32> to vector<1xi32>
      %squeeze3A_218 = vector.extract %slice3A_217[0] : i32 from vector<1xi32>
      %add3A_219 = arith.addi %add3A_216, %squeeze3A_218 : i32
      %convert_element_type3A_220 = arith.sitofp %add3A_219 : i32 to f32
      %sub3A = arith.subf %convert_element_type3A_134, %convert_element_type3A_220 : f32
      %mul3A_221 = arith.constant 6.250000e-02 : f32
      %mul3A_222 = arith.mulf %sub3A, %mul3A_221 : f32
      %broadcast_in_dim3A_223 = vector.broadcast %mul3A_222 : f32 to vector<16xf32>
      %mul3A_224 = arith.mulf %bitcast_convert_type3A, %broadcast_in_dim3A_223 : vector<16xf32>
      %add3A_225 = arith.addf %scan3A_171#0, %mul3A_224 : vector<16xf32>
      %swap3A = arith.constant 0 : index
      %swap3A_226 = tpu.vector_load %arg5[%swap3A] {strides = array<i32>} : memref<16xf32, #tpu.memory_space<vmem>>, vector<16xf32>,
      %swap3A_227 = vector.shape_cast %swap3A_226 : vector<16xf32> to vector<16xf32>
      %swap3A_228 = vector.shape_cast %add3A_225 : vector<16xf32> to vector<16xf32>
      tpu.vector_store %arg5[%swap3A], %swap3A_228 {strides = array<i32>} : memref<16xf32, #tpu.memory_space<vmem>>, vector<16xf32>,
    } else {
    }
    "tpu.region"() ({
      %run_scoped3A = tpu.sem_alloc : memref<!tpu.dma_semaphore, #tpu.memory_space<semaphore_mem>>
      %dma_start3A = arith.constant 0 : i32
      %dma_start3A_153 = tpu.memref_slice %arg3[%add3A_74, %dma_start3A] : memref<64x16xf32, #tpu.memory_space<hbm>> -> memref<1x16xf32, #tpu.memory_space<hbm>>
      %dma_start3A_154 = tpu.memref_squeeze %dma_start3A_153 : memref<1x16xf32, #tpu.memory_space<hbm>> -> memref<16xf32, #tpu.memory_space<hbm>>
      %dma_start3A_155 = arith.constant 0 : i32
      %dma_start3A_156 = tpu.memref_slice %arg3[%add3A_74, %dma_start3A_155] : memref<64x16xf32, #tpu.memory_space<hbm>> -> memref<1x16xf32, #tpu.memory_space<hbm>>
      %dma_start3A_157 = tpu.memref_squeeze %dma_start3A_156 : memref<1x16xf32, #tpu.memory_space<hbm>> -> memref<16xf32, #tpu.memory_space<hbm>>
      tpu.enqueue_dma source(%arg5 : memref<16xf32, #tpu.memory_space<vmem>>) target(%dma_start3A_157 : memref<16xf32, #tpu.memory_space<hbm>>) target_semaphore(%run_scoped3A : memref<!tpu.dma_semaphore, #tpu.memory_space<semaphore_mem>>)
      %dma_wait3A = arith.constant 0 : i32
      %dma_wait3A_158 = tpu.memref_slice %arg3[%add3A_74, %dma_wait3A] : memref<64x16xf32, #tpu.memory_space<hbm>> -> memref<1x16xf32, #tpu.memory_space<hbm>>
      %dma_wait3A_159 = tpu.memref_squeeze %dma_wait3A_158 : memref<1x16xf32, #tpu.memory_space<hbm>> -> memref<16xf32, #tpu.memory_space<hbm>>
      %dma_wait3A_160 = arith.constant 0 : i32
      %dma_wait3A_161 = tpu.memref_slice %arg3[%add3A_74, %dma_wait3A_160] : memref<64x16xf32, #tpu.memory_space<hbm>> -> memref<1x16xf32, #tpu.memory_space<hbm>>
      %dma_wait3A_162 = tpu.memref_squeeze %dma_wait3A_161 : memref<1x16xf32, #tpu.memory_space<hbm>> -> memref<16xf32, #tpu.memory_space<hbm>>
      tpu.wait_dma2 semaphore(%run_scoped3A : memref<!tpu.dma_semaphore, #tpu.memory_space<semaphore_mem>>) src(%arg5 : memref<16xf32, #tpu.memory_space<vmem>>) dst(%dma_wait3A_162 : memref<16xf32, #tpu.memory_space<hbm>>)
      tpu.yield
    }) : () -> ()
    return
  }
}

module attributes {stable_mosaic.version = 14 : i64} {
  func.func @_phase1_body(%arg0: i32, %arg1: memref<1x21x20000xbf16, #tpu.memory_space<vmem>>, %arg2: memref<1x1x20000xi8, #tpu.memory_space<vmem>>, %arg3: memref<1x625x128xi8, #tpu.memory_space<vmem>>, %arg4: memref<1x625x128xf32, #tpu.memory_space<vmem>>, %arg5: memref<1x625x128xf32, #tpu.memory_space<vmem>>, %arg6: memref<1x1x20000xf32, #tpu.memory_space<vmem>>, %arg7: memref<1x1x128xf32, #tpu.memory_space<vmem>>) attributes {dimension_semantics = [#tpu.dimension_semantics<arbitrary>], iteration_bounds = array<i64: 64>, scalar_prefetch = 0 : i64, scratch_operands = 0 : i64, tpu.core_type = #tpu.core_type<tc>, window_params = [{transform_indices = @transform_0, window_bounds = array<i64: 1, 21, 20000>}, {transform_indices = @transform_1, window_bounds = array<i64: 1, 1, 20000>}, {transform_indices = @transform_2, window_bounds = array<i64: 1, 625, 128>}, {transform_indices = @transform_3, window_bounds = array<i64: 1, 625, 128>}, {transform_indices = @transform_4, window_bounds = array<i64: 1, 625, 128>}, {transform_indices = @transform_5, window_bounds = array<i64: 1, 1, 20000>}, {transform_indices = @transform_6, window_bounds = array<i64: 1, 1, 128>}]} {
    %get3A = arith.constant 0 : index
    %get3A_0 = arith.constant 0 : index
    %get3A_1 = arith.constant 0 : index
    %get3A_2 = vector.load %arg1[%get3A, %get3A_0, %get3A_1] : memref<1x21x20000xbf16, #tpu.memory_space<vmem>>, vector<1x21x20000xbf16>
    %get3A_3 = vector.shape_cast %get3A_2 : vector<1x21x20000xbf16> to vector<21x20000xbf16>
    %convert_element_type3A = arith.extf %get3A_3 : vector<21x20000xbf16> to vector<21x20000xf32>
    %slice3A = vector.extract_strided_slice %convert_element_type3A {offsets = [0, 0], sizes = [1, 20000], strides = [1, 1]} : vector<21x20000xf32> to vector<1x20000xf32>
    %sub3A = vector.broadcast %slice3A : vector<1x20000xf32> to vector<21x20000xf32>
    %sub3A_4 = arith.subf %convert_element_type3A, %sub3A : vector<21x20000xf32>
    %exp3A = math.exp %sub3A_4 : vector<21x20000xf32>
    %reduce_sum3A = arith.constant dense<0.000000e+00> : vector<20000xf32>
    %reduce_sum3A_5 = vector.multi_reduction <add>, %exp3A, %reduce_sum3A [0] : vector<21x20000xf32> to vector<20000xf32>
    %broadcast_in_dim3A = vector.shape_cast %reduce_sum3A_5 : vector<20000xf32> to vector<1x20000xf32>
    %log3A = math.log %broadcast_in_dim3A : vector<1x20000xf32>
    %get3A_6 = arith.constant 0 : index
    %get3A_7 = arith.constant 0 : index
    %get3A_8 = arith.constant 0 : index
    %get3A_9 = vector.load %arg2[%get3A_6, %get3A_7, %get3A_8] : memref<1x1x20000xi8, #tpu.memory_space<vmem>>, vector<1x1x20000xi8>
    %get3A_10 = vector.shape_cast %get3A_9 : vector<1x1x20000xi8> to vector<1x20000xi8>
    %eq3A = arith.constant 1 : i8
    %eq3A_11 = vector.broadcast %eq3A : i8 to vector<1x20000xi8>
    %eq3A_12 = arith.cmpi eq, %get3A_10, %eq3A_11 : vector<1x20000xi8>
    %jit3A = arith.constant -0.000000e+00 : f32
    %broadcast_in_dim3A_13 = vector.broadcast %jit3A : f32 to vector<1x20000xf32>
    %select_n3A = arith.select %eq3A_12, %broadcast_in_dim3A_13, %log3A : vector<1x20000xi1>, vector<1x20000xf32>
    %swap3A = arith.constant 0 : index
    %swap3A_14 = arith.constant 0 : index
    %swap3A_15 = arith.constant 0 : index
    %swap3A_16 = vector.load %arg6[%swap3A, %swap3A_14, %swap3A_15] : memref<1x1x20000xf32, #tpu.memory_space<vmem>>, vector<1x1x20000xf32>
    %swap3A_17 = vector.shape_cast %swap3A_16 : vector<1x1x20000xf32> to vector<1x20000xf32>
    %swap3A_18 = vector.shape_cast %select_n3A : vector<1x20000xf32> to vector<1x1x20000xf32>
    tpu.vector_store %arg6[%swap3A, %swap3A_14, %swap3A_15], %swap3A_18 {strides = array<i32>} : memref<1x1x20000xf32, #tpu.memory_space<vmem>>, vector<1x1x20000xf32>,
    %get3A_19 = arith.constant 0 : index
    %get3A_20 = arith.constant 0 : index
    %get3A_21 = arith.constant 0 : index
    %get3A_22 = vector.load %arg3[%get3A_19, %get3A_20, %get3A_21] : memref<1x625x128xi8, #tpu.memory_space<vmem>>, vector<1x625x128xi8>
    %get3A_23 = vector.shape_cast %get3A_22 : vector<1x625x128xi8> to vector<625x128xi8>
    %convert_element_type3A_24 = arith.sitofp %get3A_23 : vector<625x128xi8> to vector<625x128xf32>
    %get3A_25 = arith.constant 0 : index
    %get3A_26 = arith.constant 0 : index
    %get3A_27 = arith.constant 0 : index
    %get3A_28 = vector.load %arg4[%get3A_25, %get3A_26, %get3A_27] : memref<1x625x128xf32, #tpu.memory_space<vmem>>, vector<1x625x128xf32>
    %get3A_29 = vector.shape_cast %get3A_28 : vector<1x625x128xf32> to vector<625x128xf32>
    %get3A_30 = arith.constant 0 : index
    %get3A_31 = arith.constant 0 : index
    %get3A_32 = arith.constant 0 : index
    %get3A_33 = vector.load %arg5[%get3A_30, %get3A_31, %get3A_32] : memref<1x625x128xf32, #tpu.memory_space<vmem>>, vector<1x625x128xf32>
    %get3A_34 = vector.shape_cast %get3A_33 : vector<1x625x128xf32> to vector<625x128xf32>
    %sub3A_35 = arith.subf %get3A_29, %get3A_34 : vector<625x128xf32>
    %abs3A = math.absf %sub3A_35 : vector<625x128xf32>
    %lt3A = arith.constant 1.000000e+00 : f32
    %lt3A_36 = vector.broadcast %lt3A : f32 to vector<625x128xf32>
    %lt3A_37 = arith.cmpf olt, %abs3A, %lt3A_36 : vector<625x128xf32>
    %mul3A = arith.constant 5.000000e-01 : f32
    %mul3A_38 = vector.broadcast %mul3A : f32 to vector<625x128xf32>
    %mul3A_39 = arith.mulf %mul3A_38, %sub3A_35 : vector<625x128xf32>
    %mul3A_40 = arith.mulf %mul3A_39, %sub3A_35 : vector<625x128xf32>
    %sub3A_41 = arith.constant 5.000000e-01 : f32
    %sub3A_42 = vector.broadcast %sub3A_41 : f32 to vector<625x128xf32>
    %sub3A_43 = arith.subf %abs3A, %sub3A_42 : vector<625x128xf32>
    %select_n3A_44 = arith.select %lt3A_37, %mul3A_40, %sub3A_43 : vector<625x128xi1>, vector<625x128xf32>
    %mul3A_45 = arith.mulf %select_n3A_44, %convert_element_type3A_24 : vector<625x128xf32>
    %reduce_sum3A_46 = vector.shape_cast %mul3A_45 : vector<625x128xf32> to vector<1x625x128xf32>
    %reduce_sum3A_47 = arith.constant dense<0.000000e+00> : vector<1xf32>
    %reduce_sum3A_48 = vector.multi_reduction <add>, %reduce_sum3A_46, %reduce_sum3A_47 [1, 2] : vector<1x625x128xf32> to vector<1xf32>
    %reduce_sum3A_49 = vector.shape_cast %reduce_sum3A_48 : vector<1xf32> to vector<1x1x1xf32>
    %reduce_sum3A_50 = vector.extract %reduce_sum3A_49[0, 0, 0] : f32 from vector<1x1x1xf32>
    %iota3A = tpu.iota {dimensions = array<i32: 2>} : vector<1x1x128xi32>
    %eq3A_51 = arith.constant 0 : i32
    %eq3A_52 = vector.broadcast %eq3A_51 : i32 to vector<1x1x128xi32>
    %eq3A_53 = arith.cmpi eq, %iota3A, %eq3A_52 : vector<1x1x128xi32>
    %jit3A_54 = arith.constant 0.000000e+00 : f32
    %broadcast_in_dim3A_55 = vector.broadcast %reduce_sum3A_50 : f32 to vector<1x1x128xf32>
    %broadcast_in_dim3A_56 = vector.broadcast %jit3A_54 : f32 to vector<1x1x128xf32>
    %select_n3A_57 = arith.select %eq3A_53, %broadcast_in_dim3A_55, %broadcast_in_dim3A_56 : vector<1x1x128xi1>, vector<1x1x128xf32>
    %swap3A_58 = arith.constant 0 : index
    %swap3A_59 = arith.constant 0 : index
    %swap3A_60 = arith.constant 0 : index
    %swap3A_61 = vector.load %arg7[%swap3A_58, %swap3A_59, %swap3A_60] : memref<1x1x128xf32, #tpu.memory_space<vmem>>, vector<1x1x128xf32>
    tpu.vector_store %arg7[%swap3A_58, %swap3A_59, %swap3A_60], %select_n3A_57 {strides = array<i32>} : memref<1x1x128xf32, #tpu.memory_space<vmem>>, vector<1x1x128xf32>,
    return
  }
  func.func @transform_0(%arg0: i32) -> (i32, i32, i32) {
    %c0_i32 = arith.constant 0 : i32
    %c0_i32_0 = arith.constant 0 : i32
    %c0_i32_1 = arith.constant 0 : i32
    return %arg0, %c0_i32, %c0_i32_0 : i32, i32, i32
  }
  func.func @transform_1(%arg0: i32) -> (i32, i32, i32) {
    %c0_i32 = arith.constant 0 : i32
    %c0_i32_0 = arith.constant 0 : i32
    %c0_i32_1 = arith.constant 0 : i32
    return %arg0, %c0_i32, %c0_i32_0 : i32, i32, i32
  }
  func.func @transform_2(%arg0: i32) -> (i32, i32, i32) {
    %c0_i32 = arith.constant 0 : i32
    %c0_i32_0 = arith.constant 0 : i32
    %c0_i32_1 = arith.constant 0 : i32
    return %arg0, %c0_i32, %c0_i32_0 : i32, i32, i32
  }
  func.func @transform_3(%arg0: i32) -> (i32, i32, i32) {
    %c0_i32 = arith.constant 0 : i32
    %c0_i32_0 = arith.constant 0 : i32
    %c0_i32_1 = arith.constant 0 : i32
    return %arg0, %c0_i32, %c0_i32_0 : i32, i32, i32
  }
  func.func @transform_4(%arg0: i32) -> (i32, i32, i32) {
    %c0_i32 = arith.constant 0 : i32
    %c0_i32_0 = arith.constant 0 : i32
    %c0_i32_1 = arith.constant 0 : i32
    return %arg0, %c0_i32, %c0_i32_0 : i32, i32, i32
  }
  func.func @transform_5(%arg0: i32) -> (i32, i32, i32) {
    %c0_i32 = arith.constant 0 : i32
    %c0_i32_0 = arith.constant 0 : i32
    %c0_i32_1 = arith.constant 0 : i32
    return %arg0, %c0_i32, %c0_i32_0 : i32, i32, i32
  }
  func.func @transform_6(%arg0: i32) -> (i32, i32, i32) {
    %c0_i32 = arith.constant 0 : i32
    %c0_i32_0 = arith.constant 0 : i32
    %c0_i32_1 = arith.constant 0 : i32
    return %arg0, %c0_i32, %c0_i32_0 : i32, i32, i32
  }
}

</mosaic_0001>

<sc_bundles>
// kernel: kernel.4.cloned.1.call-start
scs
__scs_entry_jumppad:
0x0: {  	(pc) =	sbr.rel $0x88, $3  }
0x1: {  	(tag) =	ssettag $0x0;
	lr =	simm.s32 $0x1  }
0x2: {  	[smem:$0x3F9D] =	sst lr;
	_ =	strace $0xD0000000  }
0x3: {  	_ = 	snop  }
0x4: {  	_ = 	snop  }
0x5: {  	_ = 	snop  }
0x6: {  	_ = 	snop  }
0x7: {  	_ = 	snop  }
__scs_overlays_trampoline_lowered:
0x8: {  	[smem:$0x3FAC] =	sst s0  }
0x9: {  	[smem:$0x3FAD] =	sst s1  }
0xa: {  	[smem:$0x3FAE] =	sst s2  }
0xb: {  	[smem:$0x3FAF] =	sst s3  }
0xc: {  	[smem:$0x3FB0] =	sst s4  }
0xd: {  	[smem:$0x3FB1] =	sst s5  }
0xe: {  	[smem:$0x3FB2] =	sst s6  }
0xf: {  	[smem:$0x3FB3] =	sst s7  }
0x10: {  	[smem:$0x3FB4] =	sst s8  }
0x11: {  	[smem:$0x3FB5] =	sst s9;
	s0 =	simm.s32 @!p0 $0x0  }
0x12: {  	s1 =	sld [smem:$0x3F9B];
	s0 =	simm.s32 @p0 $0x1  }
0x13: {  	[smem:$0x3FB6] =	sst s0;
	s0 =	simm.s32 @!p1 $0x0  }
0x14: {  	s2 =	sld [smem:$0x3F9A];
	s0 =	simm.s32 @p1 $0x1  }
0x15: {  	[smem:$0x3FB7] =	sst s0;
	s0 =	simm.s32 @!p2 $0x0  }
0x16: {  	s3 =	sld [smem:$0x3FDB];
	s0 =	simm.s32 @p2 $0x1  }
0x17: {  	s4 =	simm.s32 $0x1BF5;
	[smem:$0x3FB9] =	sst s0  }
0x18: {  	s0 =	sld [smem:$0x3F9C];
	_ =	swait.ge [sflag:s4], $0x0  }
0x19: {  	s7 =	sld [smem:$0x3F9D]  }
0x1a: {  	s8 =	sadd.s32 $0xFFFFE003, lr  }
0x1b: {  	s9 =	sadd.s32 $0xFFFFFEF7, lr;
	s5 =	simm.s32 $0xFFFFFFFF;
	p2 =	slt.u32 s8, $0xFFFFF086  }
0x1c: {  	p1 =	slt.u32 s9, $0xF7A;
	s5 =	simm.s32 @!p2 $0x0  }
0x1d: {  	s5 =	simm.s32 @p1 $0x1;
	p0 =	seq.s32 s7, s2  }
0x1e: {  	s7 =	smul.u32 @!p0 $0xF7A, s2;
	p2 =	seq.s32 @!p0 s5, $0x0  }
0x1f: {  	s9 =	smul.u32 $0xF7A, s1;
	s8 =	simm.s32 @!p0 $0x1BF5;
	p2 =	por !p2, p0  }
0x20: {  	[sflag:s8] =	ssyncset.s32 @!p0 $0xFFFFF086;
	s6 =	sadd.s32 @!p0 s3, s7;
	s7 =	simm.s32 @!p0 $0x108  }
0x21: {  	s3 =	sadd.s32 s3, s9;
	s6 =	sadd.s32 @!p0 $0x88, s6;
	s7 =	simm.s32 @p2 $0x1082  }
0x22: {  	[simem:s7], [sflag:s8] =	dma.local @!p0 [hbm:s6], $0xF7A  }
0x23: {  	s9 =	sor.u32 $0xD0000000, s2;
	s6 =	simm.s32 $0x108;
	_ =	swait.ge @!p0 [sflag:s8], $0x0  }
0x24: {  	s3 =	sadd.s32 $0x88, s3;
	s6 =	simm.s32 @!p1 $0x1082;
	[sflag:s4] =	ssyncset.s32 $0xFFFFF086  }
0x25: {  	[simem:s6], [sflag:s4] =	dma.local [hbm:s3], $0xF7A  }
0x26: {  	[smem:$0x3F9D] =	sst s1;
	(tag) =	ssettag s2;
	_ =	strace s9  }
0x27: {  	s1 =	sld [smem:$0x3FAD]  }
0x28: {  	s2 =	sld [smem:$0x3FAE]  }
0x29: {  	s4 =	sld [smem:$0x3FB0]  }
0x2a: {  	p0 =	seq.s32 s5, $0x0;
	s5 =	sld [smem:$0x3FB1]  }
0x2b: {  	s6 =	sld [smem:$0x3FB2]  }
0x2c: {  	s7 =	sld [smem:$0x3FB3]  }
0x2d: {  	s3 =	simm.s32 $0x108;
	s8 =	sld [smem:$0x3FB4]  }
0x2e: {  	s3 =	simm.s32 @!p0 $0x1082;
	s9 =	sld [smem:$0x3FB5]  }
0x2f: {  	lr =	sadd.s32 s0, s3;
	s0 =	sld [smem:$0x3FAC]  }
0x30: {  	s3 =	sld [smem:$0x3FAF]  }
0x31: {  	[smem:$0x3FB8] =	sst s10  }
0x32: {  	s10 =	sld [smem:$0x3FB6];
	_ =	sdelay $0x3  }
0x33: {  	p0 =	seq.s32 s10, $0x1;
	s10 =	sld [smem:$0x3FB8];
	_ =	sdelay $0x3  }
0x34: {  	[smem:$0x3FB8] =	sst s10  }
0x35: {  	s10 =	sld [smem:$0x3FB7];
	_ =	sdelay $0x3  }
0x36: {  	p1 =	seq.s32 s10, $0x1;
	s10 =	sld [smem:$0x3FB8];
	_ =	sdelay $0x3  }
0x37: {  	[smem:$0x3FB8] =	sst s10  }
0x38: {  	s10 =	sld [smem:$0x3FB9]  }
0x39: {  	_ = 	snop;
	(pc) =	sbr.ind lr, $3  }
0x3a: {  	_ = 	snop  }
0x3b: {  	_ = 	snop  }
0x3c: {  	p2 =	seq.s32 s10, $0x1;
	s10 =	sld [smem:$0x3FB8]  }
0x3d: {  	_ =	shalt  }
0x3e: {  	_ =	shalt  }
0x3f: {  	_ =	shalt  }
0x40: {  	_ =	shalt  }
0x41: {  	_ =	shalt  }
0x42: {  	_ =	shalt  }
0x43: {  	_ =	shalt  }
0x44: {  	_ =	shalt  }
0x45: {  	_ =	shalt  }
0x46: {  	_ =	shalt  }
0x47: {  	_ =	shalt  }
0x48: {  	_ =	shalt  }
0x49: {  	_ =	shalt  }
0x4a: {  	_ =	shalt  }
0x4b: {  	_ =	shalt  }
0x4c: {  	_ =	shalt  }
0x4d: {  	_ =	shalt  }
0x4e: {  	_ =	shalt  }
0x4f: {  	_ =	shalt  }
0x50: {  	_ =	shalt  }
0x51: {  	_ =	shalt  }
0x52: {  	_ =	shalt  }
0x53: {  	_ =	shalt  }
0x54: {  	_ =	shalt  }
0x55: {  	_ =	shalt  }
0x56: {  	_ =	shalt  }
0x57: {  	_ =	shalt  }
0x58: {  	_ =	shalt  }
0x59: {  	_ =	shalt  }
0x5a: {  	_ =	shalt  }
0x5b: {  	_ =	shalt  }
0x5c: {  	_ =	shalt  }
0x5d: {  	_ =	shalt  }
0x5e: {  	_ =	shalt  }
0x5f: {  	_ =	shalt  }
0x60: {  	_ =	shalt  }
0x61: {  	_ =	shalt  }
0x62: {  	_ =	shalt  }
0x63: {  	_ =	shalt  }
0x64: {  	_ =	shalt  }
0x65: {  	_ =	shalt  }
0x66: {  	_ =	shalt  }
0x67: {  	_ =	shalt  }
0x68: {  	_ =	shalt  }
0x69: {  	_ =	shalt  }
0x6a: {  	_ =	shalt  }
0x6b: {  	_ =	shalt  }
0x6c: {  	_ =	shalt  }
0x6d: {  	_ =	shalt  }
0x6e: {  	_ =	shalt  }
0x6f: {  	_ =	shalt  }
0x70: {  	_ =	shalt  }
0x71: {  	_ =	shalt  }
0x72: {  	_ =	shalt  }
0x73: {  	_ =	shalt  }
0x74: {  	_ =	shalt  }
0x75: {  	_ =	shalt  }
0x76: {  	_ =	shalt  }
0x77: {  	_ =	shalt  }
0x78: {  	_ =	shalt  }
0x79: {  	_ =	shalt  }
0x7a: {  	_ =	shalt  }
0x7b: {  	_ =	shalt  }
0x7c: {  	_ =	shalt  }
0x7d: {  	_ =	shalt  }
0x7e: {  	_ =	shalt  }
0x7f: {  	_ =	shalt  }
0x80: {  	_ =	shalt  }
0x81: {  	_ =	shalt  }
0x82: {  	_ =	shalt  }
0x83: {  	_ =	shalt  }
0x84: {  	_ =	shalt  }
0x85: {  	_ =	shalt  }
0x86: {  	_ =	shalt  }
0x87: {  	_ =	shalt  }
.Lfunc_end0:
.L_simem_size_0:
called_computation.1_lowered:
.L_overlay_start_0:
0x88: {  	s2 =	sld [smem:$0x3FD9]  }
0x89: {  	s3 =	sld [smem:$0x3FFE];
	_ =	sdelay $0x1  }
0x8a: {  	s1 =	srdreg.scid  }
0x8b: {  	s0 =	sand.u32 $0x1, s1  }
0x8c: {  	s16 =	sshll.u32 s0, $0xA;
	s2 =	sadd.s32 s3, s2  }
0x8d: {  	s2 =	sadd.s32 s2, s16  }
0x8e: {  	[smem:$0x3FC4] =	sst s2  }
0x8f: {  	_ = 	snop  }
0x90: {  	(tm) =	ssettm $0x1  }
0x91: {  	s17 =	sld [smem:$0x3FFB];
	_ =	sdelay $0x3  }
0x92: {  	_ =	strace s17  }
0x93: {  	s2 =	sld [smem:$0x3FFC];
	_ =	sdelay $0x3  }
0x94: {  	_ =	strace s2  }
0x95: {  	s2 =	sld [smem:$0x3FFD];
	_ =	sdelay $0x3  }
0x96: {  	_ =	strace s2  }
0x97: {  	_ =	strace $0x8FFFFFFF  }
0x98: {  	s18 =	sld [smem:$0x3FDB];
	_ =	sdelay $0x1  }
0x99: {  	s19 =	simm.s32 $_scs_section_size  }
0x9a: {  	s4 =	simm.s32 $_size__tile_overlayer_lowered;
	s5 =	simm.s32 $_tile_overlayer_lowered  }
0x9b: {  	s22 =	simm.s32 $0x1BFF;
	s21 =	sshll.u32 s5, $0x1;
	s2 =	sadd.s32 s19, s18  }
0x9c: {  	s6 =	simm.s32 $0x0;
	s20 =	sshll.u32 s4, $0x1;
	s4 =	sadd.s32 s21, s2  }
0x9d: {  	[timem:s6], [sflag:s22] =	dma.local [hbm:s4], s20  }
0x9e: {  	_ =	swait.ge [sflag:s22], s20  }
0x9f: {  	s3 =	ssub.s32 $0x0, s20;
	[sflag:s22] =	ssyncset.done $0x0  }
0xa0: {  	[sflag:s22] =	ssyncadd.s32 s3;
	_ =	sdelay $0x1  }
0xa1: {  	s23 =	simm.s32 $0x1B8B  }
0xa2: {  	_ =	swait.ge [sflag:s23], $0x1  }
0xa3: {  	[sflag:s23] =	ssyncset.done $0x0  }
0xa4: {  	s25 =	simm.s32 $0x1B8E;
	s24 =	sld [smem:$0x3FFE];
	[sflag:s23] =	ssyncadd.s32 $0xFFFFFFFF  }
0xa5: {  	s26 =	simm.s32 $execute0_lowered;
	[smem:$0x3FD2] =	sst s25  }
0xa6: {  	s4 =	sshll.u32 s26, $0x1;
	_ =	strace $0x80000049;
	[dreg:$0x1] =	wrdreg $0xFFFFFFFF  }
0xa7: {  	s28 =	simm.s32 $_size_execute0_lowered;
	s2 =	sadd.s32 s2, s4;
	[dreg:$0x0] =	wrdreg $0x0  }
0xa8: {  	s4 =	sshll.u32 s28, $0x1;
	[dreg:$0x2] =	wrdreg s2  }
0xa9: {  	[dreg:$0x3] =	wrdreg s4  }
0xaa: {  	[dreg:$0x4] =	wrdreg $0xC0  }
0xab: {  	_ =	task [dreg:s6], $0x5FFFF  }
0xac: {  	[dreg:$0x1] =	wrdreg $0xFFFFFFFF  }
0xad: {  	[dreg:$0x0] =	wrdreg $0x60  }
0xae: {  	[dreg:$0x2] =	wrdreg s24  }
0xaf: {  	[dreg:$0x3] =	wrdreg $0x9  }
0xb0: {  	_ =	task.clear_ibuf [dreg:s6], $0x4FFFF;
	_ =	strace $0x90000049  }
0xb1: {  	s29 =	simm.s32 $0x9;
	_ =	strace $0x8000004B  }
0xb2: {  	_ =	swait.ge [sflag:s29], $0x1  }
0xb3: {  	[sflag:s29] =	ssyncadd.s32 $0xFFFFFFFF  }
0xb4: {  	_ =	strace $0x9000004B  }
0xb5: {  	_ =	sfence  }
0xb6: {  	s30 =	sld [smem:$0x0];
	_ =	sdelay $0x2  }
0xb7: {  	s31 =	sshll.u32 s1, $0xD;
	s1 =	sshrl.u32 s1, $0x2  }
0xb8: {  	s3 =	sand.u32 $0x4000, s31;
	s1 =	sadd.s32 s1, s30  }
0xb9: {  	s0 =	sor.u32 s3, s0;
	s1 =	sshll.u32 s1, $0x11  }
0xba: {  	s0 =	sor.u32 s1, s0  }
0xbb: {  	s0 =	sadd.s32 $0x8F2B, s0  }
0xbc: {  	[sflag:s0] =	ssyncadd.remote.s32 $0x1  }
0xbd: {  	_ =	sfence.sel $0xFFFF  }
0xbe: {  	[dreg:$0x0] =	wrdreg $0xFFFFFFFF;
	(pc) =	sbr.abs _section_cstart, $3  }
0xbf: {  	[dreg:$0x1] =	wrdreg $0xFFFFFFFF  }
0xc0: {  	_ =	task.clear_ibuf [dreg:s6], $0x2FFFF;
	_ =	strace $0x9FFFFFFF  }
0xc1: {  	(tm) =	ssettm $0x7FFFFFFF  }
tec
execute0_lowered:
.L_overlay_start_1:
0x0: {  	(tag) =	ssettag $0x1  }
0x1: {  	s3 =	rddreg [dreg:$0x0]  }
0x2: {  	s0 =	rddreg [dreg:$0x1];
	s2 =	simm.s32 $0x0;
	s4 =	srdreg.scid  }
0x3: {  	s1 =	stileid.u32;
	s12 =	simm.s32 $0x0;
	[smem:$0x7FF] =	sst s2  }
0x4: {  	s4 =	sand.u32 $0x1, s4;
	s5 =	sshll.u32 s1, $0x9;
	s6 =	sshrl.u32 s1, $0x1  }
0x5: {  	s25 =	sadd.s32 $0x1400, s3;
	s11 =	sadd.s32 $0x28800, s3;
	s7 =	sshll.u32 s4, $0x8  }
0x6: {  	s5 =	sand.u32 $0x200, s5;
	s8 =	smul.u32 $0x27400, s6;
	s4 =	ssub.s32 $0x2, s4  }
0x7: {  	_ =	strace $0x8000004A;
	s5 =	sor.u32 s7, s5;
	s9 =	sshrl.u32 s4, $0x1  }
0x8: {  	s28 =	sshll.u32 s6, $0xA;
	s10 =	sor.u32 s8, s5;
	s9 =	ssub.s32 s4, s9  }
0x9: {  	s29 =	sor.u32 $0x80, s5;
	s5 =	sor.u32 s28, s5;
	s26 =	sshrl.u32 s10, $0x3  }
.Ltmp0:
0xa: {  	s8 =	sor.u32 s8, s29;
	s4 =	sor.u32 s28, s29;
	(pc) =	sbr.rel .LBB2_1-.Ltmp0, $4  }
0xb: {  	s5 =	sshrl.u32 s5, $0x3;
	s7 =	smax.u32 s9, $0x1;
	s9 =	simm.s32 $0x400  }
0xc: {  	s10 =	simm.s32 $0x1;
	s3 =	sadd.s32 s25, s26;
	s30 =	sshrl.u32 s8, $0x3  }
0xd: {  	s31 =	sshrl.u32 s4, $0x3;
	s4 =	sadd.s32 s11, s5;
	s8 =	simm.s32 $0x80  }
0xe: {  	v0 =	vimm.s32 $0x0;
	s5 =	sadd.s32 s25, s30;
	s6 =	sadd.s32 s11, s31;
	s11 =	simm.s32 $0x4E80  }
.LBB2_22:
0xf: {  	p0 =	sgt.s32 s14, $0x0;
	s13 =	simm.f32 $1.000000000e+00  }
0x10: {  	s13 =	simm.s32 @!p0 $0x0  }
0x11: {  	v1 =	vmul.f32 s13, v1  }
.LBB2_23:
0x12: {  	s12 =	sadd.s32 $0x1, s12  }
0x13: {  	p0 =	sne.s32 s12, s7  }
.Ltmp1:
0x14: {  	[tilespmem:$0x4E80] =	vst v1;
	(pc) =	sbr.rel @!p0 .LBB2_24-.Ltmp1, $4  }
0x15: {  	[hbm4b:s6+s2] =	stream.linear.scatter [tilespmem:s11], [sflag:$0x1], $0x80, $0x38;
	[tilespmem:$0x4F00] =	vst v63  }
0x16: {  	_ =	swait.ge [sflag:s10], $0x80  }
0x17: {  	[sflag:s10] =	ssyncset.done $0x0  }
0x18: {  	[sflag:s10] =	ssyncadd.s32 $0xFFFFFF80  }
.LBB2_1:
0x19: {  	[tilespmem:s2], [sflag:$0x1] =	stream.strided.gather [hbm4b:s3+s8], $0x4E80, s9, s8, $0x38;
	[tilespmem:$0x4F00] =	vst v63  }
0x1a: {  	_ =	swait.ge [sflag:s10], $0x4E80  }
0x1b: {  	[sflag:s10] =	ssyncset.done $0x0  }
0x1c: {  	s13 =	simm.s32 $0x50;
	[sflag:s10] =	ssyncadd.s32 $0xFFFFB180  }
0x1d: {  	v1 =	vld [tilespmem:s13+$0xFFFFFFB0];
	_ =	sdelay $0x1  }
0x1e: {  	v2 =	vld [tilespmem:s13+$0xFFFFFFC0];
	_ =	sdelay $0x1  }
0x1f: {  	v3 =	vimm.f32 $0.0e+00;
	v4 =	vld [tilespmem:s13+$0xFFFFFFD0]  }
0x20: {  	v3 =	vadd.f32 v1, v3  }
0x21: {  	v5 =	vld [tilespmem:s13+$0xFFFFFFE0]  }
0x22: {  	v3 =	vadd.f32 v2, v3  }
0x23: {  	v6 =	vld [tilespmem:s13+$0xFFFFFFF0]  }
0x24: {  	v3 =	vadd.f32 v4, v3  }
0x25: {  	v7 =	vld [tilespmem:s13+$0x0]  }
0x26: {  	v3 =	vadd.f32 v5, v3  }
0x27: {  	v8 =	vld [tilespmem:s13+$0x10];
	v1 =	vshrl.u32 v1, $0x1F  }
0x28: {  	v1 =	vadd.s32 v0, v1;
	v2 =	vshrl.u32 v2, $0x1F;
	v3 =	vadd.f32 v6, v3  }
0x29: {  	v9 =	vld [tilespmem:s13+$0x20];
	v1 =	vadd.s32 v2, v1;
	v2 =	vshrl.u32 v4, $0x1F  }
0x2a: {  	s14 =	sand.u32 $0x7FE0, s2;
	v1 =	vadd.s32 v2, v1;
	v2 =	vshrl.u32 v5, $0x1F;
	v4 =	vadd.f32 v7, v3  }
0x2b: {  	v1 =	vadd.s32 v2, v1;
	v2 =	vshrl.u32 v6, $0x1F;
	v3 =	vld [tilespmem:s14+$0x80]  }
0x2c: {  	v1 =	vadd.s32 v2, v1;
	v2 =	vld [tilespmem:s13+$0x40];
	v4 =	vadd.f32 v8, v4  }
0x2d: {  	v5 =	vshrl.u32 v7, $0x1F  }
0x2e: {  	s13 =	simm.s32 $0xF0;
	v5 =	vadd.s32 v5, v1;
	v6 =	vshrl.u32 v8, $0x1F;
	v4 =	vadd.f32 v9, v4  }
0x2f: {  	s15 =	simm.s32 $0x140;
	v1 =	vld [tilespmem:s13+$0xFFFFFFB0];
	v5 =	vadd.s32 v6, v5;
	v6 =	vshrl.u32 v9, $0x1F;
	s14 =	simm.s32 $0xA0  }
.LBB2_2:
0x30: {  	p0 =	sne.s32 s15, $0x4D80;
	v5 =	vadd.s32 v6, v5;
	v4 =	vadd.f32 v3, v4;
	v3 =	vshrl.u32 v3, $0x1F  }
0x31: {  	v6 =	vld [tilespmem:s13+$0xFFFFFFC0];
	v3 =	vadd.s32 v3, v5;
	v5 =	vshrl.u32 v2, $0x1F  }
0x32: {  	v2 =	vadd.f32 v2, v4;
	v3 =	vadd.s32 v5, v3  }
0x33: {  	v4 =	vld [tilespmem:s13+$0xFFFFFFD0]  }
0x34: {  	v2 =	vadd.f32 v1, v2  }
0x35: {  	v5 =	vld [tilespmem:s13+$0xFFFFFFE0]  }
0x36: {  	v2 =	vadd.f32 v6, v2  }
0x37: {  	v7 =	vld [tilespmem:s13+$0xFFFFFFF0]  }
0x38: {  	v2 =	vadd.f32 v4, v2  }
0x39: {  	v8 =	vld [tilespmem:s13+$0x0]  }
0x3a: {  	v2 =	vadd.f32 v5, v2  }
0x3b: {  	v9 =	vld [tilespmem:s13+$0x10]  }
0x3c: {  	v1 =	vshrl.u32 v1, $0x1F;
	v2 =	vadd.f32 v7, v2  }
0x3d: {  	v1 =	vadd.s32 v3, v1;
	v3 =	vshrl.u32 v6, $0x1F;
	v6 =	vld [tilespmem:s13+$0x20]  }
0x3e: {  	s16 =	sand.u32 $0x7FE0, s14;
	s14 =	smov.u32 s15;
	v1 =	vadd.s32 v3, v1;
	v3 =	vshrl.u32 v4, $0x1F;
	v2 =	vadd.f32 v8, v2  }
.Ltmp2:
0x3f: {  	v1 =	vadd.s32 v3, v1;
	v4 =	vshrl.u32 v5, $0x1F;
	v3 =	vld [tilespmem:s16+$0x80];
	(pc) =	sbr.rel @p0 .LBB2_2-.Ltmp2, $4  }
0x40: {  	v1 =	vadd.s32 v4, v1;
	v4 =	vshrl.u32 v7, $0x1F;
	v5 =	vadd.f32 v9, v2;
	v2 =	vld [tilespmem:s13+$0x40]  }
0x41: {  	v1 =	vadd.s32 v4, v1;
	v4 =	vshrl.u32 v8, $0x1F  }
0x42: {  	v7 =	vadd.s32 v4, v1;
	v8 =	vshrl.u32 v9, $0x1F;
	s13 =	sadd.s32 $0xA0, s13;
	v4 =	vadd.f32 v6, v5  }
0x43: {  	s15 =	sadd.s32 $0xA0, s15;
	v5 =	vadd.s32 v8, v7;
	v6 =	vshrl.u32 v6, $0x1F;
	v1 =	vld [tilespmem:s13+$0xFFFFFFB0]  }
0x44: {  	v7 =	vld [tilespmem:s13+$0xFFFFFFC0]  }
0x45: {  	v8 =	vld [tilespmem:s13+$0xFFFFFFD0]  }
0x46: {  	v5 =	vadd.s32 v6, v5;
	v52 =	vshrl.u32 v3, $0x1F;
	v9 =	vld [tilespmem:s13+$0xFFFFFFE0]  }
0x47: {  	v10 =	vld [tilespmem:s13+$0xFFFFFFF0];
	v5 =	vadd.s32 v52, v5;
	v53 =	vshrl.u32 v2, $0x1F  }
0x48: {  	v54 =	vld [tilespmem:s13+$0x0];
	v5 =	vadd.s32 v53, v5;
	v11 =	vshrl.u32 v1, $0x1F  }
0x49: {  	v12 =	vld [tilespmem:s13+$0x10];
	v5 =	vadd.s32 v5, v11;
	v55 =	vshrl.u32 v7, $0x1F  }
0x4a: {  	v13 =	vld [tilespmem:s13+$0x20];
	s14 =	sand.u32 $0x7FE0, s14;
	v56 =	vshrl.u32 v8, $0x1F;
	v5 =	vadd.s32 v55, v5  }
0x4b: {  	v14 =	vld [tilespmem:s14+$0x80];
	v57 =	vshrl.u32 v9, $0x1F;
	v5 =	vadd.s32 v56, v5  }
0x4c: {  	v15 =	vld [tilespmem:s13+$0x40];
	v58 =	vshrl.u32 v10, $0x1F;
	v5 =	vadd.s32 v57, v5  }
0x4d: {  	v59 =	vshrl.u32 v54, $0x1F;
	v5 =	vadd.s32 v58, v5  }
0x4e: {  	v60 =	vshrl.u32 v12, $0x1F;
	v5 =	vadd.s32 v59, v5  }
0x4f: {  	v61 =	vshrl.u32 v13, $0x1F;
	v5 =	vadd.s32 v60, v5  }
0x50: {  	v62 =	vshrl.u32 v14, $0x1F;
	v5 =	vadd.s32 v61, v5  }
0x51: {  	v63 =	vshrl.u32 v15, $0x1F;
	v5 =	vadd.s32 v62, v5  }
0x52: {  	v5 =	vadd.s32 v63, v5  }
0x53: {  	(v2sf) =	vpush v5, $0x0  }
0x54: {  	(v2sf) =	vpush v5, $0x1  }
0x55: {  	(v2sf) =	vpush v5, $0x2  }
0x56: {  	(v2sf) =	vpush v5, $0x3  }
0x57: {  	(v2sf) =	vpush v5, $0x4  }
0x58: {  	(v2sf) =	vpush v5, $0x5  }
0x59: {  	(v2sf) =	vpush v5, $0x6  }
0x5a: {  	(v2sf) =	vpush v5, $0x7  }
0x5b: {  	(v2sf) =	vpush v5, $0x8  }
0x5c: {  	(v2sf) =	vpush v5, $0x9  }
0x5d: {  	(v2sf) =	vpush v5, $0xA  }
0x5e: {  	(v2sf) =	vpush v5, $0xB  }
0x5f: {  	(v2sf) =	vpush v5, $0xC  }
0x60: {  	(v2sf) =	vpush v5, $0xD  }
0x61: {  	(v2sf) =	vpush v5, $0xE  }
0x62: {  	(v2sf) =	vpush v5, $0xF;
	s15 =	spop (v2sf)  }
0x63: {  	s16 =	spop (v2sf)  }
0x64: {  	s13 =	sadd.s32 s16, s15;
	s17 =	spop (v2sf)  }
0x65: {  	v3 =	vadd.f32 v3, v4;
	s13 =	sadd.s32 s17, s13;
	s18 =	spop (v2sf)  }
0x66: {  	s13 =	sadd.s32 s18, s13;
	s19 =	spop (v2sf)  }
0x67: {  	v2 =	vadd.f32 v2, v3;
	s13 =	sadd.s32 s19, s13;
	s20 =	spop (v2sf)  }
0x68: {  	s13 =	sadd.s32 s20, s13;
	s21 =	spop (v2sf)  }
0x69: {  	v1 =	vadd.f32 v1, v2;
	s13 =	sadd.s32 s21, s13;
	s22 =	spop (v2sf)  }
0x6a: {  	s13 =	sadd.s32 s22, s13;
	s23 =	spop (v2sf)  }
0x6b: {  	v1 =	vadd.f32 v7, v1;
	s13 =	sadd.s32 s23, s13;
	s24 =	spop (v2sf)  }
0x6c: {  	s13 =	sadd.s32 s24, s13;
	s25 =	spop (v2sf)  }
0x6d: {  	v1 =	vadd.f32 v8, v1;
	s13 =	sadd.s32 s25, s13;
	s26 =	spop (v2sf)  }
0x6e: {  	s13 =	sadd.s32 s26, s13;
	s28 =	spop (v2sf)  }
0x6f: {  	v1 =	vadd.f32 v9, v1;
	s13 =	sadd.s32 s28, s13;
	s29 =	spop (v2sf)  }
0x70: {  	s13 =	sadd.s32 s29, s13;
	s30 =	spop (v2sf)  }
0x71: {  	v1 =	vadd.f32 v10, v1;
	s13 =	sadd.s32 s30, s13;
	s31 =	spop (v2sf)  }
0x72: {  	s13 =	sadd.s32 s31, s13  }
0x73: {  	v1 =	vadd.f32 v54, v1;
	s14 =	smul.u32 $0x3, s13;
	_ =	sdelay $0x1  }
0x74: {  	v1 =	vadd.f32 v12, v1;
	s13 =	sadd.s32 $0xFFFFFFFF, s14  }
0x75: {  	p0 =	sgt.u32 s13, $0x4E1E  }
.Ltmp3:
0x76: {  	v1 =	vadd.f32 v13, v1;
	(pc) =	sbr.rel @p0 .LBB2_11-.Ltmp3, $3  }
0x77: {  	_ = 	snop  }
0x78: {  	v1 =	vadd.f32 v14, v1;
	_ =	sdelay $0x1  }
0x79: {  	v1 =	vadd.f32 v15, v1  }
0x7a: {  	s13 =	scvt.s32.f32 s14;
	s15 =	simm.s32 $0x0;
	v2 =	vimm.s32 $0x0;
	v3 =	vimm.s32 $0x7F800001;
	v1 =	vimm.s32 $0x0;
	s16 =	simm.s32 $0x0  }
.LBB2_5:
0x7b: {  	s17 =	simm.s32 $0x50  }
0x7c: {  	v6 =	vld [tilespmem:s17+$0xFFFFFFB0]  }
0x7d: {  	v7 =	vld [tilespmem:s17+$0xFFFFFFC0]  }
0x7e: {  	v4 =	vsub.s32 v3, v1;
	v8 =	vld [tilespmem:s17+$0xFFFFFFD0]  }
0x7f: {  	v5 =	vshra.s32 v4, $0x1;
	v9 =	vld [tilespmem:s17+$0xFFFFFFE0]  }
0x80: {  	v10 =	vld [tilespmem:s17+$0xFFFFFFF0];
	v4 =	vadd.s32 v1, v5  }
0x81: {  	v13 =	vld [tilespmem:s17+$0x0];
	vm0 =	vge.f32 v6, v4  }
0x82: {  	v6 =	vld [tilespmem:s17+$0x10];
	v11 =	vsel vm0, $0x1, v0;
	vm0 =	vge.f32 v7, v4  }
0x83: {  	s18 =	sand.u32 $0x7FE0, s15;
	v7 =	vld [tilespmem:s17+$0x20];
	v11 =	vadd.s32 v11, v2;
	v12 =	vsel vm0, $0x1, v0;
	vm0 =	vge.f32 v8, v4  }
0x84: {  	v8 =	vld [tilespmem:s18+$0x80];
	v11 =	vadd.s32 v12, v11;
	v12 =	vsel vm0, $0x1, v0;
	vm0 =	vge.f32 v9, v4  }
0x85: {  	v9 =	vld [tilespmem:s17+$0x40];
	s17 =	simm.s32 $0xF0;
	v11 =	vadd.s32 v12, v11;
	v12 =	vsel vm0, $0x1, v0;
	vm0 =	vge.f32 v10, v4  }
0x86: {  	s19 =	simm.s32 $0x140;
	s18 =	simm.s32 $0xA0;
	v10 =	vld [tilespmem:s17+$0xFFFFFFB0];
	v11 =	vadd.s32 v12, v11;
	v12 =	vsel vm0, $0x1, v0;
	vm0 =	vge.f32 v13, v4  }
.LBB2_6:
0x87: {  	p0 =	sne.s32 s19, $0x4D80;
	v13 =	vld [tilespmem:s17+$0xFFFFFFC0];
	v11 =	vadd.s32 v12, v11;
	v12 =	vsel vm0, $0x1, v0;
	vm0 =	vge.f32 v6, v4  }
0x88: {  	v14 =	vld [tilespmem:s17+$0xFFFFFFD0];
	v6 =	vadd.s32 v12, v11;
	v11 =	vsel vm0, $0x1, v0;
	vm0 =	vge.f32 v7, v4  }
0x89: {  	v12 =	vld [tilespmem:s17+$0xFFFFFFE0];
	v6 =	vadd.s32 v11, v6;
	v7 =	vsel vm0, $0x1, v0;
	vm0 =	vge.f32 v8, v4  }
0x8a: {  	v11 =	vld [tilespmem:s17+$0xFFFFFFF0];
	v6 =	vadd.s32 v7, v6;
	v7 =	vsel vm0, $0x1, v0;
	vm0 =	vge.f32 v9, v4  }
0x8b: {  	vm1 =	vge.f32 v10, v4;
	v15 =	vld [tilespmem:s17+$0x0];
	v7 =	vadd.s32 v7, v6;
	v8 =	vsel vm0, $0x1, v0  }
.Ltmp4:
0x8c: {  	v9 =	vsel vm1, $0x1, v0;
	vm0 =	vge.f32 v13, v4;
	v6 =	vld [tilespmem:s17+$0x10];
	v7 =	vadd.s32 v8, v7;
	(pc) =	sbr.rel @p0 .LBB2_6-.Ltmp4, $4  }
0x8d: {  	s20 =	sand.u32 $0x7FE0, s18;
	s18 =	smov.u32 s19;
	v8 =	vadd.s32 v9, v7;
	v9 =	vsel vm0, $0x1, v0;
	vm0 =	vge.f32 v14, v4;
	v7 =	vld [tilespmem:s17+$0x20]  }
0x8e: {  	v9 =	vadd.s32 v9, v8;
	v10 =	vsel vm0, $0x1, v0;
	vm0 =	vge.f32 v12, v4;
	v8 =	vld [tilespmem:s20+$0x80]  }
0x8f: {  	v12 =	vadd.s32 v10, v9;
	v13 =	vsel vm0, $0x1, v0;
	vm0 =	vge.f32 v11, v4;
	v9 =	vld [tilespmem:s17+$0x40];
	s17 =	sadd.s32 $0xA0, s17  }
0x90: {  	s19 =	sadd.s32 $0xA0, s19;
	v10 =	vld [tilespmem:s17+$0xFFFFFFB0];
	v11 =	vadd.s32 v13, v12;
	v12 =	vsel vm0, $0x1, v0;
	vm0 =	vge.f32 v15, v4  }
0x91: {  	v13 =	vld [tilespmem:s17+$0xFFFFFFC0];
	v11 =	vadd.s32 v12, v11;
	v39 =	vsel vm0, $0x1, v0;
	vm15 =	vge.f32 v6, v4  }
0x92: {  	v40 =	vld [tilespmem:s17+$0xFFFFFFD0];
	v11 =	vadd.s32 v39, v11;
	v41 =	vsel vm15, $0x1, v0;
	vm4 =	vge.f32 v7, v4  }
0x93: {  	v42 =	vld [tilespmem:s17+$0xFFFFFFE0];
	v11 =	vadd.s32 v41, v11;
	v43 =	vsel vm4, $0x1, v0;
	vm5 =	vge.f32 v8, v4  }
0x94: {  	v44 =	vld [tilespmem:s17+$0xFFFFFFF0];
	v11 =	vadd.s32 v43, v11;
	v45 =	vsel vm5, $0x1, v0;
	vm6 =	vge.f32 v9, v4  }
0x95: {  	v46 =	vld [tilespmem:s17+$0x0];
	vm1 =	vge.f32 v10, v4;
	v47 =	vadd.s32 v45, v11;
	v48 =	vsel vm6, $0x1, v0  }
0x96: {  	v50 =	vld [tilespmem:s17+$0x10];
	v49 =	vsel vm1, $0x1, v0;
	vm7 =	vge.f32 v13, v4;
	v10 =	vadd.s32 v48, v47  }
0x97: {  	v52 =	vld [tilespmem:s17+$0x20];
	s18 =	sand.u32 $0x7FE0, s18;
	vm8 =	vge.f32 v40, v4;
	v10 =	vadd.s32 v49, v10;
	v51 =	vsel vm7, $0x1, v0  }
0x98: {  	v54 =	vld [tilespmem:s18+$0x80];
	vm9 =	vge.f32 v42, v4;
	v53 =	vsel vm8, $0x1, v0;
	v10 =	vadd.s32 v51, v10  }
0x99: {  	v56 =	vld [tilespmem:s17+$0x40];
	vm10 =	vge.f32 v44, v4;
	v55 =	vsel vm9, $0x1, v0;
	v10 =	vadd.s32 v53, v10  }
0x9a: {  	vm11 =	vge.f32 v46, v4;
	v57 =	vsel vm10, $0x1, v0;
	v10 =	vadd.s32 v55, v10  }
0x9b: {  	vm12 =	vge.f32 v50, v4;
	v59 =	vsel vm11, $0x1, v0;
	v58 =	vadd.s32 v57, v10  }
0x9c: {  	vm13 =	vge.f32 v52, v4;
	v60 =	vsel vm12, $0x1, v0;
	v9 =	vadd.s32 v59, v58  }
0x9d: {  	v62 =	vsel vm13, $0x1, v0;
	vm14 =	vge.f32 v54, v4;
	v61 =	vadd.s32 v60, v9  }
0x9e: {  	vm15 =	vge.f32 v56, v4;
	v7 =	vsel vm14, $0x1, v0;
	v6 =	vadd.s32 v62, v61  }
0x9f: {  	v63 =	vsel vm15, $0x1, v0;
	v6 =	vadd.s32 v7, v6  }
0xa0: {  	v6 =	vadd.s32 v63, v6  }
0xa1: {  	(v2sf) =	vpush v6, $0x0  }
0xa2: {  	(v2sf) =	vpush v6, $0x1  }
0xa3: {  	(v2sf) =	vpush v6, $0x2  }
0xa4: {  	(v2sf) =	vpush v6, $0x3  }
0xa5: {  	(v2sf) =	vpush v6, $0x4  }
0xa6: {  	(v2sf) =	vpush v6, $0x5  }
0xa7: {  	(v2sf) =	vpush v6, $0x6  }
0xa8: {  	(v2sf) =	vpush v6, $0x7  }
0xa9: {  	(v2sf) =	vpush v6, $0x8  }
0xaa: {  	(v2sf) =	vpush v6, $0x9  }
0xab: {  	(v2sf) =	vpush v6, $0xA  }
0xac: {  	(v2sf) =	vpush v6, $0xB  }
0xad: {  	(v2sf) =	vpush v6, $0xC  }
0xae: {  	(v2sf) =	vpush v6, $0xD  }
0xaf: {  	(v2sf) =	vpush v6, $0xE  }
0xb0: {  	s28 =	spop (v2sf);
	(v2sf) =	vpush v6, $0xF  }
0xb1: {  	s29 =	spop (v2sf)  }
0xb2: {  	s17 =	sadd.s32 s29, s28;
	s30 =	spop (v2sf)  }
0xb3: {  	s17 =	sadd.s32 s30, s17;
	s31 =	spop (v2sf)  }
0xb4: {  	s17 =	sadd.s32 s31, s17;
	s19 =	spop (v2sf)  }
0xb5: {  	s17 =	sadd.s32 s19, s17;
	s20 =	spop (v2sf)  }
0xb6: {  	s17 =	sadd.s32 s20, s17;
	s21 =	spop (v2sf)  }
0xb7: {  	s17 =	sadd.s32 s21, s17;
	s22 =	spop (v2sf)  }
0xb8: {  	s17 =	sadd.s32 s22, s17;
	s23 =	spop (v2sf)  }
0xb9: {  	s17 =	sadd.s32 s23, s17;
	s24 =	spop (v2sf)  }
0xba: {  	s17 =	sadd.s32 s24, s17;
	s25 =	spop (v2sf)  }
0xbb: {  	s17 =	sadd.s32 s25, s17;
	s26 =	spop (v2sf)  }
0xbc: {  	s17 =	sadd.s32 s26, s17;
	s28 =	spop (v2sf)  }
0xbd: {  	s17 =	sadd.s32 s28, s17;
	s29 =	spop (v2sf)  }
0xbe: {  	s17 =	sadd.s32 s29, s17;
	s30 =	spop (v2sf)  }
0xbf: {  	s17 =	sadd.s32 s30, s17;
	s31 =	spop (v2sf)  }
0xc0: {  	s17 =	sadd.s32 s31, s17  }
0xc1: {  	s16 =	sadd.s32 $0x1, s16;
	p0 =	sge.s32 s17, s14;
	s17 =	simm.s32 $0x1  }
0xc2: {  	s17 =	simm.s32 @!p0 $0x0;
	p0 =	sne.s32 s16, $0x1F  }
.Ltmp5:
0xc3: {  	_ = 	snop;
	(pc) =	sbr.rel @p0 .LBB2_5-.Ltmp5, $3  }
0xc4: {  	v3 =	vsub.s32 v3, v4  }
0xc5: {  	v5 =	vmul.u32 s17, v5;
	v3 =	vmul.u32 s17, v3;
	_ =	sdelay $0x1  }
0xc6: {  	v1 =	vadd.s32 v1, v5;
	v3 =	vadd.s32 v4, v3  }
0xc7: {  	s14 =	simm.s32 $0x50  }
0xc8: {  	v4 =	vld [tilespmem:s14+$0xFFFFFFB0];
	_ =	sdelay $0x1  }
0xc9: {  	v5 =	vld [tilespmem:s14+$0xFFFFFFC0]  }
0xca: {  	v2 =	vld [tilespmem:s14+$0x40]  }
0xcb: {  	v6 =	vld [tilespmem:s14+$0xFFFFFFD0]  }
0xcc: {  	s15 =	simm.s32 $0x0;
	v8 =	vld [tilespmem:s14+$0xFFFFFFE0];
	vm4 =	vgt.f32 v4, v1  }
0xcd: {  	v7 =	vimm.f32 $0.0e+00;
	s15 =	sand.u32 $0x7FE0, s15;
	v9 =	vld [tilespmem:s14+$0x20];
	v4 =	vnsel vm4, $0x0, v4  }
0xce: {  	v3 =	vld [tilespmem:s15+$0x80];
	vm5 =	vgt.f32 v5, v1;
	v4 =	vadd.f32 v4, v7  }
0xcf: {  	v5 =	vnsel vm5, $0x0, v5;
	v7 =	vld [tilespmem:s14+$0xFFFFFFF0]  }
0xd0: {  	v10 =	vld [tilespmem:s14+$0x0];
	vm6 =	vgt.f32 v6, v1;
	v4 =	vadd.f32 v5, v4  }
0xd1: {  	v6 =	vnsel vm6, $0x0, v6;
	v5 =	vld [tilespmem:s14+$0x10]  }
0xd2: {  	vm7 =	vgt.f32 v8, v1;
	v4 =	vadd.f32 v6, v4  }
0xd3: {  	vm0 =	vgt.f32 v2, v1;
	vm2 =	vgt.f32 v9, v1;
	v8 =	vnsel vm7, $0x0, v8  }
0xd4: {  	vm1 =	vgt.f32 v3, v1;
	vm8 =	vgt.f32 v7, v1;
	v4 =	vadd.f32 v8, v4  }
0xd5: {  	v6 =	vimm.s32 $0x0;
	v7 =	vnsel vm8, $0x0, v7;
	v8 =	vsel vm4, $0x1, v0  }
0xd6: {  	vm4 =	vgt.f32 v10, v1;
	vm3 =	vgt.f32 v5, v1;
	v4 =	vadd.f32 v7, v4  }
0xd7: {  	v6 =	vadd.s32 v8, v6;
	v8 =	vnsel vm4, $0x0, v10;
	v7 =	vsel vm5, $0x1, v0  }
0xd8: {  	v6 =	vadd.s32 v7, v6;
	v7 =	vsel vm6, $0x1, v0;
	v4 =	vadd.f32 v8, v4  }
0xd9: {  	v5 =	vnsel vm3, $0x0, v5;
	v6 =	vadd.s32 v7, v6;
	v7 =	vsel vm7, $0x1, v0  }
0xda: {  	s14 =	simm.s32 $0xF0;
	v6 =	vadd.s32 v7, v6;
	v7 =	vsel vm8, $0x1, v0;
	v5 =	vadd.f32 v5, v4  }
0xdb: {  	s16 =	simm.s32 $0x140;
	s15 =	simm.s32 $0xA0;
	v8 =	vsel vm4, $0x1, v0;
	v4 =	vld [tilespmem:s14+$0xFFFFFFB0];
	v7 =	vadd.s32 v7, v6;
	v6 =	vnsel vm2, $0x0, v9  }
.LBB2_9:
0xdc: {  	p0 =	sne.s32 s16, $0x4D80;
	v7 =	vadd.s32 v8, v7;
	v8 =	vsel vm3, $0x1, v0;
	v5 =	vadd.f32 v6, v5  }
0xdd: {  	v3 =	vnsel vm1, $0x0, v3;
	v6 =	vld [tilespmem:s14+$0xFFFFFFC0];
	v7 =	vadd.s32 v8, v7;
	v8 =	vsel vm2, $0x1, v0  }
0xde: {  	v9 =	vld [tilespmem:s14+$0x40];
	v7 =	vadd.s32 v8, v7;
	v5 =	vadd.f32 v3, v5;
	v3 =	vsel vm1, $0x1, v0  }
0xdf: {  	s17 =	sand.u32 $0x7FE0, s15;
	v2 =	vnsel vm0, $0x0, v2;
	v10 =	vsel vm0, $0x1, v0;
	s15 =	smov.u32 s16;
	v8 =	vld [tilespmem:s14+$0xFFFFFFD0];
	v7 =	vadd.s32 v3, v7  }
0xe0: {  	vm4 =	vgt.f32 v4, v1;
	v3 =	vld [tilespmem:s17+$0x80];
	v12 =	vadd.f32 v2, v5;
	v5 =	vadd.s32 v10, v7  }
0xe1: {  	v4 =	vnsel vm4, $0x0, v4;
	v7 =	vld [tilespmem:s14+$0xFFFFFFE0]  }
0xe2: {  	v4 =	vadd.f32 v4, v12;
	vm5 =	vgt.f32 v6, v1;
	v10 =	vld [tilespmem:s14+$0x20]  }
0xe3: {  	v6 =	vnsel vm5, $0x0, v6;
	v11 =	vld [tilespmem:s14+$0xFFFFFFF0];
	v2 =	vmov v9  }
0xe4: {  	v4 =	vadd.f32 v6, v4;
	vm6 =	vgt.f32 v8, v1;
	v6 =	vld [tilespmem:s14+$0x10]  }
0xe5: {  	v8 =	vnsel vm6, $0x0, v8;
	v9 =	vld [tilespmem:s14+$0x0]  }
0xe6: {  	v4 =	vadd.f32 v8, v4;
	vm7 =	vgt.f32 v7, v1  }
0xe7: {  	vm0 =	vgt.f32 v2, v1;
	v7 =	vnsel vm7, $0x0, v7  }
0xe8: {  	vm1 =	vgt.f32 v3, v1;
	v4 =	vadd.f32 v7, v4;
	vm8 =	vgt.f32 v11, v1  }
0xe9: {  	vm2 =	vgt.f32 v10, v1;
	v7 =	vnsel vm8, $0x0, v11;
	vm3 =	vgt.f32 v6, v1  }
0xea: {  	v8 =	vsel vm4, $0x1, v0;
	v4 =	vadd.f32 v7, v4;
	vm4 =	vgt.f32 v9, v1  }
.Ltmp6:
0xeb: {  	v5 =	vadd.s32 v8, v5;
	v7 =	vsel vm5, $0x1, v0;
	v8 =	vnsel vm4, $0x0, v9;
	(pc) =	sbr.rel @p0 .LBB2_9-.Ltmp6, $4  }
0xec: {  	v5 =	vadd.s32 v7, v5;
	v7 =	vsel vm6, $0x1, v0;
	v4 =	vadd.f32 v8, v4  }
0xed: {  	v6 =	vnsel vm3, $0x0, v6;
	v5 =	vadd.s32 v7, v5;
	v7 =	vsel vm7, $0x1, v0  }
0xee: {  	s14 =	sadd.s32 $0xA0, s14;
	v8 =	vsel vm8, $0x1, v0;
	v7 =	vadd.s32 v7, v5;
	v5 =	vadd.f32 v6, v4  }
0xef: {  	s16 =	sadd.s32 $0xA0, s16;
	v7 =	vadd.s32 v8, v7;
	v8 =	vsel vm4, $0x1, v0;
	v6 =	vnsel vm2, $0x0, v10;
	v4 =	vld [tilespmem:s14+$0xFFFFFFB0]  }
0xf0: {  	v9 =	vld [tilespmem:s14+$0xFFFFFFC0]  }
0xf1: {  	v7 =	vadd.s32 v8, v7;
	v50 =	vsel vm3, $0x1, v0;
	v10 =	vld [tilespmem:s14+$0xFFFFFFD0]  }
0xf2: {  	v51 =	vsel vm2, $0x1, v0;
	v11 =	vld [tilespmem:s14+$0xFFFFFFE0];
	v7 =	vadd.s32 v50, v7  }
0xf3: {  	v52 =	vsel vm1, $0x1, v0;
	v12 =	vld [tilespmem:s14+$0xFFFFFFF0];
	v7 =	vadd.s32 v51, v7  }
0xf4: {  	v53 =	vsel vm0, $0x1, v0;
	v13 =	vld [tilespmem:s14+$0x0];
	v7 =	vadd.s32 v52, v7;
	vm11 =	vgt.f32 v4, v1  }
0xf5: {  	v54 =	vld [tilespmem:s14+$0x10];
	v7 =	vadd.s32 v53, v7;
	vm10 =	vgt.f32 v9, v1;
	v14 =	vsel vm11, $0x1, v0  }
0xf6: {  	s15 =	sand.u32 $0x7FE0, s15;
	v15 =	vld [tilespmem:s14+$0x20];
	vm9 =	vgt.f32 v10, v1;
	v7 =	vadd.s32 v14, v7;
	v55 =	vsel vm10, $0x1, v0  }
0xf7: {  	v16 =	vld [tilespmem:s15+$0x80];
	vm8 =	vgt.f32 v11, v1;
	v56 =	vsel vm9, $0x1, v0;
	v7 =	vadd.s32 v55, v7  }
0xf8: {  	v17 =	vld [tilespmem:s14+$0x40];
	vm7 =	vgt.f32 v12, v1;
	v57 =	vsel vm8, $0x1, v0;
	v7 =	vadd.s32 v56, v7  }
0xf9: {  	vm6 =	vgt.f32 v13, v1;
	v58 =	vsel vm7, $0x1, v0;
	v7 =	vadd.s32 v57, v7  }
0xfa: {  	vm5 =	vgt.f32 v54, v1;
	v59 =	vsel vm6, $0x1, v0;
	v7 =	vadd.s32 v58, v7  }
0xfb: {  	vm4 =	vgt.f32 v15, v1;
	v60 =	vsel vm5, $0x1, v0;
	v7 =	vadd.s32 v59, v7  }
0xfc: {  	vm14 =	vgt.f32 v16, v1;
	v61 =	vsel vm4, $0x1, v0;
	v7 =	vadd.s32 v60, v7  }
0xfd: {  	vm15 =	vgt.f32 v17, v1;
	v62 =	vsel vm14, $0x1, v0;
	v7 =	vadd.s32 v61, v7  }
0xfe: {  	v63 =	vsel vm15, $0x1, v0;
	v7 =	vadd.s32 v62, v7  }
0xff: {  	v7 =	vadd.s32 v63, v7  }
0x100: {  	(v2sf) =	vpush v7, $0x0  }
0x101: {  	(v2sf) =	vpush v7, $0x1  }
0x102: {  	(v2sf) =	vpush v7, $0x2  }
0x103: {  	(v2sf) =	vpush v7, $0x3  }
0x104: {  	(v2sf) =	vpush v7, $0x4  }
0x105: {  	(v2sf) =	vpush v7, $0x5  }
0x106: {  	(v2sf) =	vpush v7, $0x6  }
0x107: {  	(v2sf) =	vpush v7, $0x7  }
0x108: {  	(v2sf) =	vpush v7, $0x8  }
0x109: {  	(v2sf) =	vpush v7, $0x9  }
0x10a: {  	(v2sf) =	vpush v7, $0xA  }
0x10b: {  	(v2sf) =	vpush v7, $0xB  }
0x10c: {  	(v2sf) =	vpush v7, $0xC  }
0x10d: {  	(v2sf) =	vpush v7, $0xD  }
0x10e: {  	(v2sf) =	vpush v7, $0xE  }
0x10f: {  	v5 =	vadd.f32 v6, v5;
	(v2sf) =	vpush v7, $0xF;
	s15 =	spop (v2sf)  }
0x110: {  	v3 =	vnsel vm1, $0x0, v3;
	s16 =	spop (v2sf)  }
0x111: {  	v3 =	vadd.f32 v3, v5;
	s14 =	sadd.s32 s16, s15;
	s17 =	spop (v2sf)  }
0x112: {  	v2 =	vnsel vm0, $0x0, v2;
	s14 =	sadd.s32 s17, s14;
	s18 =	spop (v2sf)  }
0x113: {  	v2 =	vadd.f32 v2, v3;
	s14 =	sadd.s32 s18, s14;
	s19 =	spop (v2sf)  }
0x114: {  	v3 =	vnsel vm11, $0x0, v4;
	s14 =	sadd.s32 s19, s14;
	s20 =	spop (v2sf)  }
0x115: {  	v2 =	vadd.f32 v3, v2;
	s14 =	sadd.s32 s20, s14;
	s21 =	spop (v2sf)  }
0x116: {  	v3 =	vnsel vm10, $0x0, v9;
	s14 =	sadd.s32 s21, s14;
	s22 =	spop (v2sf)  }
0x117: {  	v2 =	vadd.f32 v3, v2;
	s14 =	sadd.s32 s22, s14;
	s23 =	spop (v2sf)  }
0x118: {  	v3 =	vnsel vm9, $0x0, v10;
	s14 =	sadd.s32 s23, s14;
	s24 =	spop (v2sf)  }
0x119: {  	v2 =	vadd.f32 v3, v2;
	s14 =	sadd.s32 s24, s14;
	s25 =	spop (v2sf)  }
0x11a: {  	v3 =	vnsel vm8, $0x0, v11;
	s14 =	sadd.s32 s25, s14;
	s26 =	spop (v2sf)  }
0x11b: {  	v2 =	vadd.f32 v3, v2;
	s14 =	sadd.s32 s26, s14;
	s28 =	spop (v2sf)  }
0x11c: {  	v3 =	vnsel vm7, $0x0, v12;
	s14 =	sadd.s32 s28, s14;
	s29 =	spop (v2sf)  }
0x11d: {  	v2 =	vadd.f32 v3, v2;
	s14 =	sadd.s32 s29, s14;
	s30 =	spop (v2sf)  }
0x11e: {  	v3 =	vnsel vm6, $0x0, v13;
	s14 =	sadd.s32 s30, s14;
	s31 =	spop (v2sf)  }
0x11f: {  	v2 =	vadd.f32 v3, v2;
	s14 =	sadd.s32 s31, s14  }
0x120: {  	v3 =	vnsel vm5, $0x0, v54;
	s14 =	scvt.s32.f32 s14  }
0x121: {  	v2 =	vadd.f32 v3, v2  }
0x122: {  	v3 =	vnsel vm4, $0x0, v15;
	s13 =	ssub.f32 s13, s14  }
0x123: {  	v2 =	vadd.f32 v3, v2  }
0x124: {  	v3 =	vnsel vm14, $0x0, v16;
	s13 =	smul.f32 $6.250000000e-02, s13  }
.Ltmp7:
0x125: {  	v2 =	vadd.f32 v3, v2;
	(pc) =	sbr.rel .LBB2_12-.Ltmp7, $3  }
0x126: {  	v3 =	vnsel vm15, $0x0, v17  }
0x127: {  	v2 =	vadd.f32 v3, v2;
	v1 =	vmul.f32 s13, v1;
	_ =	sdelay $0x1  }
0x128: {  	v1 =	vadd.f32 v1, v2  }
.LBB2_11:
0x129: {  	p0 =	sgt.s32 s14, $0x0;
	s13 =	simm.f32 $1.000000000e+00  }
0x12a: {  	s13 =	simm.s32 @!p0 $0x0  }
0x12b: {  	v1 =	vmul.f32 s13, v1  }
.LBB2_12:
0x12c: {  	_ = 	snop  }
0x12d: {  	s13 =	simm.s32 $0x0;
	[tilespmem:$0x4E80] =	vst v1  }
0x12e: {  	[hbm4b:s4+s13] =	stream.linear.scatter [tilespmem:s11], [sflag:$0x1], $0x80, $0x38;
	[tilespmem:$0x4F00] =	vst v63  }
0x12f: {  	_ =	swait.ge [sflag:s10], $0x80  }
0x130: {  	[sflag:s10] =	ssyncset.done $0x0  }
0x131: {  	[sflag:s10] =	ssyncadd.s32 $0xFFFFFF80  }
0x132: {  	[tilespmem:s13], [sflag:$0x1] =	stream.strided.gather [hbm4b:s5+s8], $0x4E80, s9, s8, $0x38;
	[tilespmem:$0x4F00] =	vst v63  }
0x133: {  	_ =	swait.ge [sflag:s10], $0x4E80  }
0x134: {  	[sflag:s10] =	ssyncset.done $0x0  }
0x135: {  	s14 =	simm.s32 $0x50;
	[sflag:s10] =	ssyncadd.s32 $0xFFFFB180  }
0x136: {  	v1 =	vld [tilespmem:s14+$0xFFFFFFB0];
	_ =	sdelay $0x1  }
0x137: {  	v2 =	vld [tilespmem:s14+$0xFFFFFFC0];
	_ =	sdelay $0x1  }
0x138: {  	v3 =	vimm.f32 $0.0e+00;
	v4 =	vld [tilespmem:s14+$0xFFFFFFD0]  }
0x139: {  	v3 =	vadd.f32 v1, v3  }
0x13a: {  	v5 =	vld [tilespmem:s14+$0xFFFFFFE0]  }
0x13b: {  	v3 =	vadd.f32 v2, v3  }
0x13c: {  	v6 =	vld [tilespmem:s14+$0xFFFFFFF0]  }
0x13d: {  	v3 =	vadd.f32 v4, v3  }
0x13e: {  	v7 =	vld [tilespmem:s14+$0x0]  }
0x13f: {  	v3 =	vadd.f32 v5, v3  }
0x140: {  	v8 =	vimm.s32 $0x0;
	v9 =	vld [tilespmem:s14+$0x10];
	v1 =	vshrl.u32 v1, $0x1F  }
0x141: {  	v1 =	vadd.s32 v8, v1;
	v2 =	vshrl.u32 v2, $0x1F;
	v3 =	vadd.f32 v6, v3  }
0x142: {  	v8 =	vld [tilespmem:s14+$0x20];
	v1 =	vadd.s32 v2, v1;
	v2 =	vshrl.u32 v4, $0x1F  }
0x143: {  	s13 =	sand.u32 $0x7FE0, s13;
	v1 =	vadd.s32 v2, v1;
	v2 =	vshrl.u32 v5, $0x1F;
	v4 =	vadd.f32 v7, v3  }
0x144: {  	v1 =	vadd.s32 v2, v1;
	v2 =	vshrl.u32 v6, $0x1F;
	v3 =	vld [tilespmem:s13+$0x80]  }
0x145: {  	v1 =	vadd.s32 v2, v1;
	v2 =	vld [tilespmem:s14+$0x40];
	v4 =	vadd.f32 v9, v4  }
0x146: {  	v5 =	vshrl.u32 v7, $0x1F  }
0x147: {  	v5 =	vadd.s32 v5, v1;
	v6 =	vshrl.u32 v9, $0x1F;
	s13 =	simm.s32 $0xF0;
	v4 =	vadd.f32 v8, v4  }
0x148: {  	s15 =	simm.s32 $0x140;
	s14 =	simm.s32 $0xA0;
	v5 =	vadd.s32 v6, v5;
	v6 =	vshrl.u32 v8, $0x1F;
	v1 =	vld [tilespmem:s13+$0xFFFFFFB0]  }
.LBB2_13:
0x149: {  	p0 =	sne.s32 s15, $0x4D80;
	v5 =	vadd.s32 v6, v5;
	v4 =	vadd.f32 v3, v4;
	v3 =	vshrl.u32 v3, $0x1F  }
0x14a: {  	v6 =	vld [tilespmem:s13+$0xFFFFFFC0];
	v3 =	vadd.s32 v3, v5;
	v5 =	vshrl.u32 v2, $0x1F  }
0x14b: {  	v2 =	vadd.f32 v2, v4;
	v3 =	vadd.s32 v5, v3  }
0x14c: {  	v4 =	vld [tilespmem:s13+$0xFFFFFFD0]  }
0x14d: {  	v2 =	vadd.f32 v1, v2  }
0x14e: {  	v5 =	vld [tilespmem:s13+$0xFFFFFFE0]  }
0x14f: {  	v2 =	vadd.f32 v6, v2  }
0x150: {  	v7 =	vld [tilespmem:s13+$0xFFFFFFF0]  }
0x151: {  	v2 =	vadd.f32 v4, v2  }
0x152: {  	v8 =	vld [tilespmem:s13+$0x0]  }
0x153: {  	v2 =	vadd.f32 v5, v2  }
0x154: {  	v9 =	vld [tilespmem:s13+$0x10]  }
0x155: {  	v1 =	vshrl.u32 v1, $0x1F;
	v2 =	vadd.f32 v7, v2  }
0x156: {  	v1 =	vadd.s32 v3, v1;
	v3 =	vshrl.u32 v6, $0x1F;
	v6 =	vld [tilespmem:s13+$0x20]  }
0x157: {  	s16 =	sand.u32 $0x7FE0, s14;
	s14 =	smov.u32 s15;
	v1 =	vadd.s32 v3, v1;
	v3 =	vshrl.u32 v4, $0x1F;
	v2 =	vadd.f32 v8, v2  }
.Ltmp8:
0x158: {  	v1 =	vadd.s32 v3, v1;
	v4 =	vshrl.u32 v5, $0x1F;
	v3 =	vld [tilespmem:s16+$0x80];
	(pc) =	sbr.rel @p0 .LBB2_13-.Ltmp8, $4  }
0x159: {  	v1 =	vadd.s32 v4, v1;
	v4 =	vshrl.u32 v7, $0x1F;
	v5 =	vadd.f32 v9, v2;
	v2 =	vld [tilespmem:s13+$0x40]  }
0x15a: {  	v1 =	vadd.s32 v4, v1;
	v4 =	vshrl.u32 v8, $0x1F  }
0x15b: {  	v7 =	vadd.s32 v4, v1;
	v8 =	vshrl.u32 v9, $0x1F;
	s13 =	sadd.s32 $0xA0, s13;
	v4 =	vadd.f32 v6, v5  }
0x15c: {  	s15 =	sadd.s32 $0xA0, s15;
	v5 =	vadd.s32 v8, v7;
	v6 =	vshrl.u32 v6, $0x1F;
	v1 =	vld [tilespmem:s13+$0xFFFFFFB0]  }
0x15d: {  	v7 =	vld [tilespmem:s13+$0xFFFFFFC0]  }
0x15e: {  	v8 =	vld [tilespmem:s13+$0xFFFFFFD0]  }
0x15f: {  	v5 =	vadd.s32 v6, v5;
	v52 =	vshrl.u32 v3, $0x1F;
	v9 =	vld [tilespmem:s13+$0xFFFFFFE0]  }
0x160: {  	v10 =	vld [tilespmem:s13+$0xFFFFFFF0];
	v5 =	vadd.s32 v52, v5;
	v53 =	vshrl.u32 v2, $0x1F  }
0x161: {  	v54 =	vld [tilespmem:s13+$0x0];
	v5 =	vadd.s32 v53, v5;
	v11 =	vshrl.u32 v1, $0x1F  }
0x162: {  	v12 =	vld [tilespmem:s13+$0x10];
	v5 =	vadd.s32 v5, v11;
	v55 =	vshrl.u32 v7, $0x1F  }
0x163: {  	v13 =	vld [tilespmem:s13+$0x20];
	s14 =	sand.u32 $0x7FE0, s14;
	v56 =	vshrl.u32 v8, $0x1F;
	v5 =	vadd.s32 v55, v5  }
0x164: {  	v14 =	vld [tilespmem:s14+$0x80];
	v57 =	vshrl.u32 v9, $0x1F;
	v5 =	vadd.s32 v56, v5  }
0x165: {  	v15 =	vld [tilespmem:s13+$0x40];
	v58 =	vshrl.u32 v10, $0x1F;
	v5 =	vadd.s32 v57, v5  }
0x166: {  	v59 =	vshrl.u32 v54, $0x1F;
	v5 =	vadd.s32 v58, v5  }
0x167: {  	v60 =	vshrl.u32 v12, $0x1F;
	v5 =	vadd.s32 v59, v5  }
0x168: {  	v61 =	vshrl.u32 v13, $0x1F;
	v5 =	vadd.s32 v60, v5  }
0x169: {  	v62 =	vshrl.u32 v14, $0x1F;
	v5 =	vadd.s32 v61, v5  }
0x16a: {  	v63 =	vshrl.u32 v15, $0x1F;
	v5 =	vadd.s32 v62, v5  }
0x16b: {  	v5 =	vadd.s32 v63, v5  }
0x16c: {  	(v2sf) =	vpush v5, $0x0  }
0x16d: {  	(v2sf) =	vpush v5, $0x1  }
0x16e: {  	(v2sf) =	vpush v5, $0x2  }
0x16f: {  	(v2sf) =	vpush v5, $0x3  }
0x170: {  	(v2sf) =	vpush v5, $0x4  }
0x171: {  	(v2sf) =	vpush v5, $0x5  }
0x172: {  	(v2sf) =	vpush v5, $0x6  }
0x173: {  	(v2sf) =	vpush v5, $0x7  }
0x174: {  	(v2sf) =	vpush v5, $0x8  }
0x175: {  	(v2sf) =	vpush v5, $0x9  }
0x176: {  	(v2sf) =	vpush v5, $0xA  }
0x177: {  	(v2sf) =	vpush v5, $0xB  }
0x178: {  	(v2sf) =	vpush v5, $0xC  }
0x179: {  	(v2sf) =	vpush v5, $0xD  }
0x17a: {  	(v2sf) =	vpush v5, $0xE  }
0x17b: {  	(v2sf) =	vpush v5, $0xF;
	s15 =	spop (v2sf)  }
0x17c: {  	s16 =	spop (v2sf)  }
0x17d: {  	s13 =	sadd.s32 s16, s15;
	s17 =	spop (v2sf)  }
0x17e: {  	v3 =	vadd.f32 v3, v4;
	s13 =	sadd.s32 s17, s13;
	s18 =	spop (v2sf)  }
0x17f: {  	s13 =	sadd.s32 s18, s13;
	s19 =	spop (v2sf)  }
0x180: {  	v2 =	vadd.f32 v2, v3;
	s13 =	sadd.s32 s19, s13;
	s20 =	spop (v2sf)  }
0x181: {  	s13 =	sadd.s32 s20, s13;
	s21 =	spop (v2sf)  }
0x182: {  	v1 =	vadd.f32 v1, v2;
	s13 =	sadd.s32 s21, s13;
	s22 =	spop (v2sf)  }
0x183: {  	s13 =	sadd.s32 s22, s13;
	s23 =	spop (v2sf)  }
0x184: {  	v1 =	vadd.f32 v7, v1;
	s13 =	sadd.s32 s23, s13;
	s24 =	spop (v2sf)  }
0x185: {  	s13 =	sadd.s32 s24, s13;
	s25 =	spop (v2sf)  }
0x186: {  	v1 =	vadd.f32 v8, v1;
	s13 =	sadd.s32 s25, s13;
	s26 =	spop (v2sf)  }
0x187: {  	s13 =	sadd.s32 s26, s13;
	s28 =	spop (v2sf)  }
0x188: {  	v1 =	vadd.f32 v9, v1;
	s13 =	sadd.s32 s28, s13;
	s29 =	spop (v2sf)  }
0x189: {  	s13 =	sadd.s32 s29, s13;
	s30 =	spop (v2sf)  }
0x18a: {  	v1 =	vadd.f32 v10, v1;
	s13 =	sadd.s32 s30, s13;
	s31 =	spop (v2sf)  }
0x18b: {  	s13 =	sadd.s32 s31, s13  }
0x18c: {  	v1 =	vadd.f32 v54, v1;
	s14 =	smul.u32 $0x3, s13;
	_ =	sdelay $0x1  }
0x18d: {  	v1 =	vadd.f32 v12, v1;
	s13 =	sadd.s32 $0xFFFFFFFF, s14  }
0x18e: {  	p0 =	sgt.u32 s13, $0x4E1E  }
.Ltmp9:
0x18f: {  	v1 =	vadd.f32 v13, v1;
	(pc) =	sbr.rel @p0 .LBB2_22-.Ltmp9, $3  }
0x190: {  	_ = 	snop  }
0x191: {  	v1 =	vadd.f32 v14, v1;
	_ =	sdelay $0x1  }
0x192: {  	v1 =	vadd.f32 v15, v1  }
0x193: {  	s13 =	scvt.s32.f32 s14;
	s15 =	simm.s32 $0x0;
	v2 =	vimm.s32 $0x0;
	v3 =	vimm.s32 $0x7F800001;
	v1 =	vimm.s32 $0x0;
	s16 =	simm.s32 $0x0  }
.LBB2_16:
0x194: {  	s17 =	simm.s32 $0x50  }
0x195: {  	v6 =	vld [tilespmem:s17+$0xFFFFFFB0]  }
0x196: {  	v7 =	vld [tilespmem:s17+$0xFFFFFFC0]  }
0x197: {  	v4 =	vsub.s32 v3, v1;
	v8 =	vld [tilespmem:s17+$0xFFFFFFD0]  }
0x198: {  	v5 =	vshra.s32 v4, $0x1;
	v9 =	vld [tilespmem:s17+$0xFFFFFFE0]  }
0x199: {  	v10 =	vld [tilespmem:s17+$0xFFFFFFF0];
	v4 =	vadd.s32 v1, v5  }
0x19a: {  	v13 =	vld [tilespmem:s17+$0x0];
	vm0 =	vge.f32 v6, v4  }
0x19b: {  	v6 =	vld [tilespmem:s17+$0x10];
	v11 =	vsel vm0, $0x1, v0;
	vm0 =	vge.f32 v7, v4  }
0x19c: {  	s18 =	sand.u32 $0x7FE0, s15;
	v7 =	vld [tilespmem:s17+$0x20];
	v11 =	vadd.s32 v11, v2;
	v12 =	vsel vm0, $0x1, v0;
	vm0 =	vge.f32 v8, v4  }
0x19d: {  	v8 =	vld [tilespmem:s18+$0x80];
	v11 =	vadd.s32 v12, v11;
	v12 =	vsel vm0, $0x1, v0;
	vm0 =	vge.f32 v9, v4  }
0x19e: {  	v9 =	vld [tilespmem:s17+$0x40];
	s17 =	simm.s32 $0xF0;
	v11 =	vadd.s32 v12, v11;
	v12 =	vsel vm0, $0x1, v0;
	vm0 =	vge.f32 v10, v4  }
0x19f: {  	s19 =	simm.s32 $0x140;
	s18 =	simm.s32 $0xA0;
	v10 =	vld [tilespmem:s17+$0xFFFFFFB0];
	v11 =	vadd.s32 v12, v11;
	v12 =	vsel vm0, $0x1, v0;
	vm0 =	vge.f32 v13, v4  }
.LBB2_17:
0x1a0: {  	p0 =	sne.s32 s19, $0x4D80;
	v13 =	vld [tilespmem:s17+$0xFFFFFFC0];
	v11 =	vadd.s32 v12, v11;
	v12 =	vsel vm0, $0x1, v0;
	vm0 =	vge.f32 v6, v4  }
0x1a1: {  	v14 =	vld [tilespmem:s17+$0xFFFFFFD0];
	v6 =	vadd.s32 v12, v11;
	v11 =	vsel vm0, $0x1, v0;
	vm0 =	vge.f32 v7, v4  }
0x1a2: {  	v12 =	vld [tilespmem:s17+$0xFFFFFFE0];
	v6 =	vadd.s32 v11, v6;
	v7 =	vsel vm0, $0x1, v0;
	vm0 =	vge.f32 v8, v4  }
0x1a3: {  	v11 =	vld [tilespmem:s17+$0xFFFFFFF0];
	v6 =	vadd.s32 v7, v6;
	v7 =	vsel vm0, $0x1, v0;
	vm0 =	vge.f32 v9, v4  }
0x1a4: {  	vm1 =	vge.f32 v10, v4;
	v15 =	vld [tilespmem:s17+$0x0];
	v7 =	vadd.s32 v7, v6;
	v8 =	vsel vm0, $0x1, v0  }
.Ltmp10:
0x1a5: {  	v9 =	vsel vm1, $0x1, v0;
	vm0 =	vge.f32 v13, v4;
	v6 =	vld [tilespmem:s17+$0x10];
	v7 =	vadd.s32 v8, v7;
	(pc) =	sbr.rel @p0 .LBB2_17-.Ltmp10, $4  }
0x1a6: {  	s20 =	sand.u32 $0x7FE0, s18;
	s18 =	smov.u32 s19;
	v8 =	vadd.s32 v9, v7;
	v9 =	vsel vm0, $0x1, v0;
	vm0 =	vge.f32 v14, v4;
	v7 =	vld [tilespmem:s17+$0x20]  }
0x1a7: {  	v9 =	vadd.s32 v9, v8;
	v10 =	vsel vm0, $0x1, v0;
	vm0 =	vge.f32 v12, v4;
	v8 =	vld [tilespmem:s20+$0x80]  }
0x1a8: {  	v12 =	vadd.s32 v10, v9;
	v13 =	vsel vm0, $0x1, v0;
	vm0 =	vge.f32 v11, v4;
	v9 =	vld [tilespmem:s17+$0x40];
	s17 =	sadd.s32 $0xA0, s17  }
0x1a9: {  	s19 =	sadd.s32 $0xA0, s19;
	v10 =	vld [tilespmem:s17+$0xFFFFFFB0];
	v11 =	vadd.s32 v13, v12;
	v12 =	vsel vm0, $0x1, v0;
	vm0 =	vge.f32 v15, v4  }
0x1aa: {  	v13 =	vld [tilespmem:s17+$0xFFFFFFC0];
	v11 =	vadd.s32 v12, v11;
	v39 =	vsel vm0, $0x1, v0;
	vm15 =	vge.f32 v6, v4  }
0x1ab: {  	v40 =	vld [tilespmem:s17+$0xFFFFFFD0];
	v11 =	vadd.s32 v39, v11;
	v41 =	vsel vm15, $0x1, v0;
	vm4 =	vge.f32 v7, v4  }
0x1ac: {  	v42 =	vld [tilespmem:s17+$0xFFFFFFE0];
	v11 =	vadd.s32 v41, v11;
	v43 =	vsel vm4, $0x1, v0;
	vm5 =	vge.f32 v8, v4  }
0x1ad: {  	v44 =	vld [tilespmem:s17+$0xFFFFFFF0];
	v11 =	vadd.s32 v43, v11;
	v45 =	vsel vm5, $0x1, v0;
	vm6 =	vge.f32 v9, v4  }
0x1ae: {  	v46 =	vld [tilespmem:s17+$0x0];
	vm1 =	vge.f32 v10, v4;
	v47 =	vadd.s32 v45, v11;
	v48 =	vsel vm6, $0x1, v0  }
0x1af: {  	v50 =	vld [tilespmem:s17+$0x10];
	v49 =	vsel vm1, $0x1, v0;
	vm7 =	vge.f32 v13, v4;
	v10 =	vadd.s32 v48, v47  }
0x1b0: {  	v52 =	vld [tilespmem:s17+$0x20];
	s18 =	sand.u32 $0x7FE0, s18;
	vm8 =	vge.f32 v40, v4;
	v10 =	vadd.s32 v49, v10;
	v51 =	vsel vm7, $0x1, v0  }
0x1b1: {  	v54 =	vld [tilespmem:s18+$0x80];
	vm9 =	vge.f32 v42, v4;
	v53 =	vsel vm8, $0x1, v0;
	v10 =	vadd.s32 v51, v10  }
0x1b2: {  	v56 =	vld [tilespmem:s17+$0x40];
	vm10 =	vge.f32 v44, v4;
	v55 =	vsel vm9, $0x1, v0;
	v10 =	vadd.s32 v53, v10  }
0x1b3: {  	vm11 =	vge.f32 v46, v4;
	v57 =	vsel vm10, $0x1, v0;
	v10 =	vadd.s32 v55, v10  }
0x1b4: {  	vm12 =	vge.f32 v50, v4;
	v59 =	vsel vm11, $0x1, v0;
	v58 =	vadd.s32 v57, v10  }
0x1b5: {  	vm13 =	vge.f32 v52, v4;
	v60 =	vsel vm12, $0x1, v0;
	v9 =	vadd.s32 v59, v58  }
0x1b6: {  	v62 =	vsel vm13, $0x1, v0;
	vm14 =	vge.f32 v54, v4;
	v61 =	vadd.s32 v60, v9  }
0x1b7: {  	vm15 =	vge.f32 v56, v4;
	v7 =	vsel vm14, $0x1, v0;
	v6 =	vadd.s32 v62, v61  }
0x1b8: {  	v63 =	vsel vm15, $0x1, v0;
	v6 =	vadd.s32 v7, v6  }
0x1b9: {  	v6 =	vadd.s32 v63, v6  }
0x1ba: {  	(v2sf) =	vpush v6, $0x0  }
0x1bb: {  	(v2sf) =	vpush v6, $0x1  }
0x1bc: {  	(v2sf) =	vpush v6, $0x2  }
0x1bd: {  	(v2sf) =	vpush v6, $0x3  }
0x1be: {  	(v2sf) =	vpush v6, $0x4  }
0x1bf: {  	(v2sf) =	vpush v6, $0x5  }
0x1c0: {  	(v2sf) =	vpush v6, $0x6  }
0x1c1: {  	(v2sf) =	vpush v6, $0x7  }
0x1c2: {  	(v2sf) =	vpush v6, $0x8  }
0x1c3: {  	(v2sf) =	vpush v6, $0x9  }
0x1c4: {  	(v2sf) =	vpush v6, $0xA  }
0x1c5: {  	(v2sf) =	vpush v6, $0xB  }
0x1c6: {  	(v2sf) =	vpush v6, $0xC  }
0x1c7: {  	(v2sf) =	vpush v6, $0xD  }
0x1c8: {  	(v2sf) =	vpush v6, $0xE  }
0x1c9: {  	s28 =	spop (v2sf);
	(v2sf) =	vpush v6, $0xF  }
0x1ca: {  	s29 =	spop (v2sf)  }
0x1cb: {  	s17 =	sadd.s32 s29, s28;
	s30 =	spop (v2sf)  }
0x1cc: {  	s17 =	sadd.s32 s30, s17;
	s31 =	spop (v2sf)  }
0x1cd: {  	s17 =	sadd.s32 s31, s17;
	s19 =	spop (v2sf)  }
0x1ce: {  	s17 =	sadd.s32 s19, s17;
	s20 =	spop (v2sf)  }
0x1cf: {  	s17 =	sadd.s32 s20, s17;
	s21 =	spop (v2sf)  }
0x1d0: {  	s17 =	sadd.s32 s21, s17;
	s22 =	spop (v2sf)  }
0x1d1: {  	s17 =	sadd.s32 s22, s17;
	s23 =	spop (v2sf)  }
0x1d2: {  	s17 =	sadd.s32 s23, s17;
	s24 =	spop (v2sf)  }
0x1d3: {  	s17 =	sadd.s32 s24, s17;
	s25 =	spop (v2sf)  }
0x1d4: {  	s17 =	sadd.s32 s25, s17;
	s26 =	spop (v2sf)  }
0x1d5: {  	s17 =	sadd.s32 s26, s17;
	s28 =	spop (v2sf)  }
0x1d6: {  	s17 =	sadd.s32 s28, s17;
	s29 =	spop (v2sf)  }
0x1d7: {  	s17 =	sadd.s32 s29, s17;
	s30 =	spop (v2sf)  }
0x1d8: {  	s17 =	sadd.s32 s30, s17;
	s31 =	spop (v2sf)  }
0x1d9: {  	s17 =	sadd.s32 s31, s17  }
0x1da: {  	s16 =	sadd.s32 $0x1, s16;
	p0 =	sge.s32 s17, s14;
	s17 =	simm.s32 $0x1  }
0x1db: {  	s17 =	simm.s32 @!p0 $0x0;
	p0 =	sne.s32 s16, $0x1F  }
.Ltmp11:
0x1dc: {  	_ = 	snop;
	(pc) =	sbr.rel @p0 .LBB2_16-.Ltmp11, $3  }
0x1dd: {  	v3 =	vsub.s32 v3, v4  }
0x1de: {  	v5 =	vmul.u32 s17, v5;
	v3 =	vmul.u32 s17, v3;
	_ =	sdelay $0x1  }
0x1df: {  	v1 =	vadd.s32 v1, v5;
	v3 =	vadd.s32 v4, v3  }
0x1e0: {  	s14 =	simm.s32 $0x50  }
0x1e1: {  	v4 =	vld [tilespmem:s14+$0xFFFFFFB0];
	_ =	sdelay $0x1  }
0x1e2: {  	v5 =	vld [tilespmem:s14+$0xFFFFFFC0]  }
0x1e3: {  	v2 =	vld [tilespmem:s14+$0x40]  }
0x1e4: {  	v6 =	vld [tilespmem:s14+$0xFFFFFFD0]  }
0x1e5: {  	s15 =	simm.s32 $0x0;
	v8 =	vld [tilespmem:s14+$0xFFFFFFE0];
	vm4 =	vgt.f32 v4, v1  }
0x1e6: {  	v7 =	vimm.f32 $0.0e+00;
	s15 =	sand.u32 $0x7FE0, s15;
	v9 =	vld [tilespmem:s14+$0x20];
	v4 =	vnsel vm4, $0x0, v4  }
0x1e7: {  	v3 =	vld [tilespmem:s15+$0x80];
	vm5 =	vgt.f32 v5, v1;
	v4 =	vadd.f32 v4, v7  }
0x1e8: {  	v5 =	vnsel vm5, $0x0, v5;
	v7 =	vld [tilespmem:s14+$0xFFFFFFF0]  }
0x1e9: {  	v10 =	vld [tilespmem:s14+$0x0];
	vm6 =	vgt.f32 v6, v1;
	v4 =	vadd.f32 v5, v4  }
0x1ea: {  	v6 =	vnsel vm6, $0x0, v6;
	v5 =	vld [tilespmem:s14+$0x10]  }
0x1eb: {  	vm7 =	vgt.f32 v8, v1;
	v4 =	vadd.f32 v6, v4  }
0x1ec: {  	vm0 =	vgt.f32 v2, v1;
	vm2 =	vgt.f32 v9, v1;
	v8 =	vnsel vm7, $0x0, v8  }
0x1ed: {  	vm1 =	vgt.f32 v3, v1;
	vm8 =	vgt.f32 v7, v1;
	v4 =	vadd.f32 v8, v4  }
0x1ee: {  	v6 =	vimm.s32 $0x0;
	v7 =	vnsel vm8, $0x0, v7;
	v8 =	vsel vm4, $0x1, v0  }
0x1ef: {  	vm4 =	vgt.f32 v10, v1;
	vm3 =	vgt.f32 v5, v1;
	v4 =	vadd.f32 v7, v4  }
0x1f0: {  	v6 =	vadd.s32 v8, v6;
	v8 =	vnsel vm4, $0x0, v10;
	v7 =	vsel vm5, $0x1, v0  }
0x1f1: {  	v6 =	vadd.s32 v7, v6;
	v7 =	vsel vm6, $0x1, v0;
	v4 =	vadd.f32 v8, v4  }
0x1f2: {  	v5 =	vnsel vm3, $0x0, v5;
	v6 =	vadd.s32 v7, v6;
	v7 =	vsel vm7, $0x1, v0  }
0x1f3: {  	s14 =	simm.s32 $0xF0;
	v6 =	vadd.s32 v7, v6;
	v7 =	vsel vm8, $0x1, v0;
	v5 =	vadd.f32 v5, v4  }
0x1f4: {  	s16 =	simm.s32 $0x140;
	s15 =	simm.s32 $0xA0;
	v8 =	vsel vm4, $0x1, v0;
	v4 =	vld [tilespmem:s14+$0xFFFFFFB0];
	v7 =	vadd.s32 v7, v6;
	v6 =	vnsel vm2, $0x0, v9  }
.LBB2_20:
0x1f5: {  	p0 =	sne.s32 s16, $0x4D80;
	v7 =	vadd.s32 v8, v7;
	v8 =	vsel vm3, $0x1, v0;
	v5 =	vadd.f32 v6, v5  }
0x1f6: {  	v3 =	vnsel vm1, $0x0, v3;
	v6 =	vld [tilespmem:s14+$0xFFFFFFC0];
	v7 =	vadd.s32 v8, v7;
	v8 =	vsel vm2, $0x1, v0  }
0x1f7: {  	v9 =	vld [tilespmem:s14+$0x40];
	v7 =	vadd.s32 v8, v7;
	v5 =	vadd.f32 v3, v5;
	v3 =	vsel vm1, $0x1, v0  }
0x1f8: {  	s17 =	sand.u32 $0x7FE0, s15;
	v2 =	vnsel vm0, $0x0, v2;
	v10 =	vsel vm0, $0x1, v0;
	s15 =	smov.u32 s16;
	v8 =	vld [tilespmem:s14+$0xFFFFFFD0];
	v7 =	vadd.s32 v3, v7  }
0x1f9: {  	vm4 =	vgt.f32 v4, v1;
	v3 =	vld [tilespmem:s17+$0x80];
	v12 =	vadd.f32 v2, v5;
	v5 =	vadd.s32 v10, v7  }
0x1fa: {  	v4 =	vnsel vm4, $0x0, v4;
	v7 =	vld [tilespmem:s14+$0xFFFFFFE0]  }
0x1fb: {  	v4 =	vadd.f32 v4, v12;
	vm5 =	vgt.f32 v6, v1;
	v10 =	vld [tilespmem:s14+$0x20]  }
0x1fc: {  	v6 =	vnsel vm5, $0x0, v6;
	v11 =	vld [tilespmem:s14+$0xFFFFFFF0];
	v2 =	vmov v9  }
0x1fd: {  	v4 =	vadd.f32 v6, v4;
	vm6 =	vgt.f32 v8, v1;
	v6 =	vld [tilespmem:s14+$0x10]  }
0x1fe: {  	v8 =	vnsel vm6, $0x0, v8;
	v9 =	vld [tilespmem:s14+$0x0]  }
0x1ff: {  	v4 =	vadd.f32 v8, v4;
	vm7 =	vgt.f32 v7, v1  }
0x200: {  	vm0 =	vgt.f32 v2, v1;
	v7 =	vnsel vm7, $0x0, v7  }
0x201: {  	vm1 =	vgt.f32 v3, v1;
	v4 =	vadd.f32 v7, v4;
	vm8 =	vgt.f32 v11, v1  }
0x202: {  	vm2 =	vgt.f32 v10, v1;
	v7 =	vnsel vm8, $0x0, v11;
	vm3 =	vgt.f32 v6, v1  }
0x203: {  	v8 =	vsel vm4, $0x1, v0;
	v4 =	vadd.f32 v7, v4;
	vm4 =	vgt.f32 v9, v1  }
.Ltmp12:
0x204: {  	v5 =	vadd.s32 v8, v5;
	v7 =	vsel vm5, $0x1, v0;
	v8 =	vnsel vm4, $0x0, v9;
	(pc) =	sbr.rel @p0 .LBB2_20-.Ltmp12, $4  }
0x205: {  	v5 =	vadd.s32 v7, v5;
	v7 =	vsel vm6, $0x1, v0;
	v4 =	vadd.f32 v8, v4  }
0x206: {  	v6 =	vnsel vm3, $0x0, v6;
	v5 =	vadd.s32 v7, v5;
	v7 =	vsel vm7, $0x1, v0  }
0x207: {  	s14 =	sadd.s32 $0xA0, s14;
	v8 =	vsel vm8, $0x1, v0;
	v7 =	vadd.s32 v7, v5;
	v5 =	vadd.f32 v6, v4  }
0x208: {  	s16 =	sadd.s32 $0xA0, s16;
	v7 =	vadd.s32 v8, v7;
	v8 =	vsel vm4, $0x1, v0;
	v6 =	vnsel vm2, $0x0, v10;
	v4 =	vld [tilespmem:s14+$0xFFFFFFB0]  }
0x209: {  	v9 =	vld [tilespmem:s14+$0xFFFFFFC0]  }
0x20a: {  	v7 =	vadd.s32 v8, v7;
	v50 =	vsel vm3, $0x1, v0;
	v10 =	vld [tilespmem:s14+$0xFFFFFFD0]  }
0x20b: {  	v51 =	vsel vm2, $0x1, v0;
	v11 =	vld [tilespmem:s14+$0xFFFFFFE0];
	v7 =	vadd.s32 v50, v7  }
0x20c: {  	v52 =	vsel vm1, $0x1, v0;
	v12 =	vld [tilespmem:s14+$0xFFFFFFF0];
	v7 =	vadd.s32 v51, v7  }
0x20d: {  	v53 =	vsel vm0, $0x1, v0;
	v13 =	vld [tilespmem:s14+$0x0];
	v7 =	vadd.s32 v52, v7;
	vm11 =	vgt.f32 v4, v1  }
0x20e: {  	v54 =	vld [tilespmem:s14+$0x10];
	v7 =	vadd.s32 v53, v7;
	vm10 =	vgt.f32 v9, v1;
	v14 =	vsel vm11, $0x1, v0  }
0x20f: {  	s15 =	sand.u32 $0x7FE0, s15;
	v15 =	vld [tilespmem:s14+$0x20];
	vm9 =	vgt.f32 v10, v1;
	v7 =	vadd.s32 v14, v7;
	v55 =	vsel vm10, $0x1, v0  }
0x210: {  	v16 =	vld [tilespmem:s15+$0x80];
	vm8 =	vgt.f32 v11, v1;
	v56 =	vsel vm9, $0x1, v0;
	v7 =	vadd.s32 v55, v7  }
0x211: {  	v17 =	vld [tilespmem:s14+$0x40];
	vm7 =	vgt.f32 v12, v1;
	v57 =	vsel vm8, $0x1, v0;
	v7 =	vadd.s32 v56, v7  }
0x212: {  	vm6 =	vgt.f32 v13, v1;
	v58 =	vsel vm7, $0x1, v0;
	v7 =	vadd.s32 v57, v7  }
0x213: {  	vm5 =	vgt.f32 v54, v1;
	v59 =	vsel vm6, $0x1, v0;
	v7 =	vadd.s32 v58, v7  }
0x214: {  	vm4 =	vgt.f32 v15, v1;
	v60 =	vsel vm5, $0x1, v0;
	v7 =	vadd.s32 v59, v7  }
0x215: {  	vm14 =	vgt.f32 v16, v1;
	v61 =	vsel vm4, $0x1, v0;
	v7 =	vadd.s32 v60, v7  }
0x216: {  	vm15 =	vgt.f32 v17, v1;
	v62 =	vsel vm14, $0x1, v0;
	v7 =	vadd.s32 v61, v7  }
0x217: {  	v63 =	vsel vm15, $0x1, v0;
	v7 =	vadd.s32 v62, v7  }
0x218: {  	v7 =	vadd.s32 v63, v7  }
0x219: {  	(v2sf) =	vpush v7, $0x0  }
0x21a: {  	(v2sf) =	vpush v7, $0x1  }
0x21b: {  	(v2sf) =	vpush v7, $0x2  }
0x21c: {  	(v2sf) =	vpush v7, $0x3  }
0x21d: {  	(v2sf) =	vpush v7, $0x4  }
0x21e: {  	(v2sf) =	vpush v7, $0x5  }
0x21f: {  	(v2sf) =	vpush v7, $0x6  }
0x220: {  	(v2sf) =	vpush v7, $0x7  }
0x221: {  	(v2sf) =	vpush v7, $0x8  }
0x222: {  	(v2sf) =	vpush v7, $0x9  }
0x223: {  	(v2sf) =	vpush v7, $0xA  }
0x224: {  	(v2sf) =	vpush v7, $0xB  }
0x225: {  	(v2sf) =	vpush v7, $0xC  }
0x226: {  	(v2sf) =	vpush v7, $0xD  }
0x227: {  	(v2sf) =	vpush v7, $0xE  }
0x228: {  	v5 =	vadd.f32 v6, v5;
	(v2sf) =	vpush v7, $0xF;
	s15 =	spop (v2sf)  }
0x229: {  	v3 =	vnsel vm1, $0x0, v3;
	s16 =	spop (v2sf)  }
0x22a: {  	v3 =	vadd.f32 v3, v5;
	s14 =	sadd.s32 s16, s15;
	s17 =	spop (v2sf)  }
0x22b: {  	v2 =	vnsel vm0, $0x0, v2;
	s14 =	sadd.s32 s17, s14;
	s18 =	spop (v2sf)  }
0x22c: {  	v2 =	vadd.f32 v2, v3;
	s14 =	sadd.s32 s18, s14;
	s19 =	spop (v2sf)  }
0x22d: {  	v3 =	vnsel vm11, $0x0, v4;
	s14 =	sadd.s32 s19, s14;
	s20 =	spop (v2sf)  }
0x22e: {  	v2 =	vadd.f32 v3, v2;
	s14 =	sadd.s32 s20, s14;
	s21 =	spop (v2sf)  }
0x22f: {  	v3 =	vnsel vm10, $0x0, v9;
	s14 =	sadd.s32 s21, s14;
	s22 =	spop (v2sf)  }
0x230: {  	v2 =	vadd.f32 v3, v2;
	s14 =	sadd.s32 s22, s14;
	s23 =	spop (v2sf)  }
0x231: {  	v3 =	vnsel vm9, $0x0, v10;
	s14 =	sadd.s32 s23, s14;
	s24 =	spop (v2sf)  }
0x232: {  	v2 =	vadd.f32 v3, v2;
	s14 =	sadd.s32 s24, s14;
	s25 =	spop (v2sf)  }
0x233: {  	v3 =	vnsel vm8, $0x0, v11;
	s14 =	sadd.s32 s25, s14;
	s26 =	spop (v2sf)  }
0x234: {  	v2 =	vadd.f32 v3, v2;
	s14 =	sadd.s32 s26, s14;
	s28 =	spop (v2sf)  }
0x235: {  	v3 =	vnsel vm7, $0x0, v12;
	s14 =	sadd.s32 s28, s14;
	s29 =	spop (v2sf)  }
0x236: {  	v2 =	vadd.f32 v3, v2;
	s14 =	sadd.s32 s29, s14;
	s30 =	spop (v2sf)  }
0x237: {  	v3 =	vnsel vm6, $0x0, v13;
	s14 =	sadd.s32 s30, s14;
	s31 =	spop (v2sf)  }
0x238: {  	v2 =	vadd.f32 v3, v2;
	s14 =	sadd.s32 s31, s14  }
0x239: {  	v3 =	vnsel vm5, $0x0, v54;
	s14 =	scvt.s32.f32 s14  }
0x23a: {  	v2 =	vadd.f32 v3, v2  }
0x23b: {  	v3 =	vnsel vm4, $0x0, v15;
	s13 =	ssub.f32 s13, s14  }
0x23c: {  	v2 =	vadd.f32 v3, v2  }
0x23d: {  	v3 =	vnsel vm14, $0x0, v16;
	s13 =	smul.f32 $6.250000000e-02, s13  }
.Ltmp13:
0x23e: {  	v2 =	vadd.f32 v3, v2;
	(pc) =	sbr.rel .LBB2_23-.Ltmp13, $3  }
0x23f: {  	v3 =	vnsel vm15, $0x0, v17  }
0x240: {  	v2 =	vadd.f32 v3, v2;
	v1 =	vmul.f32 s13, v1;
	_ =	sdelay $0x1  }
0x241: {  	v1 =	vadd.f32 v1, v2  }
.LBB2_24:
0x242: {  	_ =	sfence.sel $0x180000  }
0x243: {  	[bflag:$0x0] =	sbarrier.arrive $0xFFFF  }
0x244: {  	p0 =	sne.s32 s1, $0x0;
	_ =	strace $0x9000004A  }
0x245: {  	s0 =	sadd.s32 @!p0 $0x100000, s0;
	[bflag:$0x2] =	sbarrier.arrive $0xFFFF  }
0x246: {  	[sflag:s0] =	ssyncadd.tile.s32 @!p0 $0x1;
	_ =	shalt  }
.Lfunc_end2:
_tile_overlayer_lowered:
.L_overlay_start_2:
0x247: {  	(tag) =	ssettag $0x2  }
0x248: {  	s0 =	rddreg [dreg:$0x0];
	s2 =	stileid.u32  }
0x249: {  	s1 =	rddreg [dreg:$0x1];
	p0 =	sne.s32 s2, $0x0  }
0x24a: {  	s3 =	rddreg [dreg:$0x2];
	[bflag:$0x3] =	sbarrier.arrive $0xFFFF;
	s2 =	simm.s32 @!p0 $0x1C01  }
0x24b: {  	[timem:s3], [sflag:s2] =	dma.local @!p0 [hbm:s0], s1  }
0x24c: {  	s0 =	simm.s32 @!p0 $0x1  }
0x24d: {  	_ =	swait.ge @!p0 [sflag:s0], s1  }
0x24e: {  	s1 =	ssub.s32 @!p0 $0x0, s1;
	[sflag:s0] =	ssyncset.done @!p0 $0x0  }
0x24f: {  	[sflag:s0] =	ssyncadd.s32 @!p0 s1  }
0x250: {  	[bflag:$0x3] =	sbarrier.arrive $0xFFFF  }
0x251: {  	_ =	shalt  }

// kernel: sparse-core-data-format-call.cloned.1.call-start
scs
called_computation_lowered:
.L_overlay_start_0:
0x0: {  	s1 =	sld [smem:$0x3FD9]  }
0x1: {  	s2 =	sld [smem:$0x3FFE];
	_ =	sdelay $0x1  }
0x2: {  	s3 =	srdreg.scid  }
0x3: {  	s0 =	sand.u32 $0x1, s3  }
0x4: {  	s17 =	sshll.u32 s0, $0xA;
	s1 =	sadd.s32 s2, s1  }
0x5: {  	s1 =	sadd.s32 s1, s17  }
0x6: {  	[smem:$0x3FC4] =	sst s1  }
0x7: {  	_ = 	snop  }
0x8: {  	(tm) =	ssettm $0x1  }
0x9: {  	s18 =	sld [smem:$0x3FFB];
	_ =	sdelay $0x3  }
0xa: {  	_ =	strace s18  }
0xb: {  	s1 =	sld [smem:$0x3FFC];
	_ =	sdelay $0x3  }
0xc: {  	_ =	strace s1  }
0xd: {  	s1 =	sld [smem:$0x3FFD];
	_ =	sdelay $0x3  }
0xe: {  	_ =	strace s1  }
0xf: {  	_ =	strace $0x8FFFFFFF  }
0x10: {  	s19 =	sld [smem:$0x3FDB];
	_ =	sdelay $0x1  }
0x11: {  	s20 =	simm.s32 $_scs_section_size  }
0x12: {  	s4 =	simm.s32 $_size__tile_overlayer_lowered;
	s5 =	simm.s32 $_tile_overlayer_lowered  }
0x13: {  	s23 =	simm.s32 $0x1BFF;
	s22 =	sshll.u32 s5, $0x1;
	s1 =	sadd.s32 s20, s19  }
0x14: {  	s6 =	simm.s32 $0x0;
	s21 =	sshll.u32 s4, $0x1;
	s4 =	sadd.s32 s22, s1  }
0x15: {  	[timem:s6], [sflag:s23] =	dma.local [hbm:s4], s21  }
0x16: {  	_ =	swait.ge [sflag:s23], s21  }
0x17: {  	s2 =	ssub.s32 $0x0, s21;
	[sflag:s23] =	ssyncset.done $0x0  }
0x18: {  	[sflag:s23] =	ssyncadd.s32 s2;
	_ =	sdelay $0x1  }
0x19: {  	s24 =	simm.s32 $0x1B8B  }
0x1a: {  	_ =	swait.ge [sflag:s24], $0x1  }
0x1b: {  	[sflag:s24] =	ssyncset.done $0x0  }
0x1c: {  	s26 =	simm.s32 $0x1B8E;
	s25 =	sld [smem:$0x3FFE];
	[sflag:s24] =	ssyncadd.s32 $0xFFFFFFFF  }
0x1d: {  	s27 =	simm.s32 $execute0_lowered;
	[smem:$0x3FD2] =	sst s26  }
0x1e: {  	s4 =	sshll.u32 s27, $0x1;
	_ =	strace $0x80000046;
	[dreg:$0x1] =	wrdreg $0xFFFFFFFF  }
0x1f: {  	s28 =	simm.s32 $_size_execute0_lowered;
	s1 =	sadd.s32 s1, s4;
	[dreg:$0x0] =	wrdreg $0x0  }
0x20: {  	s4 =	sshll.u32 s28, $0x1;
	[dreg:$0x2] =	wrdreg s1  }
0x21: {  	[dreg:$0x3] =	wrdreg s4  }
0x22: {  	[dreg:$0x4] =	wrdreg $0xC0  }
0x23: {  	_ =	task [dreg:s6], $0x5FFFF  }
0x24: {  	[dreg:$0x1] =	wrdreg $0xFFFFFFFF  }
0x25: {  	[dreg:$0x0] =	wrdreg $0x60  }
0x26: {  	[dreg:$0x2] =	wrdreg s25  }
0x27: {  	[dreg:$0x3] =	wrdreg $0x9  }
0x28: {  	_ =	task.clear_ibuf [dreg:s6], $0x4FFFF;
	_ =	strace $0x90000046  }
0x29: {  	s29 =	simm.s32 $0x9;
	_ =	strace $0x80000048  }
0x2a: {  	_ =	swait.ge [sflag:s29], $0x1  }
0x2b: {  	[sflag:s29] =	ssyncadd.s32 $0xFFFFFFFF  }
0x2c: {  	_ =	strace $0x90000048  }
0x2d: {  	_ =	sfence  }
0x2e: {  	s30 =	sld [smem:$0x0];
	_ =	sdelay $0x2  }
0x2f: {  	s31 =	sshll.u32 s3, $0xD;
	s3 =	sshrl.u32 s3, $0x2  }
0x30: {  	s2 =	sand.u32 $0x4000, s31;
	s1 =	sadd.s32 s3, s30  }
0x31: {  	s0 =	sor.u32 s2, s0;
	s1 =	sshll.u32 s1, $0x11  }
0x32: {  	s0 =	sor.u32 s1, s0  }
0x33: {  	s0 =	sadd.s32 $0x8F2B, s0  }
0x34: {  	[sflag:s0] =	ssyncadd.remote.s32 $0x1  }
0x35: {  	_ =	sfence.sel $0xFFFF  }
0x36: {  	[dreg:$0x0] =	wrdreg $0xFFFFFFFF;
	(pc) =	sbr.abs _section_cstart, $3  }
0x37: {  	[dreg:$0x1] =	wrdreg $0xFFFFFFFF  }
0x38: {  	_ =	task.clear_ibuf [dreg:s6], $0x2FFFF;
	_ =	strace $0x9FFFFFFF  }
0x39: {  	(tm) =	ssettm $0x7FFFFFFF  }
tec
execute0_lowered:
.L_overlay_start_1:
0x0: {  	(tag) =	ssettag $0x1  }
0x1: {  	s0 =	srdreg.scid;
	s5 =	rddreg [dreg:$0x0];
	s6 =	simm.s32 $0x2  }
0x2: {  	s15 =	simm.s32 $0x0;
	s8 =	simm.s32 $0x3AE00;
	s1 =	sshll.u32 s0, $0x4  }
0x3: {  	s9 =	simm.s32 $0x0;
	s0 =	stileid.u32;
	s1 =	sand.u32 $0x10, s1  }
0x4: {  	s14 =	simm.s32 $0x0;
	s16 =	simm.s32 $0x0;
	s1 =	sor.u32 s0, s1  }
0x5: {  	s11 =	simm.s32 $0x0;
	s12 =	simm.s32 $0x0;
	s2 =	sshll.u32 s1, $0x7  }
.Ltmp0:
0x6: {  	s13 =	simm.s32 $0x0;
	s3 =	ssub.s32 $0x4E00, s2;
	(pc) =	sbr.rel .LBB1_1-.Ltmp0, $4  }
0x7: {  	s1 =	rddreg [dreg:$0x1];
	_ =	strace $0x80000047;
	s4 =	sshrl.u32 s3, $0xC  }
0x8: {  	s10 =	smov.u32 s2;
	s3 =	simm.s32 $0x1;
	s7 =	smul.u32 $0x6, s4  }
0x9: {  	s4 =	sadd.s32 $0x1400, s5;
	[sflag:s3] =	ssyncpa.u1 $0x0;
	s5 =	sadd.s32 $0x19D600, s5  }
0xa: {  	[sflag:s6] =	ssyncpa.u1 $0x0;
	s6 =	sadd.s32 $0x6, s7;
	s7 =	sadd.s32 $0x7, s7  }
.LBB1_7:
0xb: {  	s17 =	sadd.s32 $0x1000, s10  }
0xc: {  	s14 =	sadd.s32 $0x40, s11;
	s18 =	smov.u32 s11;
	p1 =	sgt.s32 s17, $0x4E1F  }
0xd: {  	s18 =	smov.u32 @p1 s14  }
0xe: {  	s20 =	smov.u32 s12;
	s14 =	sadd.s32 $0x4, s12;
	p2 =	sgt.s32 s18, $0x3F  }
0xf: {  	s20 =	smov.u32 @p2 s14  }
0x10: {  	s17 =	smov.u32 @p1 s2;
	p1 =	sgt.s32 s20, $0x14  }
0x11: {  	p0 =	slt.u32 s13, $0x2;
	s20 =	simm.s32 @p1 $0x0;
	p1 =	sne.s32 s13, s7  }
.Ltmp1:
0x12: {  	s19 =	simm.s32 @!p0 $0x2;
	(pc) =	sbr.rel @!p1 .LBB1_8-.Ltmp1, $4  }
0x13: {  	s15 =	smov.u32 s10;
	s16 =	smov.u32 s12;
	_ =	swait.ge @!p0 [sflag:s19], $0x4000  }
0x14: {  	s9 =	sadd.s32 $0x8000, s9;
	[sflag:s19] =	ssyncset.done @!p0 $0x0;
	s10 =	smov.u32 s17  }
0x15: {  	s18 =	simm.s32 @p2 $0x0;
	s14 =	smov.u32 s11;
	[sflag:s19] =	ssyncadd.s32 @!p0 $0xFFFFC000  }
0x16: {  	s11 =	smov.u32 s18;
	s13 =	sadd.s32 $0x1, s13;
	s12 =	smov.u32 s20  }
.LBB1_1:
0x17: {  	p0 =	sge.u32 s13, s6;
	s21 =	smov.u32 s10  }
0x18: {  	s17 =	sshrl.u32 @!p0 s11, $0x3;
	s18 =	sshll.u32 @!p0 s10, $0x3;
	s19 =	sshll.u32 @!p0 s11, $0x7  }
0x19: {  	p1 =	sgt.s32 @!p0 s12, $0x11;
	s20 =	sshra.s32 @!p0 s12, $0x1F;
	s17 =	smul.u32 @!p0 $0x27400, s17  }
0x1a: {  	s22 =	sshra.s32 @!p0 s10, $0x1F;
	s18 =	sand.u32 @!p0 $0xFFFFFC00, s18;
	p1 =	por !p1, p0  }
0x1b: {  	s17 =	sadd.s32 @!p0 s17, s18;
	s18 =	sand.u32 @!p0 $0x300, s19;
	s19 =	sshll.u32 @!p0 s10, $0x1  }
0x1c: {  	s20 =	sand.u32 @!p0 s20, s12;
	s17 =	sor.u32 @!p0 s18, s17;
	s18 =	sand.u32 @!p0 $0xFE, s19  }
0x1d: {  	s19 =	sand.u32 @!p0 $0x1, s11;
	s17 =	sor.u32 @!p0 s18, s17;
	s18 =	smov.u32 s12  }
0x1e: {  	s18 =	simm.s32 @p1 $0x11;
	p1 =	sgt.s32 @!p0 s10, $0x4E00;
	s19 =	sor.u32 @!p0 s19, s17  }
0x1f: {  	s17 =	smulhi.u32 @!p0 $0x342DA7F3, s17;
	p1 =	por !p1, p0;
	s18 =	ssub.s32 @!p0 s18, s20  }
0x20: {  	s20 =	sand.u32 @!p0 s22, s10;
	s21 =	simm.s32 @p1 $0x4E00;
	s22 =	sadd.s32 @!p0 $0xFFFFFFEF, s18  }
0x21: {  	s18 =	ssub.s32 @!p0 $0x15, s18;
	s17 =	sshrl.u32 @!p0 s17, $0xC;
	s20 =	ssub.s32 @!p0 s21, s20  }
0x22: {  	p1 =	sgt.s32 @!p0 s22, $0x3;
	s21 =	ssub.s32 @!p0 $0x0, s11;
	s17 =	sand.u32 @!p0 $0x3F, s17  }
0x23: {  	s22 =	sadd.s32 @!p0 $0xFFFFB200, s20;
	s21 =	smin.u32 @!p0 s11, s21;
	p1 =	por !p1, p0  }
0x24: {  	p2 =	sgt.s32 @!p0 s22, $0x7F;
	s22 =	smulhi.u32 @!p0 $0x342DA7F3, s19;
	p3 =	sgt.s32 @!p0 s21, $0x3F  }
0x25: {  	s18 =	simm.s32 @!p1 $0x0;
	s21 =	ssub.s32 @!p0 $0x40, s21;
	p1 =	por !p3, p0  }
0x26: {  	s20 =	ssub.s32 @!p0 $0x4E80, s20;
	s17 =	smul.u32 @!p0 $0x4E8, s17;
	s21 =	simm.s32 @!p1 $0x0  }
0x27: {  	s22 =	sshrl.u32 @!p0 s22, $0xC;
	p1 =	por !p2, p0;
	s18 =	smul.u32 @!p0 s21, s18  }
0x28: {  	s21 =	smul.u32 @!p0 $0x4E80, s22;
	s20 =	simm.s32 @!p1 $0x0  }
0x29: {  	s18 =	smul.u32 @!p0 s20, s18  }
0x2a: {  	s22 =	sxor.u32 @!p0 $0xFFFFFFFF, s13;
	s20 =	smul.u32 @!p0 $0x13A00, s12;
	s19 =	ssub.s32 @!p0 s19, s21  }
0x2b: {  	s21 =	sshrl.u32 @!p0 s19, $0x4;
	s19 =	sshll.u32 @!p0 s19, $0x11;
	s18 =	sshrl.u32 @!p0 s18, $0x1  }
0x2c: {  	s20 =	sadd.s32 @!p0 s4, s20;
	s19 =	sand.u32 @!p0 $0x1C0000, s19;
	s18 =	sand.u32 @!p0 $0x3FFFFFFF, s18  }
0x2d: {  	s17 =	sadd.s32 @!p0 s17, s20;
	s20 =	sshll.u32 @!p0 s22, $0xE;
	s19 =	sor.u32 @!p0 $0x200, s19  }
0x2e: {  	s17 =	sadd.s32 @!p0 s21, s17;
	s20 =	sand.u32 @!p0 $0x4000, s20;
	s21 =	simm.s32 @!p0 $0x13A00  }
0x2f: {  	[tilespmem:s20], [sflag:$0x1] =	stream.strided.gather @!p0 [hbm4b:s17+s19], s18, s21, s19, $0x38;
	[tilespmem:$0x10000] =	vst v63  }
0x30: {  	p0 =	seq.s32 s13, $0x0  }
0x31: {  	p1 =	sge.u32 @!p0 s13, s7  }
0x32: {  	p0 =	por p0, p1  }
.Ltmp2:
0x33: {  	_ = 	snop;
	(pc) =	sbr.rel @p0 .LBB1_7-.Ltmp2, $1  }
0x34: {  	_ =	sdelay $0x3  }
0x35: {  	p0 =	sgt.s32 s16, $0x11  }
0x36: {  	s17 =	smov.u32 s16;
	s18 =	sshra.s32 s16, $0x1F;
	s27 =	ssub.s32 $0x0, s14  }
0x37: {  	p1 =	sgt.s32 s15, $0x4E00;
	s17 =	simm.s32 @!p0 $0x11;
	s18 =	sand.u32 s18, s16  }
0x38: {  	s19 =	smov.u32 s15;
	s20 =	sshra.s32 s15, $0x1F;
	s17 =	ssub.s32 s17, s18  }
0x39: {  	s19 =	simm.s32 @!p1 $0x4E00;
	s20 =	sand.u32 s20, s15;
	s18 =	sadd.s32 $0xFFFFFFEF, s17  }
0x3a: {  	s19 =	ssub.s32 s19, s20;
	p0 =	sgt.s32 s18, $0x3;
	s18 =	smin.u32 s14, s27  }
0x3b: {  	s17 =	ssub.s32 $0x15, s17;
	p1 =	sgt.s32 s18, $0x3F;
	s18 =	ssub.s32 $0x40, s18  }
0x3c: {  	s20 =	sadd.s32 $0xFFFFB200, s19;
	s17 =	simm.s32 @p0 $0x0;
	s18 =	simm.s32 @p1 $0x0  }
0x3d: {  	p0 =	sgt.s32 s20, $0x7F;
	s17 =	smul.u32 s18, s17;
	s18 =	ssub.s32 $0x4E80, s19  }
0x3e: {  	s18 =	simm.s32 @p0 $0x0  }
0x3f: {  	s17 =	smul.u32 s18, s17  }
0x40: {  	s28 =	sshll.u32 s9, $0x1  }
0x41: {  	s30 =	sshll.u32 s13, $0xE;
	s18 =	sand.u32 $0x10000, s28;
	s17 =	sshrl.u32 s17, $0x1  }
0x42: {  	s20 =	simm.s32 $0x0;
	s31 =	sshrl.u32 s18, $0x2;
	s17 =	sand.u32 $0x3FFFFFFF, s17  }
0x43: {  	p1 =	por $0x1, $0x1;
	s18 =	sadd.s32 $0x1000, s31;
	_ =	swait.ge [sflag:s3], s17  }
0x44: {  	s29 =	ssub.s32 $0x0, s17;
	s17 =	sand.u32 $0x4000, s30;
	[sflag:s3] =	ssyncset.done $0x0  }
0x45: {  	s19 =	sadd.s32 $0x8100, s31;
	s17 =	sor.u32 $0x8000, s17;
	[sflag:s3] =	ssyncadd.s32 s29  }
.LBB1_3:
0x46: {  	s21 =	sshll.u32 s20, $0xC  }
0x47: {  	s21 =	sand.u32 $0x3FFFF000, s21  }
0x48: {  	s21 =	sadd.s32 s21, s18  }
0x49: {  	v0 =	vld [tilespmem:s21+$0xFFFFF070]  }
0x4a: {  	v1 =	vld [tilespmem:s21+$0x70]  }
0x4b: {  	v2 =	vld [tilespmem:s21+$0x0]  }
0x4c: {  	v3 =	vld [tilespmem:s21+$0xFFFFF010]  }
0x4d: {  	v4 =	vld [tilespmem:s21+$0x10]  }
0x4e: {  	v5 =	vld [tilespmem:s21+$0xFFFFF020]  }
0x4f: {  	v7 =	vld [tilespmem:s21+$0x20]  }
0x50: {  	s31 =	sshll.u32 s20, $0x6;
	v12 =	vld [tilespmem:s21+$0xFFFFF040];
	v6 =	vunpack.i.l.s16.s32 v0;
	v8 =	vunpack.i.u.s16.s32 v0;
	v9 =	vunpack.i.u.s16.s32 v1  }
0x51: {  	s20 =	sand.u32 $0x3FFFFFC0, s31;
	v10 =	vunpack.i.l.s16.s32 v1;
	v0 =	vunpack.i.u.s16.s32 v2;
	v1 =	vunpack.i.l.s16.s32 v2;
	v2 =	vld [tilespmem:s21+$0xFFFFF030]  }
0x52: {  	s20 =	sadd.s32 s20, s19;
	v11 =	vld [tilespmem:s21+$0x30];
	v8 =	vpack.i.b32.b16 v9, v8;
	v9 =	vunpack.i.u.s16.s32 v3;
	v3 =	vunpack.i.l.s16.s32 v3  }
0x53: {  	v6 =	vpack.i.b32.b16 v10, v6;
	[tilespmem:s20+$0x70] =	vst v8;
	v8 =	vunpack.i.u.s16.s32 v4;
	v4 =	vunpack.i.l.s16.s32 v4  }
0x54: {  	v13 =	vld [tilespmem:s21+$0x40];
	v10 =	vunpack.i.u.s16.s32 v5;
	v5 =	vunpack.i.l.s16.s32 v5;
	[tilespmem:s20+$0xFFFFFF70] =	vst v6;
	v3 =	vpack.i.b32.b16 v4, v3  }
0x55: {  	v6 =	vunpack.i.u.s16.s32 v7;
	v7 =	vunpack.i.l.s16.s32 v7;
	v4 =	vld [tilespmem:s21+$0xFFFFF050];
	[tilespmem:s20+$0xFFFFFF10] =	vst v3;
	v3 =	vpack.i.b32.b16 v8, v9  }
0x56: {  	v8 =	vunpack.i.l.s16.s32 v12;
	[tilespmem:s20+$0x10] =	vst v3;
	v3 =	vpack.i.b32.b16 v7, v5;
	v9 =	vunpack.i.u.s16.s32 v2;
	v5 =	vld [tilespmem:s21+$0x50]  }
0x57: {  	v7 =	vunpack.i.l.s16.s32 v2;
	v2 =	vld [tilespmem:s21+$0xFFFFF060];
	[tilespmem:s20+$0xFFFFFF20] =	vst v3;
	v3 =	vpack.i.b32.b16 v6, v10;
	v6 =	vunpack.i.l.s16.s32 v11  }
0x58: {  	p0 =	por p1, p1;
	v10 =	vunpack.i.u.s16.s32 v11;
	[tilespmem:s20+$0x20] =	vst v3;
	v11 =	vpack.i.b32.b16 v6, v7;
	v7 =	vunpack.i.u.s16.s32 v12;
	v3 =	vld [tilespmem:s21+$0x60]  }
0x59: {  	s22 =	simm.s32 $0x0;
	s23 =	sadd.s32 $0x80, s21;
	v6 =	vld [tilespmem:s21+$0xFFFFF000];
	v10 =	vpack.i.b32.b16 v10, v9;
	v9 =	vunpack.i.u.s16.s32 v13;
	s21 =	smov.u32 s20;
	[tilespmem:s20+$0xFFFFFF30] =	vst v11;
	v11 =	vunpack.i.l.s16.s32 v13  }
.LBB1_4:
0x5a: {  	v12 =	vld [tilespmem:s23+$0xFFFFF070];
	[tilespmem:s20+$0x30] =	vst v10;
	v8 =	vpack.i.b32.b16 v11, v8;
	v10 =	vunpack.i.u.s16.s32 v4;
	v4 =	vunpack.i.l.s16.s32 v4  }
0x5b: {  	s22 =	sadd.s32 $0x2, s22;
	v7 =	vpack.i.b32.b16 v9, v7;
	v11 =	vld [tilespmem:s23+$0x70];
	[tilespmem:s20+$0xFFFFFF40] =	vst v8;
	v8 =	vunpack.i.u.s16.s32 v5;
	v5 =	vunpack.i.l.s16.s32 v5  }
0x5c: {  	p1 =	slt.u32 s22, $0x3E;
	v9 =	vld [tilespmem:s23+$0x0];
	[tilespmem:s20+$0x40] =	vst v7;
	v4 =	vpack.i.b32.b16 v5, v4;
	v5 =	vunpack.i.u.s16.s32 v2;
	v2 =	vunpack.i.l.s16.s32 v2  }
0x5d: {  	v7 =	vld [tilespmem:s23+$0xFFFFF010];
	[tilespmem:s20+$0xFFFFFF50] =	vst v4;
	v4 =	vpack.i.b32.b16 v8, v10;
	v8 =	vunpack.i.u.s16.s32 v3;
	v3 =	vunpack.i.l.s16.s32 v3  }
0x5e: {  	v10 =	vld [tilespmem:s23+$0x10];
	v13 =	vunpack.i.u.s16.s32 v6;
	v6 =	vunpack.i.l.s16.s32 v6;
	[tilespmem:s20+$0x50] =	vst v4;
	v2 =	vpack.i.b32.b16 v3, v2  }
0x5f: {  	v3 =	vld [tilespmem:s23+$0xFFFFF020];
	v4 =	vunpack.i.l.s16.s32 v12;
	v1 =	vpack.i.b32.b16 v1, v6;
	v6 =	vpack.i.b32.b16 v0, v13;
	[tilespmem:s20+$0xFFFFFF60] =	vst v2  }
0x60: {  	v12 =	vunpack.i.u.s16.s32 v12;
	v2 =	vld [tilespmem:s23+$0x20];
	v13 =	vunpack.i.u.s16.s32 v11;
	v11 =	vunpack.i.l.s16.s32 v11;
	[tilespmem:s20+$0xFFFFFF00] =	vst v1  }
0x61: {  	s20 =	sadd.s32 $0x200, s20;
	v0 =	vunpack.i.u.s16.s32 v9;
	v1 =	vunpack.i.l.s16.s32 v9;
	v9 =	vld [tilespmem:s23+$0xFFFFF030];
	v12 =	vpack.i.b32.b16 v13, v12;
	[tilespmem:s21+$0x0] =	vst v6  }
0x62: {  	v5 =	vpack.i.b32.b16 v8, v5;
	v6 =	vunpack.i.u.s16.s32 v7;
	v7 =	vunpack.i.l.s16.s32 v7;
	v13 =	vld [tilespmem:s23+$0x30];
	[tilespmem:s20+$0x70] =	vst v12  }
0x63: {  	v4 =	vpack.i.b32.b16 v11, v4;
	v8 =	vunpack.i.u.s16.s32 v10;
	v10 =	vunpack.i.l.s16.s32 v10;
	v12 =	vld [tilespmem:s23+$0xFFFFF040];
	[tilespmem:s21+$0x60] =	vst v5;
	s21 =	smov.u32 s20  }
0x64: {  	v5 =	vpack.i.b32.b16 v10, v7;
	v7 =	vunpack.i.u.s16.s32 v3;
	v3 =	vunpack.i.l.s16.s32 v3;
	v11 =	vld [tilespmem:s23+$0x40];
	[tilespmem:s20+$0xFFFFFF70] =	vst v4  }
.Ltmp3:
0x65: {  	[tilespmem:s20+$0xFFFFFF10] =	vst v5;
	v5 =	vpack.i.b32.b16 v8, v6;
	v6 =	vunpack.i.u.s16.s32 v2;
	v2 =	vunpack.i.l.s16.s32 v2;
	v4 =	vld [tilespmem:s23+$0xFFFFF050];
	(pc) =	sbr.rel @p1 .LBB1_4-.Ltmp3, $4  }
0x66: {  	[tilespmem:s20+$0x10] =	vst v5;
	v2 =	vpack.i.b32.b16 v2, v3;
	v10 =	vunpack.i.u.s16.s32 v9;
	v3 =	vunpack.i.l.s16.s32 v9;
	v5 =	vld [tilespmem:s23+$0x50]  }
0x67: {  	v6 =	vpack.i.b32.b16 v6, v7;
	[tilespmem:s20+$0xFFFFFF20] =	vst v2;
	v9 =	vunpack.i.u.s16.s32 v13;
	v7 =	vunpack.i.l.s16.s32 v13;
	v2 =	vld [tilespmem:s23+$0xFFFFF060]  }
0x68: {  	[tilespmem:s20+$0x20] =	vst v6;
	v13 =	vpack.i.b32.b16 v7, v3;
	v7 =	vunpack.i.u.s16.s32 v12;
	v8 =	vunpack.i.l.s16.s32 v12;
	v3 =	vld [tilespmem:s23+$0x60]  }
0x69: {  	v10 =	vpack.i.b32.b16 v9, v10;
	v6 =	vld [tilespmem:s23+$0xFFFFF000];
	[tilespmem:s20+$0xFFFFFF30] =	vst v13;
	v9 =	vunpack.i.u.s16.s32 v11;
	v11 =	vunpack.i.l.s16.s32 v11;
	s23 =	sadd.s32 $0x80, s23  }
0x6a: {  	[tilespmem:s20+$0x30] =	vst v10;
	v8 =	vpack.i.b32.b16 v11, v8  }
0x6b: {  	v51 =	vunpack.i.l.s16.s32 v4;
	v7 =	vpack.i.b32.b16 v9, v7;
	[tilespmem:s20+$0xFFFFFF40] =	vst v8;
	v52 =	vunpack.i.l.s16.s32 v5  }
0x6c: {  	v53 =	vunpack.i.u.s16.s32 v4;
	v54 =	vunpack.i.u.s16.s32 v5;
	[tilespmem:s20+$0x40] =	vst v7;
	v55 =	vpack.i.b32.b16 v52, v51  }
0x6d: {  	v56 =	vunpack.i.l.s16.s32 v2;
	v4 =	vpack.i.b32.b16 v54, v53;
	[tilespmem:s20+$0xFFFFFF50] =	vst v55;
	v57 =	vunpack.i.l.s16.s32 v3  }
.Ltmp4:
0x6e: {  	[tilespmem:s20+$0x50] =	vst v4;
	v58 =	vunpack.i.l.s16.s32 v6;
	v59 =	vpack.i.b32.b16 v57, v56;
	(pc) =	sbr.rel @p0 .LBB1_3-.Ltmp4, $4  }
0x6f: {  	v61 =	vunpack.i.u.s16.s32 v2;
	v62 =	vunpack.i.u.s16.s32 v3;
	v1 =	vpack.i.b32.b16 v1, v58;
	[tilespmem:s20+$0xFFFFFF60] =	vst v59  }
0x70: {  	v60 =	vunpack.i.u.s16.s32 v6;
	v63 =	vpack.i.b32.b16 v62, v61;
	[tilespmem:s20+$0xFFFFFF00] =	vst v1  }
0x71: {  	v0 =	vpack.i.b32.b16 v0, v60;
	[tilespmem:s21+$0x60] =	vst v63  }
0x72: {  	p1 =	por $0x0, $0x0;
	s20 =	simm.s32 $0x2;
	[tilespmem:s21+$0x0] =	vst v0  }
0x73: {  	s18 =	sshrl.u32 s16, $0x3  }
0x74: {  	s19 =	sshll.u32 s15, $0x3;
	s18 =	smul.u32 $0x27400, s18  }
0x75: {  	s20 =	sshll.u32 s16, $0x7;
	s19 =	sand.u32 $0xFFFFFC00, s19  }
0x76: {  	s25 =	sshll.u32 s15, $0x1;
	s24 =	sand.u32 $0x300, s20;
	s18 =	sadd.s32 s18, s19  }
0x77: {  	s15 =	sand.u32 $0xFE, s25;
	s18 =	sor.u32 s24, s18  }
0x78: {  	s15 =	sor.u32 s15, s18  }
0x79: {  	s18 =	smulhi.u32 $0x342DA7F3, s15;
	_ =	sdelay $0x1  }
0x7a: {  	s26 =	sand.u32 $0x1, s16;
	s18 =	sshrl.u32 s18, $0xC  }
0x7b: {  	s15 =	sor.u32 s26, s15;
	s27 =	smulhi.u32 $0xAAAAAAB, s18  }
0x7c: {  	s16 =	smulhi.u32 $0x342DA7F3, s15  }
0x7d: {  	s19 =	smul.u32 $0x18, s27  }
0x7e: {  	s14 =	smul.u32 $0x75C0, s14;
	s16 =	sshrl.u32 s16, $0xC  }
0x7f: {  	s16 =	smul.u32 $0x4E80, s16;
	s18 =	ssub.s32 s18, s19  }
0x80: {  	s28 =	smul.u32 $0x4E8, s18  }
.Ltmp5:
0x81: {  	s15 =	ssub.s32 s15, s16;
	(pc) =	sbr.rel .LBB1_7-.Ltmp5, $4  }
0x82: {  	s14 =	sadd.s32 s5, s14;
	s29 =	sshll.u32 s15, $0x11  }
0x83: {  	s15 =	sshrl.u32 s15, $0x4;
	s30 =	sand.u32 $0x1C0000, s29;
	s14 =	sadd.s32 s28, s14  }
0x84: {  	s31 =	sor.u32 $0x100, s30;
	s14 =	sadd.s32 s15, s14  }
0x85: {  	[hbm4b:s14+s31] =	stream.strided.scatter [tilespmem:s17], [sflag:$0x2], $0x4000, s8, s31, $0x38;
	[tilespmem:$0x10000] =	vst v63  }
.LBB1_8:
0x86: {  	_ =	sfence.sel $0x180000  }
0x87: {  	s2 =	simm.s32 $0x1;
	[bflag:$0x0] =	sbarrier.arrive $0xFFFF  }
0x88: {  	s31 =	simm.s32 $0x2;
	[sflag:s2] =	ssyncpa.u1 $0x1  }
0x89: {  	[sflag:s31] =	ssyncpa.u1 $0x1  }
0x8a: {  	p0 =	sne.s32 s0, $0x0;
	_ =	strace $0x90000047  }
0x8b: {  	s0 =	sadd.s32 @!p0 $0x100000, s1;
	[bflag:$0x2] =	sbarrier.arrive $0xFFFF  }
0x8c: {  	[sflag:s0] =	ssyncadd.tile.s32 @!p0 $0x1;
	_ =	shalt  }
.Lfunc_end1:
_tile_overlayer_lowered:
.L_overlay_start_2:
0x8d: {  	(tag) =	ssettag $0x2  }
0x8e: {  	s0 =	rddreg [dreg:$0x0];
	s2 =	stileid.u32  }
0x8f: {  	s1 =	rddreg [dreg:$0x1];
	p0 =	sne.s32 s2, $0x0  }
0x90: {  	s3 =	rddreg [dreg:$0x2];
	[bflag:$0x3] =	sbarrier.arrive $0xFFFF;
	s2 =	simm.s32 @!p0 $0x1C01  }
0x91: {  	[timem:s3], [sflag:s2] =	dma.local @!p0 [hbm:s0], s1  }
0x92: {  	s0 =	simm.s32 @!p0 $0x1  }
0x93: {  	_ =	swait.ge @!p0 [sflag:s0], s1  }
0x94: {  	s1 =	ssub.s32 @!p0 $0x0, s1;
	[sflag:s0] =	ssyncset.done @!p0 $0x0  }
0x95: {  	[sflag:s0] =	ssyncadd.s32 @!p0 s1  }
0x96: {  	[bflag:$0x3] =	sbarrier.arrive $0xFFFF  }
0x97: {  	_ =	shalt  }

</sc_bundles>
